<compile_context>
chip_gen: v7x
topology: tpu7x:2x2x1
jax: 0.10.2.dev20260603
libtpu: 0.0.44.dev20260713+nightly
codegen_flags: <defaults>
</compile_context>

<pallas_src>
import functools

import jax
import jax.numpy as jnp
from jax import lax
from jax.experimental import pallas as pl
from jax.experimental.pallas import tpu as pltpu
from jax.experimental.pallas import tpu_sc as plsc

EPS = 1e-5
_NC, _NS = 2, 16
_CH = 128


def _blocks(total, blk):
    out = []
    left = total
    while left > 0:
        b = min(blk, left)
        out.append((total - left, b))
        left -= b
    return out



_KB = 8
_JUNK = 128


def _sc_degree(dst_flat, n):
    ep = dst_flat.shape[0] // 2
    ew = ep // _NS
    nchunk = ew // _CH
    nn = n + _JUNK
    mesh = plsc.VectorSubcoreMesh(core_axis_name="c", subcore_axis_name="s",
                                  num_cores=_NC, num_subcores=_NS)
    scratch = [
        pltpu.VMEM((_CH,), jnp.int32),
        pltpu.VMEM((_CH,), jnp.int32),
        pltpu.VMEM((_CH, 16), jnp.float32),
        pltpu.VMEM_SHARED((nn, 16), jnp.float32),
        pltpu.SemaphoreType.DMA,
        pltpu.SemaphoreType.DMA,
    ]
    init_ones = jnp.ones((nn, 16), jnp.float32)
    ones_rows = jnp.ones((_CH, 16), jnp.float32)

    @functools.partial(
        pl.kernel,
        out_type=jax.ShapeDtypeStruct((2, nn, 16), jnp.float32),
        mesh=mesh,
        scratch_types=scratch,
    )
    def deg_kernel(dst_hbm, init_hbm, ones_hbm, deg_out, idx_a, idx_b, ones_v,
                   acc, isem_a, isem_b):
        c = lax.axis_index("c")
        s = lax.axis_index("s")

        @pl.when(s == 0)
        def _():
            pltpu.sync_copy(init_hbm, acc)
        pltpu.sync_copy(ones_hbm, ones_v)
        plsc.subcore_barrier()

        base = c * ep + s * ew
        nb2 = nchunk // 2
        ibufs = [(idx_a, isem_a), (idx_b, isem_b)]

        pltpu.async_copy(dst_hbm.at[pl.ds(base, _CH)], idx_a, isem_a)

        def step(j, carry):
            e0 = base + j * 2 * _CH
            for k in range(2):
                iv, ism = ibufs[k]
                niv, nism = ibufs[(k + 1) % 2]
                pltpu.async_copy(
                    dst_hbm.at[pl.ds(e0 + (k + 1) * _CH, _CH)], niv, nism)
                pltpu.make_async_copy(
                    dst_hbm.at[pl.ds(e0 + k * _CH, _CH)], iv, ism).wait()
                pltpu.sync_copy(ones_v, acc.at[iv], add=True)
            return carry
        lax.fori_loop(0, nb2 - 1, step, 0)
        e0 = base + (nchunk - 2) * _CH
        pltpu.make_async_copy(dst_hbm.at[pl.ds(e0, _CH)], idx_a, isem_a).wait()
        pltpu.async_copy(dst_hbm.at[pl.ds(e0 + _CH, _CH)], idx_b, isem_b)
        pltpu.sync_copy(ones_v, acc.at[idx_a], add=True)
        pltpu.make_async_copy(
            dst_hbm.at[pl.ds(e0 + _CH, _CH)], idx_b, isem_b).wait()
        pltpu.sync_copy(ones_v, acc.at[idx_b], add=True)
        plsc.subcore_barrier()

        @pl.when(s == 0)
        def _():
            pltpu.sync_copy(acc, deg_out.at[c])

    return deg_kernel(dst_flat, init_ones, ones_rows)


def _sc_scatter(y_flat, src2d, dst_flat, zeros_nc, n):
    rows_total = src2d.shape[0] // 2
    c_dim = y_flat.shape[1]
    rpt = rows_total // _NS
    nb = rpt // _KB
    ep = rows_total * _CH
    ew = rpt * _CH
    nn = n + _JUNK
    mesh = plsc.VectorSubcoreMesh(core_axis_name="c", subcore_axis_name="s",
                                  num_cores=_NC, num_subcores=_NS)
    scratch = [
        pltpu.VMEM((_KB, _CH), jnp.int32),
        pltpu.VMEM((_CH,), jnp.int32),
        pltpu.VMEM((_CH,), jnp.int32),
        pltpu.VMEM((_CH, c_dim), jnp.float32),
        pltpu.VMEM((_CH, c_dim), jnp.float32),
        pltpu.VMEM_SHARED((nn, c_dim), jnp.float32),
        pltpu.SemaphoreType.DMA,
        pltpu.SemaphoreType.DMA,
        pltpu.SemaphoreType.DMA,
        pltpu.SemaphoreType.DMA,
    ]

    @functools.partial(
        pl.kernel,
        out_type=jax.ShapeDtypeStruct((2, nn, c_dim), jnp.float32),
        mesh=mesh,
        scratch_types=scratch,
    )
    def scat_kernel(y_hbm, src_hbm, dst_hbm, zeros_hbm, s_out,
                    idx_s, idx_wa, idx_wb, rows_a, rows_b, acc,
                    sem_a, sem_b, isem_a, isem_b):
        c = lax.axis_index("c")
        s = lax.axis_index("s")

        @pl.when(s == 0)
        def _():
            pltpu.sync_copy(zeros_hbm, acc)
        plsc.subcore_barrier()

        base_row = c * rows_total + s * rpt
        bufs = [(rows_a, sem_a), (rows_b, sem_b)]
        base_e = c * ep + s * ew
        ibufs = [(idx_wa, isem_a), (idx_wb, isem_b)]

        def block(j, carry):
            r0 = base_row + j * _KB
            e0 = base_e + j * _KB * _CH
            pltpu.sync_copy(src_hbm.at[pl.ds(r0, _KB)], idx_s)
            pltpu.async_copy(y_hbm.at[idx_s.at[0]], rows_a, sem_a)
            pltpu.async_copy(dst_hbm.at[pl.ds(e0, _CH)], idx_wa, isem_a)
            for k in range(_KB):
                rv, sm = bufs[k % 2]
                iv, ism = ibufs[k % 2]
                if k + 1 < _KB:
                    nrv, nsm = bufs[(k + 1) % 2]
                    niv, nism = ibufs[(k + 1) % 2]
                    pltpu.async_copy(y_hbm.at[idx_s.at[k + 1]], nrv, nsm)
                    pltpu.async_copy(
                        dst_hbm.at[pl.ds(e0 + (k + 1) * _CH, _CH)], niv, nism)
                pltpu.make_async_copy(
                    dst_hbm.at[pl.ds(e0 + k * _CH, _CH)], iv, ism).wait()
                pltpu.make_async_copy(y_hbm.at[idx_s.at[k]], rv, sm).wait()
                pltpu.sync_copy(rv, acc.at[iv], add=True)
            return carry
        lax.fori_loop(0, nb, block, 0)
        plsc.subcore_barrier()

        @pl.when(s == 0)
        def _():
            pltpu.sync_copy(acc, s_out.at[c])

    return scat_kernel(y_flat, src2d, dst_flat, zeros_nc)



_BS = 1000


def _tc_pre(x_all, w_all, deg2d):
    two, n, cin = x_all.shape
    chid = w_all.shape[2]
    nb = n // _BS

    def body(x_ref, w_ref, d_ref, y_ref):
        dinv = lax.rsqrt(d_ref[0, :, 0:1])
        xw = jnp.dot(x_ref[0], w_ref[0], preferred_element_type=jnp.float32)
        y_ref[0] = dinv * xw

    return pl.pallas_call(
        body,
        grid=(two, nb),
        in_specs=[
            pl.BlockSpec((1, _BS, cin), lambda c, i: (c, i, 0)),
            pl.BlockSpec((1, cin, chid), lambda c, i: (c, 0, 0)),
            pl.BlockSpec((1, _BS, 16), lambda c, i: (c, i, 0)),
        ],
        out_specs=pl.BlockSpec((1, _BS, chid), lambda c, i: (c, i, 0)),
        out_shape=jax.ShapeDtypeStruct((two, n, chid), jnp.float32),
    )(x_all, w_all, deg2d)


def _tc_stats(s_all, y_all, deg2d, b_all):
    two, n, c_dim = y_all.shape
    nb = n // _BS

    def body(s_ref, y_ref, d_ref, b_ref, o_ref):
        i = pl.program_id(1)

        @pl.when(i == 0)
        def _():
            o_ref[...] = jnp.zeros_like(o_ref)

        dinv = lax.rsqrt(d_ref[0, :, 0:1])
        pre = dinv * (s_ref[0] + y_ref[0]) + b_ref[0]
        o_ref[0, 0:1, :] += jnp.sum(pre, axis=0, keepdims=True)
        o_ref[0, 1:2, :] += jnp.sum(pre * pre, axis=0, keepdims=True)

    return pl.pallas_call(
        body,
        grid=(two, nb),
        in_specs=[
            pl.BlockSpec((1, _BS, c_dim), lambda c, i: (c, i, 0)),
            pl.BlockSpec((1, _BS, c_dim), lambda c, i: (c, i, 0)),
            pl.BlockSpec((1, _BS, 16), lambda c, i: (c, i, 0)),
            pl.BlockSpec((1, 1, c_dim), lambda c, i: (c, 0, 0)),
        ],
        out_specs=pl.BlockSpec((1, 8, c_dim), lambda c, i: (c, 0, 0)),
        out_shape=jax.ShapeDtypeStruct((two, 8, c_dim), jnp.float32),
    )(s_all, y_all, deg2d, b_all)


def _gn_apply(pre, st_ref, gw_ref, gb_ref, gm_ref, n):
    s1 = st_ref[0, 0:1, :]
    s2 = st_ref[0, 1:2, :]
    mean = s1 * (1.0 / n)
    ms = gm_ref[0]
    var = s2 * (1.0 / n) - (2.0 - ms) * ms * mean * mean
    ctr = pre - ms * mean
    return ctr * lax.rsqrt(var + EPS) * gw_ref[0] + gb_ref[0]


def _tc_apply1(s_all, y_all, deg2d, stats, b_all, gnw, gnb, gnms, w2_all):
    two, n, c_dim = y_all.shape
    chid = w2_all.shape[2]
    nb = n // _BS

    def body(s_ref, y_ref, d_ref, st_ref, b_ref, gw_ref, gb_ref, gm_ref, w_ref,
             h1_ref, y2_ref):
        dinv = lax.rsqrt(d_ref[0, :, 0:1])
        pre = dinv * (s_ref[0] + y_ref[0]) + b_ref[0]
        h1 = jnp.maximum(_gn_apply(pre, st_ref, gw_ref, gb_ref, gm_ref, n), 0.0)
        h1_ref[0] = h1
        y2_ref[0] = dinv * jnp.dot(h1, w_ref[0], preferred_element_type=jnp.float32)

    return pl.pallas_call(
        body,
        grid=(two, nb),
        in_specs=[
            pl.BlockSpec((1, _BS, c_dim), lambda c, i: (c, i, 0)),
            pl.BlockSpec((1, _BS, c_dim), lambda c, i: (c, i, 0)),
            pl.BlockSpec((1, _BS, 16), lambda c, i: (c, i, 0)),
            pl.BlockSpec((1, 8, c_dim), lambda c, i: (c, 0, 0)),
            pl.BlockSpec((1, 1, c_dim), lambda c, i: (c, 0, 0)),
            pl.BlockSpec((1, 1, c_dim), lambda c, i: (c, 0, 0)),
            pl.BlockSpec((1, 1, c_dim), lambda c, i: (c, 0, 0)),
            pl.BlockSpec((1, 1, c_dim), lambda c, i: (c, 0, 0)),
            pl.BlockSpec((1, c_dim, chid), lambda c, i: (c, 0, 0)),
        ],
        out_specs=[
            pl.BlockSpec((1, _BS, c_dim), lambda c, i: (c, i, 0)),
            pl.BlockSpec((1, _BS, chid), lambda c, i: (c, i, 0)),
        ],
        out_shape=[
            jax.ShapeDtypeStruct((two, n, c_dim), jnp.float32),
            jax.ShapeDtypeStruct((two, n, chid), jnp.float32),
        ],
    )(s_all, y_all, deg2d, stats, b_all, gnw, gnb, gnms, w2_all)


def _tc_apply2(s_all, y2_all, deg2d, stats, b_all, gnw, gnb, gnms, h1_all):
    two, n, c_dim = y2_all.shape
    nb = n // _BS

    def body(s_ref, y_ref, d_ref, st_ref, b_ref, gw_ref, gb_ref, gm_ref, h1_ref,
             o_ref):
        i = pl.program_id(1)
        dinv = lax.rsqrt(d_ref[0, :, 0:1])
        pre = dinv * (s_ref[0] + y_ref[0]) + b_ref[0]
        g = _gn_apply(pre, st_ref, gw_ref, gb_ref, gm_ref, n)
        h2 = jnp.maximum(g + h1_ref[0], 0.0)

        @pl.when(i == 0)
        def _():
            o_ref[...] = jnp.zeros_like(o_ref)

        o_ref[0, 0:1, :] += jnp.sum(h2, axis=0, keepdims=True)
        o_ref[0, 1:2, :] = jnp.maximum(o_ref[0, 1:2, :],
                                       jnp.max(h2, axis=0, keepdims=True))

    return pl.pallas_call(
        body,
        grid=(two, nb),
        in_specs=[
            pl.BlockSpec((1, _BS, c_dim), lambda c, i: (c, i, 0)),
            pl.BlockSpec((1, _BS, c_dim), lambda c, i: (c, i, 0)),
            pl.BlockSpec((1, _BS, 16), lambda c, i: (c, i, 0)),
            pl.BlockSpec((1, 8, c_dim), lambda c, i: (c, 0, 0)),
            pl.BlockSpec((1, 1, c_dim), lambda c, i: (c, 0, 0)),
            pl.BlockSpec((1, 1, c_dim), lambda c, i: (c, 0, 0)),
            pl.BlockSpec((1, 1, c_dim), lambda c, i: (c, 0, 0)),
            pl.BlockSpec((1, 1, c_dim), lambda c, i: (c, 0, 0)),
            pl.BlockSpec((1, _BS, c_dim), lambda c, i: (c, i, 0)),
        ],
        out_specs=pl.BlockSpec((1, 8, c_dim), lambda c, i: (c, 0, 0)),
        out_shape=jax.ShapeDtypeStruct((two, 8, c_dim), jnp.float32),
    )(s_all, y2_all, deg2d, stats, b_all, gnw, gnb, gnms, h1_all)


def _tc_heads(pool, n, w1_all, b1_all, lnw_all, lnb_all, w2_all, b2_all,
              att_w, att_b):
    c_out = w2_all.shape[2]

    def body(pool_ref, w1_ref, b1_ref, lnw_ref, lnb_ref, w2_ref, b2_ref,
             aw_ref, ab_ref, po_ref, go_ref, awo_ref, comb_ref):
        outs = []
        for r in range(2):
            f = jnp.concatenate(
                [pool_ref[r, 0:1, :] * (1.0 / n), pool_ref[r, 1:2, :]], axis=1)
            h = jnp.dot(f, w1_ref[r], preferred_element_type=jnp.float32) + b1_ref[r]
            m = jnp.mean(h, axis=-1, keepdims=True)
            v = jnp.mean((h - m) * (h - m), axis=-1, keepdims=True)
            h = (h - m) / jnp.sqrt(v + EPS) * lnw_ref[r] + lnb_ref[r]
            h = jnp.maximum(h, 0.0)
            outs.append(jnp.dot(h, w2_ref[r], preferred_element_type=jnp.float32)
                        + b2_ref[r])
        po, go = outs
        comb = jnp.concatenate([po, go], axis=1)
        logits = jnp.dot(comb, aw_ref[...], preferred_element_type=jnp.float32) \
            + ab_ref[...]
        emax = jnp.max(logits, axis=1, keepdims=True)
        ex = jnp.exp(logits - emax)
        aw = ex / jnp.sum(ex, axis=1, keepdims=True)
        po_ref[...] = po
        go_ref[...] = go
        awo_ref[...] = aw
        comb_ref[...] = aw[:, 0:1] * po + aw[:, 1:2] * go

    return pl.pallas_call(
        body,
        out_shape=[
            jax.ShapeDtypeStruct((1, c_out), jnp.float32),
            jax.ShapeDtypeStruct((1, c_out), jnp.float32),
            jax.ShapeDtypeStruct((1, 2), jnp.float32),
            jax.ShapeDtypeStruct((1, c_out), jnp.float32),
        ],
    )(pool, w1_all, b1_all, lnw_all, lnb_all, w2_all, b2_all, att_w, att_b)



def kernel(x_protein, x_gene, ei_protein, ei_gene, params):
    p = params
    n, cin = x_protein.shape

    x_all = jnp.stack([x_protein, x_gene])
    w1_all = jnp.stack([p['W1p'], p['W1g']])
    w2_all = jnp.stack([p['W2p'], p['W2g']])
    b1_all = jnp.stack([p['b1p'], p['b1g']])[:, None, :]
    b2_all = jnp.stack([p['b2p'], p['b2g']])[:, None, :]
    gn1w = jnp.stack([p['gn1p_w'], p['gn1g_w']])[:, None, :]
    gn1b = jnp.stack([p['gn1p_b'], p['gn1g_b']])[:, None, :]
    gn1m = jnp.stack([p['gn1p_ms'], p['gn1g_ms']])[:, None, :]
    gn2w = jnp.stack([p['gn2p_w'], p['gn2g_w']])[:, None, :]
    gn2b = jnp.stack([p['gn2p_b'], p['gn2g_b']])[:, None, :]
    gn2m = jnp.stack([p['gn2p_ms'], p['gn2g_ms']])[:, None, :]
    hw1 = jnp.stack([p['hp_W1'], p['hg_W1']])
    hb1 = jnp.stack([p['hp_b1'], p['hg_b1']])[:, None, :]
    hlnw = jnp.stack([p['hp_lnw'], p['hg_lnw']])[:, None, :]
    hlnb = jnp.stack([p['hp_lnb'], p['hg_lnb']])[:, None, :]
    hw2 = jnp.stack([p['hp_W2'], p['hg_W2']])
    hb2 = jnp.stack([p['hp_b2'], p['hg_b2']])[:, None, :]
    att_w = p['att_W']
    att_b = p['att_b'][None, :]

    e = ei_protein.shape[1]
    align = _NS * _CH * 8
    ep = -(-e // align) * align
    pad = ep - e
    pad_dst = n + (jnp.arange(pad, dtype=jnp.int32) % _JUNK)
    pad_src = jnp.arange(pad, dtype=jnp.int32) % n
    dst_all = jnp.concatenate([ei_protein[1], pad_dst, ei_gene[1], pad_dst])
    src_all = jnp.concatenate(
        [ei_protein[0], pad_src, ei_gene[0] + n, pad_src]).reshape(-1, _CH)

    zeros_nc = jnp.zeros((n + _JUNK, cin), jnp.float32)

    deg2d = _sc_degree(dst_all, n)
    y1 = _tc_pre(x_all, w1_all, deg2d)
    s1 = _sc_scatter(y1.reshape(2 * n, -1), src_all, dst_all, zeros_nc, n)
    st1 = _tc_stats(s1, y1, deg2d, b1_all)
    h1, y2 = _tc_apply1(s1, y1, deg2d, st1, b1_all, gn1w, gn1b, gn1m, w2_all)
    s2 = _sc_scatter(y2.reshape(2 * n, -1), src_all, dst_all, zeros_nc, n)
    st2 = _tc_stats(s2, y2, deg2d, b2_all)
    pool = _tc_apply2(s2, y2, deg2d, st2, b2_all, gn2w, gn2b, gn2m, h1)
    po, go, aw, comb = _tc_heads(pool, n, hw1, hb1, hlnw, hlnb, hw2, hb2,
                                 att_w, att_b)
    return po, go, aw, comb

# --- scband reference (transcript-rebuilt; emitter-appended) ---
"""Pipeline reference for scband-hetero-gcn-67585605370475 (READ-ONLY COPY).

The authoritative reference and input builder live on the scoring server;
editing this copy changes nothing except your own understanding.
"""

import jax, jax.numpy as jnp
import numpy as np

N = 10000
E = 320000
C_IN = 128
C_HID = 128
C_OUT = 64
EPS = 1e-5


def _init_params(key):
    ks = jax.random.split(key, 10)
    def lin(k, i, o):
        return (jax.random.normal(k, (i, o), jnp.float32) / np.sqrt(i)).astype(jnp.float32)
    p = {}
    p['W1p'] = lin(ks[0], C_IN, C_HID); p['b1p'] = jnp.zeros((C_HID,), jnp.float32)
    p['W1g'] = lin(ks[1], C_IN, C_HID); p['b1g'] = jnp.zeros((C_HID,), jnp.float32)
    p['W2p'] = lin(ks[2], C_HID, C_HID); p['b2p'] = jnp.zeros((C_HID,), jnp.float32)
    p['W2g'] = lin(ks[3], C_HID, C_HID); p['b2g'] = jnp.zeros((C_HID,), jnp.float32)
    for name in ['gn1p', 'gn1g', 'gn2p', 'gn2g']:
        p[name + '_w'] = jnp.ones((C_HID,), jnp.float32)
        p[name + '_b'] = jnp.zeros((C_HID,), jnp.float32)
        p[name + '_ms'] = jnp.ones((C_HID,), jnp.float32)
    p['hp_W1'] = lin(ks[4], 2 * C_HID, C_HID); p['hp_b1'] = jnp.zeros((C_HID,), jnp.float32)
    p['hp_lnw'] = jnp.ones((C_HID,), jnp.float32); p['hp_lnb'] = jnp.zeros((C_HID,), jnp.float32)
    p['hp_W2'] = lin(ks[5], C_HID, C_OUT); p['hp_b2'] = jnp.zeros((C_OUT,), jnp.float32)
    p['hg_W1'] = lin(ks[6], 2 * C_HID, C_HID); p['hg_b1'] = jnp.zeros((C_HID,), jnp.float32)
    p['hg_lnw'] = jnp.ones((C_HID,), jnp.float32); p['hg_lnb'] = jnp.zeros((C_HID,), jnp.float32)
    p['hg_W2'] = lin(ks[7], C_HID, C_OUT); p['hg_b2'] = jnp.zeros((C_OUT,), jnp.float32)
    p['att_W'] = lin(ks[8], 2 * C_OUT, 2); p['att_b'] = jnp.zeros((2,), jnp.float32)
    return p


def setup_inputs(seed: int = 0):
    key = jax.random.key(seed)
    k1, k2, k3, k4, k5 = jax.random.split(key, 5)
    return {
        'x_protein': jax.random.normal(k1, (N, C_IN), jnp.float32),
        'x_gene': jax.random.normal(k2, (N, C_IN), jnp.float32),
        'ei_protein': jax.random.randint(k3, (2, E), 0, N, dtype=jnp.int32),
        'ei_gene': jax.random.randint(k4, (2, E), 0, N, dtype=jnp.int32),
        'params': _init_params(k5),
    }


def gcn_conv(x, ei, W, b):
    # PyG GCNConv with add_self_loops=True, symmetric normalization, bias.
    n = x.shape[0]
    loop = jnp.arange(n, dtype=ei.dtype)
    src = jnp.concatenate([ei[0], loop])
    dst = jnp.concatenate([ei[1], loop])
    xw = x @ W
    deg = jnp.zeros((n,), x.dtype).at[dst].add(1.0)
    dinv = jnp.where(deg > 0, jax.lax.rsqrt(deg), 0.0)
    norm = dinv[src] * dinv[dst]
    out = jnp.zeros_like(xw).at[dst].add(xw[src] * norm[:, None])
    return out + b


def graph_norm(x, w, b, ms):
    # GraphNorm; batch is all-zeros (single graph) per forward's default, so
    # per-graph statistics reduce to global statistics over nodes.
    mean = jnp.mean(x, axis=0, keepdims=True)
    out = x - ms * mean
    var = jnp.mean(out * out, axis=0, keepdims=True)
    return out / jnp.sqrt(var + EPS) * w + b


def layer_norm(x, w, b):
    m = jnp.mean(x, axis=-1, keepdims=True)
    v = jnp.var(x, axis=-1, keepdims=True)
    return (x - m) / jnp.sqrt(v + EPS) * w + b


def head(x, W1, b1, lnw, lnb, W2, b2):
    h = x @ W1 + b1
    h = layer_norm(h, lnw, lnb)
    h = jax.nn.relu(h)
    return h @ W2 + b2


def _forward(x_p, x_g, ei_p, ei_g, p):
    h1p = gcn_conv(x_p, ei_p, p['W1p'], p['b1p'])
    h1g = gcn_conv(x_g, ei_g, p['W1g'], p['b1g'])
    h1p = jax.nn.relu(graph_norm(h1p, p['gn1p_w'], p['gn1p_b'], p['gn1p_ms']))
    h1g = jax.nn.relu(graph_norm(h1g, p['gn1g_w'], p['gn1g_b'], p['gn1g_ms']))
    # dropout is identity in eval mode
    h2p = gcn_conv(h1p, ei_p, p['W2p'], p['b2p'])
    h2g = gcn_conv(h1g, ei_g, p['W2g'], p['b2g'])
    h2p = graph_norm(h2p, p['gn2p_w'], p['gn2p_b'], p['gn2p_ms']) + h1p
    h2g = graph_norm(h2g, p['gn2g_w'], p['gn2g_b'], p['gn2g_ms']) + h1g
    h2p = jax.nn.relu(h2p)
    h2g = jax.nn.relu(h2g)
    pf = jnp.concatenate([jnp.mean(h2p, axis=0, keepdims=True), jnp.max(h2p, axis=0, keepdims=True)], axis=1)
    gf = jnp.concatenate([jnp.mean(h2g, axis=0, keepdims=True), jnp.max(h2g, axis=0, keepdims=True)], axis=1)
    po = head(pf, p['hp_W1'], p['hp_b1'], p['hp_lnw'], p['hp_lnb'], p['hp_W2'], p['hp_b2'])
    go = head(gf, p['hg_W1'], p['hg_b1'], p['hg_lnw'], p['hg_lnb'], p['hg_W2'], p['hg_b2'])
    comb = jnp.concatenate([po, go], axis=1)
    aw = jax.nn.softmax(comb @ p['att_W'] + p['att_b'], axis=1)
    combined_out = aw[:, 0:1] * po + aw[:, 1:2] * go
    return po, go, aw, combined_out


def reference(x_protein, x_gene, ei_protein, ei_gene, params):
    return _forward(x_protein, x_gene, ei_protein, ei_gene, params)

if __name__ == "__main__":
    import jax
    _d = setup_inputs()
    print(jax.jit(kernel)(*tuple(_d.values())))

</pallas_src>

<mosaic_0001>
#map = affine_map<(d0, d1) -> (0, 0)>
#map1 = affine_map<(d0, d1) -> (0)>
#map2 = affine_map<(d0, d1) -> (0, 0, 0)>
module attributes {stable_mosaic.version = 14 : i64} {
  func.func @scat_kernel(%arg0: i32, %arg1: i32, %arg2: memref<20000x128xf32, #tpu.memory_space<hbm>>, %arg3: memref<5120x128xi32, #tpu.memory_space<hbm>>, %arg4: memref<655360xi32, #tpu.memory_space<hbm>>, %arg5: memref<10128x128xf32, #tpu.memory_space<hbm>>, %arg6: memref<2x10128x128xf32, #tpu.memory_space<hbm>>, %arg7: memref<8x128xi32, #tpu.memory_space<vmem>>, %arg8: memref<128xi32, #tpu.memory_space<vmem>>, %arg9: memref<128xi32, #tpu.memory_space<vmem>>, %arg10: memref<128x128xf32, #tpu.memory_space<vmem>>, %arg11: memref<128x128xf32, #tpu.memory_space<vmem>>, %arg12: memref<10128x128xf32, #tpu.memory_space<vmem_shared>>, %arg13: memref<!tpu.dma_semaphore, #tpu.memory_space<semaphore_mem>>, %arg14: memref<!tpu.dma_semaphore, #tpu.memory_space<semaphore_mem>>, %arg15: memref<!tpu.dma_semaphore, #tpu.memory_space<semaphore_mem>>, %arg16: memref<!tpu.dma_semaphore, #tpu.memory_space<semaphore_mem>>) attributes {dimension_semantics = [#tpu.dimension_semantics<core_parallel>, #tpu.dimension_semantics<subcore_parallel>], iteration_bounds = array<i64: 2, 16>, scalar_prefetch = 0 : i64, scratch_operands = 10 : i64, tpu.core_type = #tpu.core_type<sc_vector_subcore>, window_params = [{transform_indices = #map}, {transform_indices = #map}, {transform_indices = #map1}, {transform_indices = #map}, {transform_indices = #map2}]} {
    %eq3A = arith.constant 0 : i32
    %eq3A_0 = arith.cmpi eq, %arg1, %eq3A : i32
    %convert_element_type3A = arith.extui %eq3A_0 : i1 to i32
    %cond3A = arith.constant 0 : i32
    %cond3A_1 = arith.cmpi ne, %convert_element_type3A, %cond3A : i32
    scf.if %cond3A_1 {
      "tpu.region"() ({
        %run_scoped3A = tpu.sem_alloc : memref<!tpu.dma_semaphore, #tpu.memory_space<semaphore_mem>>
        tpu.enqueue_dma source(%arg5 : memref<10128x128xf32, #tpu.memory_space<hbm>>) target(%arg12 : memref<10128x128xf32, #tpu.memory_space<vmem_shared>>) target_semaphore(%run_scoped3A : memref<!tpu.dma_semaphore, #tpu.memory_space<semaphore_mem>>)
        tpu.wait_dma2 semaphore(%run_scoped3A : memref<!tpu.dma_semaphore, #tpu.memory_space<semaphore_mem>>) src(%arg5 : memref<10128x128xf32, #tpu.memory_space<hbm>>) dst(%arg12 : memref<10128x128xf32, #tpu.memory_space<vmem_shared>>)
        tpu.yield
      }) : () -> ()
    } else {
    }
    %barrier3A = arith.constant 0 : index
    tpu.barrier barrier_id(%barrier3A)
    %mul3A = arith.constant 2560 : i32
    %mul3A_2 = arith.muli %arg0, %mul3A : i32
    %mul3A_3 = arith.constant 160 : i32
    %mul3A_4 = arith.muli %arg1, %mul3A_3 : i32
    %add3A = arith.addi %mul3A_2, %mul3A_4 : i32
    %mul3A_5 = arith.constant 327680 : i32
    %mul3A_6 = arith.muli %arg0, %mul3A_5 : i32
    %mul3A_7 = arith.constant 20480 : i32
    %mul3A_8 = arith.muli %arg1, %mul3A_7 : i32
    %add3A_9 = arith.addi %mul3A_6, %mul3A_8 : i32
    %scan3A = arith.constant 0 : i32
    %scan3A_10 = arith.constant 0 : i32
    %scan3A_11 = arith.constant 20 : i32
    %scan3A_12 = arith.addi %scan3A_10, %scan3A_11 : i32
    %scan3A_13 = arith.constant 1 : i32
    scf.for %scan3A_21 = %scan3A_10 to %scan3A_12 step %scan3A_13  : i32 {
      %mul3A_22 = arith.constant 8 : i32
      %mul3A_23 = arith.muli %scan3A_21, %mul3A_22 : i32
      %add3A_24 = arith.addi %add3A, %mul3A_23 : i32
      %mul3A_25 = arith.constant 8 : i32
      %mul3A_26 = arith.muli %scan3A_21, %mul3A_25 : i32
      %mul3A_27 = arith.constant 128 : i32
      %mul3A_28 = arith.muli %mul3A_26, %mul3A_27 : i32
      %add3A_29 = arith.addi %add3A_9, %mul3A_28 : i32
      "tpu.region"() ({
        %run_scoped3A = tpu.sem_alloc : memref<!tpu.dma_semaphore, #tpu.memory_space<semaphore_mem>>
        %dma_start3A_202 = arith.constant 0 : i32
        %dma_start3A_203 = tpu.memref_slice %arg3[%add3A_24, %dma_start3A_202] : memref<5120x128xi32, #tpu.memory_space<hbm>> -> memref<8x128xi32, #tpu.memory_space<hbm>>
        %dma_start3A_204 = arith.constant 0 : i32
        %dma_start3A_205 = tpu.memref_slice %arg3[%add3A_24, %dma_start3A_204] : memref<5120x128xi32, #tpu.memory_space<hbm>> -> memref<8x128xi32, #tpu.memory_space<hbm>>
        tpu.enqueue_dma source(%dma_start3A_205 : memref<8x128xi32, #tpu.memory_space<hbm>>) target(%arg7 : memref<8x128xi32, #tpu.memory_space<vmem>>) target_semaphore(%run_scoped3A : memref<!tpu.dma_semaphore, #tpu.memory_space<semaphore_mem>>)
        %dma_wait3A_206 = arith.constant 0 : i32
        %dma_wait3A_207 = tpu.memref_slice %arg3[%add3A_24, %dma_wait3A_206] : memref<5120x128xi32, #tpu.memory_space<hbm>> -> memref<8x128xi32, #tpu.memory_space<hbm>>
        %dma_wait3A_208 = arith.constant 0 : i32
        %dma_wait3A_209 = tpu.memref_slice %arg3[%add3A_24, %dma_wait3A_208] : memref<5120x128xi32, #tpu.memory_space<hbm>> -> memref<8x128xi32, #tpu.memory_space<hbm>>
        tpu.wait_dma2 semaphore(%run_scoped3A : memref<!tpu.dma_semaphore, #tpu.memory_space<semaphore_mem>>) src(%dma_wait3A_209 : memref<8x128xi32, #tpu.memory_space<hbm>>) dst(%arg7 : memref<8x128xi32, #tpu.memory_space<vmem>>)
        tpu.yield
      }) : () -> ()
      %dma_start3A = arith.constant 0 : i32
      %dma_start3A_30 = arith.constant 0 : i32
      %dma_start3A_31 = tpu.memref_slice %arg7[%dma_start3A, %dma_start3A_30] : memref<8x128xi32, #tpu.memory_space<vmem>> -> memref<1x128xi32, #tpu.memory_space<vmem>>
      %dma_start3A_32 = tpu.memref_squeeze %dma_start3A_31 : memref<1x128xi32, #tpu.memory_space<vmem>> -> memref<128xi32, #tpu.memory_space<vmem>>
      %dma_start3A_33 = arith.constant 0 : i32
      %dma_start3A_34 = arith.constant 0 : i32
      %dma_start3A_35 = tpu.memref_slice %arg2[%dma_start3A_33, %dma_start3A_34] : memref<20000x128xf32, #tpu.memory_space<hbm>> -> memref<20000x128xf32, #tpu.memory_space<hbm>>
      tpu.enqueue_indirect_dma source(%dma_start3A_35 : memref<20000x128xf32, #tpu.memory_space<hbm>>) target(%arg10 : memref<128x128xf32, #tpu.memory_space<vmem>>) offsets(%dma_start3A_32 : memref<128xi32, #tpu.memory_space<vmem>>) semaphore(%arg13 : memref<!tpu.dma_semaphore, #tpu.memory_space<semaphore_mem>>)
      %dma_start3A_36 = tpu.memref_slice %arg4[%add3A_29] : memref<655360xi32, #tpu.memory_space<hbm>> -> memref<128xi32, #tpu.memory_space<hbm>>
      %dma_start3A_37 = tpu.memref_slice %arg4[%add3A_29] : memref<655360xi32, #tpu.memory_space<hbm>> -> memref<128xi32, #tpu.memory_space<hbm>>
      tpu.enqueue_dma source(%dma_start3A_37 : memref<128xi32, #tpu.memory_space<hbm>>) target(%arg8 : memref<128xi32, #tpu.memory_space<vmem>>) target_semaphore(%arg15 : memref<!tpu.dma_semaphore, #tpu.memory_space<semaphore_mem>>)
      %dma_start3A_38 = arith.constant 1 : i32
      %dma_start3A_39 = arith.constant 0 : i32
      %dma_start3A_40 = tpu.memref_slice %arg7[%dma_start3A_38, %dma_start3A_39] : memref<8x128xi32, #tpu.memory_space<vmem>> -> memref<1x128xi32, #tpu.memory_space<vmem>>
      %dma_start3A_41 = tpu.memref_squeeze %dma_start3A_40 : memref<1x128xi32, #tpu.memory_space<vmem>> -> memref<128xi32, #tpu.memory_space<vmem>>
      %dma_start3A_42 = arith.constant 0 : i32
      %dma_start3A_43 = arith.constant 0 : i32
      %dma_start3A_44 = tpu.memref_slice %arg2[%dma_start3A_42, %dma_start3A_43] : memref<20000x128xf32, #tpu.memory_space<hbm>> -> memref<20000x128xf32, #tpu.memory_space<hbm>>
      tpu.enqueue_indirect_dma source(%dma_start3A_44 : memref<20000x128xf32, #tpu.memory_space<hbm>>) target(%arg11 : memref<128x128xf32, #tpu.memory_space<vmem>>) offsets(%dma_start3A_41 : memref<128xi32, #tpu.memory_space<vmem>>) semaphore(%arg14 : memref<!tpu.dma_semaphore, #tpu.memory_space<semaphore_mem>>)
      %add3A_45 = arith.constant 128 : i32
      %add3A_46 = arith.addi %add3A_29, %add3A_45 : i32
      %dma_start3A_47 = tpu.memref_slice %arg4[%add3A_46] : memref<655360xi32, #tpu.memory_space<hbm>> -> memref<128xi32, #tpu.memory_space<hbm>>
      %dma_start3A_48 = tpu.memref_slice %arg4[%add3A_46] : memref<655360xi32, #tpu.memory_space<hbm>> -> memref<128xi32, #tpu.memory_space<hbm>>
      tpu.enqueue_dma source(%dma_start3A_48 : memref<128xi32, #tpu.memory_space<hbm>>) target(%arg9 : memref<128xi32, #tpu.memory_space<vmem>>) target_semaphore(%arg16 : memref<!tpu.dma_semaphore, #tpu.memory_space<semaphore_mem>>)
      %add3A_49 = arith.constant 0 : i32
      %add3A_50 = arith.addi %add3A_29, %add3A_49 : i32
      %dma_wait3A = tpu.memref_slice %arg4[%add3A_50] : memref<655360xi32, #tpu.memory_space<hbm>> -> memref<128xi32, #tpu.memory_space<hbm>>
      %dma_wait3A_51 = tpu.memref_slice %arg4[%add3A_50] : memref<655360xi32, #tpu.memory_space<hbm>> -> memref<128xi32, #tpu.memory_space<hbm>>
      tpu.wait_dma2 semaphore(%arg15 : memref<!tpu.dma_semaphore, #tpu.memory_space<semaphore_mem>>) src(%dma_wait3A_51 : memref<128xi32, #tpu.memory_space<hbm>>) dst(%arg8 : memref<128xi32, #tpu.memory_space<vmem>>)
      %dma_wait3A_52 = arith.constant 0 : i32
      %dma_wait3A_53 = arith.constant 0 : i32
      %dma_wait3A_54 = tpu.memref_slice %arg7[%dma_wait3A_52, %dma_wait3A_53] : memref<8x128xi32, #tpu.memory_space<vmem>> -> memref<1x128xi32, #tpu.memory_space<vmem>>
      %dma_wait3A_55 = tpu.memref_squeeze %dma_wait3A_54 : memref<1x128xi32, #tpu.memory_space<vmem>> -> memref<128xi32, #tpu.memory_space<vmem>>
      %dma_wait3A_56 = arith.constant 0 : i32
      %dma_wait3A_57 = arith.constant 0 : i32
      %dma_wait3A_58 = tpu.memref_slice %arg2[%dma_wait3A_56, %dma_wait3A_57] : memref<20000x128xf32, #tpu.memory_space<hbm>> -> memref<20000x128xf32, #tpu.memory_space<hbm>>
      tpu.wait_indirect_dma semaphore(%arg13 : memref<!tpu.dma_semaphore, #tpu.memory_space<semaphore_mem>>) src(%dma_wait3A_58 : memref<20000x128xf32, #tpu.memory_space<hbm>>) dst(%arg10 : memref<128x128xf32, #tpu.memory_space<vmem>>)
      "tpu.region"() ({
        %run_scoped3A = tpu.sem_alloc : memref<!tpu.dma_semaphore, #tpu.memory_space<semaphore_mem>>
        %dma_start3A_202 = arith.constant 0 : i32
        %dma_start3A_203 = arith.constant 0 : i32
        %dma_start3A_204 = tpu.memref_slice %arg12[%dma_start3A_202, %dma_start3A_203] : memref<10128x128xf32, #tpu.memory_space<vmem_shared>> -> memref<10128x128xf32, #tpu.memory_space<vmem_shared>>
        tpu.enqueue_indirect_dma source(%arg10 : memref<128x128xf32, #tpu.memory_space<vmem>>) target(%dma_start3A_204 : memref<10128x128xf32, #tpu.memory_space<vmem_shared>>) offsets(%arg8 : memref<128xi32, #tpu.memory_space<vmem>>) semaphore(%run_scoped3A : memref<!tpu.dma_semaphore, #tpu.memory_space<semaphore_mem>>) {add = true}
        %dma_wait3A_205 = arith.constant 0 : i32
        %dma_wait3A_206 = arith.constant 0 : i32
        %dma_wait3A_207 = tpu.memref_slice %arg12[%dma_wait3A_205, %dma_wait3A_206] : memref<10128x128xf32, #tpu.memory_space<vmem_shared>> -> memref<10128x128xf32, #tpu.memory_space<vmem_shared>>
        tpu.wait_indirect_dma semaphore(%run_scoped3A : memref<!tpu.dma_semaphore, #tpu.memory_space<semaphore_mem>>) src(%arg10 : memref<128x128xf32, #tpu.memory_space<vmem>>) dst(%dma_wait3A_207 : memref<10128x128xf32, #tpu.memory_space<vmem_shared>>)
        tpu.yield
      }) : () -> ()
      %dma_start3A_59 = arith.constant 2 : i32
      %dma_start3A_60 = arith.constant 0 : i32
      %dma_start3A_61 = tpu.memref_slice %arg7[%dma_start3A_59, %dma_start3A_60] : memref<8x128xi32, #tpu.memory_space<vmem>> -> memref<1x128xi32, #tpu.memory_space<vmem>>
      %dma_start3A_62 = tpu.memref_squeeze %dma_start3A_61 : memref<1x128xi32, #tpu.memory_space<vmem>> -> memref<128xi32, #tpu.memory_space<vmem>>
      %dma_start3A_63 = arith.constant 0 : i32
      %dma_start3A_64 = arith.constant 0 : i32
      %dma_start3A_65 = tpu.memref_slice %arg2[%dma_start3A_63, %dma_start3A_64] : memref<20000x128xf32, #tpu.memory_space<hbm>> -> memref<20000x128xf32, #tpu.memory_space<hbm>>
      tpu.enqueue_indirect_dma source(%dma_start3A_65 : memref<20000x128xf32, #tpu.memory_space<hbm>>) target(%arg10 : memref<128x128xf32, #tpu.memory_space<vmem>>) offsets(%dma_start3A_62 : memref<128xi32, #tpu.memory_space<vmem>>) semaphore(%arg13 : memref<!tpu.dma_semaphore, #tpu.memory_space<semaphore_mem>>)
      %add3A_66 = arith.constant 256 : i32
      %add3A_67 = arith.addi %add3A_29, %add3A_66 : i32
      %dma_start3A_68 = tpu.memref_slice %arg4[%add3A_67] : memref<655360xi32, #tpu.memory_space<hbm>> -> memref<128xi32, #tpu.memory_space<hbm>>
      %dma_start3A_69 = tpu.memref_slice %arg4[%add3A_67] : memref<655360xi32, #tpu.memory_space<hbm>> -> memref<128xi32, #tpu.memory_space<hbm>>
      tpu.enqueue_dma source(%dma_start3A_69 : memref<128xi32, #tpu.memory_space<hbm>>) target(%arg8 : memref<128xi32, #tpu.memory_space<vmem>>) target_semaphore(%arg15 : memref<!tpu.dma_semaphore, #tpu.memory_space<semaphore_mem>>)
      %add3A_70 = arith.constant 128 : i32
      %add3A_71 = arith.addi %add3A_29, %add3A_70 : i32
      %dma_wait3A_72 = tpu.memref_slice %arg4[%add3A_71] : memref<655360xi32, #tpu.memory_space<hbm>> -> memref<128xi32, #tpu.memory_space<hbm>>
      %dma_wait3A_73 = tpu.memref_slice %arg4[%add3A_71] : memref<655360xi32, #tpu.memory_space<hbm>> -> memref<128xi32, #tpu.memory_space<hbm>>
      tpu.wait_dma2 semaphore(%arg16 : memref<!tpu.dma_semaphore, #tpu.memory_space<semaphore_mem>>) src(%dma_wait3A_73 : memref<128xi32, #tpu.memory_space<hbm>>) dst(%arg9 : memref<128xi32, #tpu.memory_space<vmem>>)
      %dma_wait3A_74 = arith.constant 1 : i32
      %dma_wait3A_75 = arith.constant 0 : i32
      %dma_wait3A_76 = tpu.memref_slice %arg7[%dma_wait3A_74, %dma_wait3A_75] : memref<8x128xi32, #tpu.memory_space<vmem>> -> memref<1x128xi32, #tpu.memory_space<vmem>>
      %dma_wait3A_77 = tpu.memref_squeeze %dma_wait3A_76 : memref<1x128xi32, #tpu.memory_space<vmem>> -> memref<128xi32, #tpu.memory_space<vmem>>
      %dma_wait3A_78 = arith.constant 0 : i32
      %dma_wait3A_79 = arith.constant 0 : i32
      %dma_wait3A_80 = tpu.memref_slice %arg2[%dma_wait3A_78, %dma_wait3A_79] : memref<20000x128xf32, #tpu.memory_space<hbm>> -> memref<20000x128xf32, #tpu.memory_space<hbm>>
      tpu.wait_indirect_dma semaphore(%arg14 : memref<!tpu.dma_semaphore, #tpu.memory_space<semaphore_mem>>) src(%dma_wait3A_80 : memref<20000x128xf32, #tpu.memory_space<hbm>>) dst(%arg11 : memref<128x128xf32, #tpu.memory_space<vmem>>)
      "tpu.region"() ({
        %run_scoped3A = tpu.sem_alloc : memref<!tpu.dma_semaphore, #tpu.memory_space<semaphore_mem>>
        %dma_start3A_202 = arith.constant 0 : i32
        %dma_start3A_203 = arith.constant 0 : i32
        %dma_start3A_204 = tpu.memref_slice %arg12[%dma_start3A_202, %dma_start3A_203] : memref<10128x128xf32, #tpu.memory_space<vmem_shared>> -> memref<10128x128xf32, #tpu.memory_space<vmem_shared>>
        tpu.enqueue_indirect_dma source(%arg11 : memref<128x128xf32, #tpu.memory_space<vmem>>) target(%dma_start3A_204 : memref<10128x128xf32, #tpu.memory_space<vmem_shared>>) offsets(%arg9 : memref<128xi32, #tpu.memory_space<vmem>>) semaphore(%run_scoped3A : memref<!tpu.dma_semaphore, #tpu.memory_space<semaphore_mem>>) {add = true}
        %dma_wait3A_205 = arith.constant 0 : i32
        %dma_wait3A_206 = arith.constant 0 : i32
        %dma_wait3A_207 = tpu.memref_slice %arg12[%dma_wait3A_205, %dma_wait3A_206] : memref<10128x128xf32, #tpu.memory_space<vmem_shared>> -> memref<10128x128xf32, #tpu.memory_space<vmem_shared>>
        tpu.wait_indirect_dma semaphore(%run_scoped3A : memref<!tpu.dma_semaphore, #tpu.memory_space<semaphore_mem>>) src(%arg11 : memref<128x128xf32, #tpu.memory_space<vmem>>) dst(%dma_wait3A_207 : memref<10128x128xf32, #tpu.memory_space<vmem_shared>>)
        tpu.yield
      }) : () -> ()
      %dma_start3A_81 = arith.constant 3 : i32
      %dma_start3A_82 = arith.constant 0 : i32
      %dma_start3A_83 = tpu.memref_slice %arg7[%dma_start3A_81, %dma_start3A_82] : memref<8x128xi32, #tpu.memory_space<vmem>> -> memref<1x128xi32, #tpu.memory_space<vmem>>
      %dma_start3A_84 = tpu.memref_squeeze %dma_start3A_83 : memref<1x128xi32, #tpu.memory_space<vmem>> -> memref<128xi32, #tpu.memory_space<vmem>>
      %dma_start3A_85 = arith.constant 0 : i32
      %dma_start3A_86 = arith.constant 0 : i32
      %dma_start3A_87 = tpu.memref_slice %arg2[%dma_start3A_85, %dma_start3A_86] : memref<20000x128xf32, #tpu.memory_space<hbm>> -> memref<20000x128xf32, #tpu.memory_space<hbm>>
      tpu.enqueue_indirect_dma source(%dma_start3A_87 : memref<20000x128xf32, #tpu.memory_space<hbm>>) target(%arg11 : memref<128x128xf32, #tpu.memory_space<vmem>>) offsets(%dma_start3A_84 : memref<128xi32, #tpu.memory_space<vmem>>) semaphore(%arg14 : memref<!tpu.dma_semaphore, #tpu.memory_space<semaphore_mem>>)
      %add3A_88 = arith.constant 384 : i32
      %add3A_89 = arith.addi %add3A_29, %add3A_88 : i32
      %dma_start3A_90 = tpu.memref_slice %arg4[%add3A_89] : memref<655360xi32, #tpu.memory_space<hbm>> -> memref<128xi32, #tpu.memory_space<hbm>>
      %dma_start3A_91 = tpu.memref_slice %arg4[%add3A_89] : memref<655360xi32, #tpu.memory_space<hbm>> -> memref<128xi32, #tpu.memory_space<hbm>>
      tpu.enqueue_dma source(%dma_start3A_91 : memref<128xi32, #tpu.memory_space<hbm>>) target(%arg9 : memref<128xi32, #tpu.memory_space<vmem>>) target_semaphore(%arg16 : memref<!tpu.dma_semaphore, #tpu.memory_space<semaphore_mem>>)
      %add3A_92 = arith.constant 256 : i32
      %add3A_93 = arith.addi %add3A_29, %add3A_92 : i32
      %dma_wait3A_94 = tpu.memref_slice %arg4[%add3A_93] : memref<655360xi32, #tpu.memory_space<hbm>> -> memref<128xi32, #tpu.memory_space<hbm>>
      %dma_wait3A_95 = tpu.memref_slice %arg4[%add3A_93] : memref<655360xi32, #tpu.memory_space<hbm>> -> memref<128xi32, #tpu.memory_space<hbm>>
      tpu.wait_dma2 semaphore(%arg15 : memref<!tpu.dma_semaphore, #tpu.memory_space<semaphore_mem>>) src(%dma_wait3A_95 : memref<128xi32, #tpu.memory_space<hbm>>) dst(%arg8 : memref<128xi32, #tpu.memory_space<vmem>>)
      %dma_wait3A_96 = arith.constant 2 : i32
      %dma_wait3A_97 = arith.constant 0 : i32
      %dma_wait3A_98 = tpu.memref_slice %arg7[%dma_wait3A_96, %dma_wait3A_97] : memref<8x128xi32, #tpu.memory_space<vmem>> -> memref<1x128xi32, #tpu.memory_space<vmem>>
      %dma_wait3A_99 = tpu.memref_squeeze %dma_wait3A_98 : memref<1x128xi32, #tpu.memory_space<vmem>> -> memref<128xi32, #tpu.memory_space<vmem>>
      %dma_wait3A_100 = arith.constant 0 : i32
      %dma_wait3A_101 = arith.constant 0 : i32
      %dma_wait3A_102 = tpu.memref_slice %arg2[%dma_wait3A_100, %dma_wait3A_101] : memref<20000x128xf32, #tpu.memory_space<hbm>> -> memref<20000x128xf32, #tpu.memory_space<hbm>>
      tpu.wait_indirect_dma semaphore(%arg13 : memref<!tpu.dma_semaphore, #tpu.memory_space<semaphore_mem>>) src(%dma_wait3A_102 : memref<20000x128xf32, #tpu.memory_space<hbm>>) dst(%arg10 : memref<128x128xf32, #tpu.memory_space<vmem>>)
      "tpu.region"() ({
        %run_scoped3A = tpu.sem_alloc : memref<!tpu.dma_semaphore, #tpu.memory_space<semaphore_mem>>
        %dma_start3A_202 = arith.constant 0 : i32
        %dma_start3A_203 = arith.constant 0 : i32
        %dma_start3A_204 = tpu.memref_slice %arg12[%dma_start3A_202, %dma_start3A_203] : memref<10128x128xf32, #tpu.memory_space<vmem_shared>> -> memref<10128x128xf32, #tpu.memory_space<vmem_shared>>
        tpu.enqueue_indirect_dma source(%arg10 : memref<128x128xf32, #tpu.memory_space<vmem>>) target(%dma_start3A_204 : memref<10128x128xf32, #tpu.memory_space<vmem_shared>>) offsets(%arg8 : memref<128xi32, #tpu.memory_space<vmem>>) semaphore(%run_scoped3A : memref<!tpu.dma_semaphore, #tpu.memory_space<semaphore_mem>>) {add = true}
        %dma_wait3A_205 = arith.constant 0 : i32
        %dma_wait3A_206 = arith.constant 0 : i32
        %dma_wait3A_207 = tpu.memref_slice %arg12[%dma_wait3A_205, %dma_wait3A_206] : memref<10128x128xf32, #tpu.memory_space<vmem_shared>> -> memref<10128x128xf32, #tpu.memory_space<vmem_shared>>
        tpu.wait_indirect_dma semaphore(%run_scoped3A : memref<!tpu.dma_semaphore, #tpu.memory_space<semaphore_mem>>) src(%arg10 : memref<128x128xf32, #tpu.memory_space<vmem>>) dst(%dma_wait3A_207 : memref<10128x128xf32, #tpu.memory_space<vmem_shared>>)
        tpu.yield
      }) : () -> ()
      %dma_start3A_103 = arith.constant 4 : i32
      %dma_start3A_104 = arith.constant 0 : i32
      %dma_start3A_105 = tpu.memref_slice %arg7[%dma_start3A_103, %dma_start3A_104] : memref<8x128xi32, #tpu.memory_space<vmem>> -> memref<1x128xi32, #tpu.memory_space<vmem>>
      %dma_start3A_106 = tpu.memref_squeeze %dma_start3A_105 : memref<1x128xi32, #tpu.memory_space<vmem>> -> memref<128xi32, #tpu.memory_space<vmem>>
      %dma_start3A_107 = arith.constant 0 : i32
      %dma_start3A_108 = arith.constant 0 : i32
      %dma_start3A_109 = tpu.memref_slice %arg2[%dma_start3A_107, %dma_start3A_108] : memref<20000x128xf32, #tpu.memory_space<hbm>> -> memref<20000x128xf32, #tpu.memory_space<hbm>>
      tpu.enqueue_indirect_dma source(%dma_start3A_109 : memref<20000x128xf32, #tpu.memory_space<hbm>>) target(%arg10 : memref<128x128xf32, #tpu.memory_space<vmem>>) offsets(%dma_start3A_106 : memref<128xi32, #tpu.memory_space<vmem>>) semaphore(%arg13 : memref<!tpu.dma_semaphore, #tpu.memory_space<semaphore_mem>>)
      %add3A_110 = arith.constant 512 : i32
      %add3A_111 = arith.addi %add3A_29, %add3A_110 : i32
      %dma_start3A_112 = tpu.memref_slice %arg4[%add3A_111] : memref<655360xi32, #tpu.memory_space<hbm>> -> memref<128xi32, #tpu.memory_space<hbm>>
      %dma_start3A_113 = tpu.memref_slice %arg4[%add3A_111] : memref<655360xi32, #tpu.memory_space<hbm>> -> memref<128xi32, #tpu.memory_space<hbm>>
      tpu.enqueue_dma source(%dma_start3A_113 : memref<128xi32, #tpu.memory_space<hbm>>) target(%arg8 : memref<128xi32, #tpu.memory_space<vmem>>) target_semaphore(%arg15 : memref<!tpu.dma_semaphore, #tpu.memory_space<semaphore_mem>>)
      %add3A_114 = arith.constant 384 : i32
      %add3A_115 = arith.addi %add3A_29, %add3A_114 : i32
      %dma_wait3A_116 = tpu.memref_slice %arg4[%add3A_115] : memref<655360xi32, #tpu.memory_space<hbm>> -> memref<128xi32, #tpu.memory_space<hbm>>
      %dma_wait3A_117 = tpu.memref_slice %arg4[%add3A_115] : memref<655360xi32, #tpu.memory_space<hbm>> -> memref<128xi32, #tpu.memory_space<hbm>>
      tpu.wait_dma2 semaphore(%arg16 : memref<!tpu.dma_semaphore, #tpu.memory_space<semaphore_mem>>) src(%dma_wait3A_117 : memref<128xi32, #tpu.memory_space<hbm>>) dst(%arg9 : memref<128xi32, #tpu.memory_space<vmem>>)
      %dma_wait3A_118 = arith.constant 3 : i32
      %dma_wait3A_119 = arith.constant 0 : i32
      %dma_wait3A_120 = tpu.memref_slice %arg7[%dma_wait3A_118, %dma_wait3A_119] : memref<8x128xi32, #tpu.memory_space<vmem>> -> memref<1x128xi32, #tpu.memory_space<vmem>>
      %dma_wait3A_121 = tpu.memref_squeeze %dma_wait3A_120 : memref<1x128xi32, #tpu.memory_space<vmem>> -> memref<128xi32, #tpu.memory_space<vmem>>
      %dma_wait3A_122 = arith.constant 0 : i32
      %dma_wait3A_123 = arith.constant 0 : i32
      %dma_wait3A_124 = tpu.memref_slice %arg2[%dma_wait3A_122, %dma_wait3A_123] : memref<20000x128xf32, #tpu.memory_space<hbm>> -> memref<20000x128xf32, #tpu.memory_space<hbm>>
      tpu.wait_indirect_dma semaphore(%arg14 : memref<!tpu.dma_semaphore, #tpu.memory_space<semaphore_mem>>) src(%dma_wait3A_124 : memref<20000x128xf32, #tpu.memory_space<hbm>>) dst(%arg11 : memref<128x128xf32, #tpu.memory_space<vmem>>)
      "tpu.region"() ({
        %run_scoped3A = tpu.sem_alloc : memref<!tpu.dma_semaphore, #tpu.memory_space<semaphore_mem>>
        %dma_start3A_202 = arith.constant 0 : i32
        %dma_start3A_203 = arith.constant 0 : i32
        %dma_start3A_204 = tpu.memref_slice %arg12[%dma_start3A_202, %dma_start3A_203] : memref<10128x128xf32, #tpu.memory_space<vmem_shared>> -> memref<10128x128xf32, #tpu.memory_space<vmem_shared>>
        tpu.enqueue_indirect_dma source(%arg11 : memref<128x128xf32, #tpu.memory_space<vmem>>) target(%dma_start3A_204 : memref<10128x128xf32, #tpu.memory_space<vmem_shared>>) offsets(%arg9 : memref<128xi32, #tpu.memory_space<vmem>>) semaphore(%run_scoped3A : memref<!tpu.dma_semaphore, #tpu.memory_space<semaphore_mem>>) {add = true}
        %dma_wait3A_205 = arith.constant 0 : i32
        %dma_wait3A_206 = arith.constant 0 : i32
        %dma_wait3A_207 = tpu.memref_slice %arg12[%dma_wait3A_205, %dma_wait3A_206] : memref<10128x128xf32, #tpu.memory_space<vmem_shared>> -> memref<10128x128xf32, #tpu.memory_space<vmem_shared>>
        tpu.wait_indirect_dma semaphore(%run_scoped3A : memref<!tpu.dma_semaphore, #tpu.memory_space<semaphore_mem>>) src(%arg11 : memref<128x128xf32, #tpu.memory_space<vmem>>) dst(%dma_wait3A_207 : memref<10128x128xf32, #tpu.memory_space<vmem_shared>>)
        tpu.yield
      }) : () -> ()
      %dma_start3A_125 = arith.constant 5 : i32
      %dma_start3A_126 = arith.constant 0 : i32
      %dma_start3A_127 = tpu.memref_slice %arg7[%dma_start3A_125, %dma_start3A_126] : memref<8x128xi32, #tpu.memory_space<vmem>> -> memref<1x128xi32, #tpu.memory_space<vmem>>
      %dma_start3A_128 = tpu.memref_squeeze %dma_start3A_127 : memref<1x128xi32, #tpu.memory_space<vmem>> -> memref<128xi32, #tpu.memory_space<vmem>>
      %dma_start3A_129 = arith.constant 0 : i32
      %dma_start3A_130 = arith.constant 0 : i32
      %dma_start3A_131 = tpu.memref_slice %arg2[%dma_start3A_129, %dma_start3A_130] : memref<20000x128xf32, #tpu.memory_space<hbm>> -> memref<20000x128xf32, #tpu.memory_space<hbm>>
      tpu.enqueue_indirect_dma source(%dma_start3A_131 : memref<20000x128xf32, #tpu.memory_space<hbm>>) target(%arg11 : memref<128x128xf32, #tpu.memory_space<vmem>>) offsets(%dma_start3A_128 : memref<128xi32, #tpu.memory_space<vmem>>) semaphore(%arg14 : memref<!tpu.dma_semaphore, #tpu.memory_space<semaphore_mem>>)
      %add3A_132 = arith.constant 640 : i32
      %add3A_133 = arith.addi %add3A_29, %add3A_132 : i32
      %dma_start3A_134 = tpu.memref_slice %arg4[%add3A_133] : memref<655360xi32, #tpu.memory_space<hbm>> -> memref<128xi32, #tpu.memory_space<hbm>>
      %dma_start3A_135 = tpu.memref_slice %arg4[%add3A_133] : memref<655360xi32, #tpu.memory_space<hbm>> -> memref<128xi32, #tpu.memory_space<hbm>>
      tpu.enqueue_dma source(%dma_start3A_135 : memref<128xi32, #tpu.memory_space<hbm>>) target(%arg9 : memref<128xi32, #tpu.memory_space<vmem>>) target_semaphore(%arg16 : memref<!tpu.dma_semaphore, #tpu.memory_space<semaphore_mem>>)
      %add3A_136 = arith.constant 512 : i32
      %add3A_137 = arith.addi %add3A_29, %add3A_136 : i32
      %dma_wait3A_138 = tpu.memref_slice %arg4[%add3A_137] : memref<655360xi32, #tpu.memory_space<hbm>> -> memref<128xi32, #tpu.memory_space<hbm>>
      %dma_wait3A_139 = tpu.memref_slice %arg4[%add3A_137] : memref<655360xi32, #tpu.memory_space<hbm>> -> memref<128xi32, #tpu.memory_space<hbm>>
      tpu.wait_dma2 semaphore(%arg15 : memref<!tpu.dma_semaphore, #tpu.memory_space<semaphore_mem>>) src(%dma_wait3A_139 : memref<128xi32, #tpu.memory_space<hbm>>) dst(%arg8 : memref<128xi32, #tpu.memory_space<vmem>>)
      %dma_wait3A_140 = arith.constant 4 : i32
      %dma_wait3A_141 = arith.constant 0 : i32
      %dma_wait3A_142 = tpu.memref_slice %arg7[%dma_wait3A_140, %dma_wait3A_141] : memref<8x128xi32, #tpu.memory_space<vmem>> -> memref<1x128xi32, #tpu.memory_space<vmem>>
      %dma_wait3A_143 = tpu.memref_squeeze %dma_wait3A_142 : memref<1x128xi32, #tpu.memory_space<vmem>> -> memref<128xi32, #tpu.memory_space<vmem>>
      %dma_wait3A_144 = arith.constant 0 : i32
      %dma_wait3A_145 = arith.constant 0 : i32
      %dma_wait3A_146 = tpu.memref_slice %arg2[%dma_wait3A_144, %dma_wait3A_145] : memref<20000x128xf32, #tpu.memory_space<hbm>> -> memref<20000x128xf32, #tpu.memory_space<hbm>>
      tpu.wait_indirect_dma semaphore(%arg13 : memref<!tpu.dma_semaphore, #tpu.memory_space<semaphore_mem>>) src(%dma_wait3A_146 : memref<20000x128xf32, #tpu.memory_space<hbm>>) dst(%arg10 : memref<128x128xf32, #tpu.memory_space<vmem>>)
      "tpu.region"() ({
        %run_scoped3A = tpu.sem_alloc : memref<!tpu.dma_semaphore, #tpu.memory_space<semaphore_mem>>
        %dma_start3A_202 = arith.constant 0 : i32
        %dma_start3A_203 = arith.constant 0 : i32
        %dma_start3A_204 = tpu.memref_slice %arg12[%dma_start3A_202, %dma_start3A_203] : memref<10128x128xf32, #tpu.memory_space<vmem_shared>> -> memref<10128x128xf32, #tpu.memory_space<vmem_shared>>
        tpu.enqueue_indirect_dma source(%arg10 : memref<128x128xf32, #tpu.memory_space<vmem>>) target(%dma_start3A_204 : memref<10128x128xf32, #tpu.memory_space<vmem_shared>>) offsets(%arg8 : memref<128xi32, #tpu.memory_space<vmem>>) semaphore(%run_scoped3A : memref<!tpu.dma_semaphore, #tpu.memory_space<semaphore_mem>>) {add = true}
        %dma_wait3A_205 = arith.constant 0 : i32
        %dma_wait3A_206 = arith.constant 0 : i32
        %dma_wait3A_207 = tpu.memref_slice %arg12[%dma_wait3A_205, %dma_wait3A_206] : memref<10128x128xf32, #tpu.memory_space<vmem_shared>> -> memref<10128x128xf32, #tpu.memory_space<vmem_shared>>
        tpu.wait_indirect_dma semaphore(%run_scoped3A : memref<!tpu.dma_semaphore, #tpu.memory_space<semaphore_mem>>) src(%arg10 : memref<128x128xf32, #tpu.memory_space<vmem>>) dst(%dma_wait3A_207 : memref<10128x128xf32, #tpu.memory_space<vmem_shared>>)
        tpu.yield
      }) : () -> ()
      %dma_start3A_147 = arith.constant 6 : i32
      %dma_start3A_148 = arith.constant 0 : i32
      %dma_start3A_149 = tpu.memref_slice %arg7[%dma_start3A_147, %dma_start3A_148] : memref<8x128xi32, #tpu.memory_space<vmem>> -> memref<1x128xi32, #tpu.memory_space<vmem>>
      %dma_start3A_150 = tpu.memref_squeeze %dma_start3A_149 : memref<1x128xi32, #tpu.memory_space<vmem>> -> memref<128xi32, #tpu.memory_space<vmem>>
      %dma_start3A_151 = arith.constant 0 : i32
      %dma_start3A_152 = arith.constant 0 : i32
      %dma_start3A_153 = tpu.memref_slice %arg2[%dma_start3A_151, %dma_start3A_152] : memref<20000x128xf32, #tpu.memory_space<hbm>> -> memref<20000x128xf32, #tpu.memory_space<hbm>>
      tpu.enqueue_indirect_dma source(%dma_start3A_153 : memref<20000x128xf32, #tpu.memory_space<hbm>>) target(%arg10 : memref<128x128xf32, #tpu.memory_space<vmem>>) offsets(%dma_start3A_150 : memref<128xi32, #tpu.memory_space<vmem>>) semaphore(%arg13 : memref<!tpu.dma_semaphore, #tpu.memory_space<semaphore_mem>>)
      %add3A_154 = arith.constant 768 : i32
      %add3A_155 = arith.addi %add3A_29, %add3A_154 : i32
      %dma_start3A_156 = tpu.memref_slice %arg4[%add3A_155] : memref<655360xi32, #tpu.memory_space<hbm>> -> memref<128xi32, #tpu.memory_space<hbm>>
      %dma_start3A_157 = tpu.memref_slice %arg4[%add3A_155] : memref<655360xi32, #tpu.memory_space<hbm>> -> memref<128xi32, #tpu.memory_space<hbm>>
      tpu.enqueue_dma source(%dma_start3A_157 : memref<128xi32, #tpu.memory_space<hbm>>) target(%arg8 : memref<128xi32, #tpu.memory_space<vmem>>) target_semaphore(%arg15 : memref<!tpu.dma_semaphore, #tpu.memory_space<semaphore_mem>>)
      %add3A_158 = arith.constant 640 : i32
      %add3A_159 = arith.addi %add3A_29, %add3A_158 : i32
      %dma_wait3A_160 = tpu.memref_slice %arg4[%add3A_159] : memref<655360xi32, #tpu.memory_space<hbm>> -> memref<128xi32, #tpu.memory_space<hbm>>
      %dma_wait3A_161 = tpu.memref_slice %arg4[%add3A_159] : memref<655360xi32, #tpu.memory_space<hbm>> -> memref<128xi32, #tpu.memory_space<hbm>>
      tpu.wait_dma2 semaphore(%arg16 : memref<!tpu.dma_semaphore, #tpu.memory_space<semaphore_mem>>) src(%dma_wait3A_161 : memref<128xi32, #tpu.memory_space<hbm>>) dst(%arg9 : memref<128xi32, #tpu.memory_space<vmem>>)
      %dma_wait3A_162 = arith.constant 5 : i32
      %dma_wait3A_163 = arith.constant 0 : i32
      %dma_wait3A_164 = tpu.memref_slice %arg7[%dma_wait3A_162, %dma_wait3A_163] : memref<8x128xi32, #tpu.memory_space<vmem>> -> memref<1x128xi32, #tpu.memory_space<vmem>>
      %dma_wait3A_165 = tpu.memref_squeeze %dma_wait3A_164 : memref<1x128xi32, #tpu.memory_space<vmem>> -> memref<128xi32, #tpu.memory_space<vmem>>
      %dma_wait3A_166 = arith.constant 0 : i32
      %dma_wait3A_167 = arith.constant 0 : i32
      %dma_wait3A_168 = tpu.memref_slice %arg2[%dma_wait3A_166, %dma_wait3A_167] : memref<20000x128xf32, #tpu.memory_space<hbm>> -> memref<20000x128xf32, #tpu.memory_space<hbm>>
      tpu.wait_indirect_dma semaphore(%arg14 : memref<!tpu.dma_semaphore, #tpu.memory_space<semaphore_mem>>) src(%dma_wait3A_168 : memref<20000x128xf32, #tpu.memory_space<hbm>>) dst(%arg11 : memref<128x128xf32, #tpu.memory_space<vmem>>)
      "tpu.region"() ({
        %run_scoped3A = tpu.sem_alloc : memref<!tpu.dma_semaphore, #tpu.memory_space<semaphore_mem>>
        %dma_start3A_202 = arith.constant 0 : i32
        %dma_start3A_203 = arith.constant 0 : i32
        %dma_start3A_204 = tpu.memref_slice %arg12[%dma_start3A_202, %dma_start3A_203] : memref<10128x128xf32, #tpu.memory_space<vmem_shared>> -> memref<10128x128xf32, #tpu.memory_space<vmem_shared>>
        tpu.enqueue_indirect_dma source(%arg11 : memref<128x128xf32, #tpu.memory_space<vmem>>) target(%dma_start3A_204 : memref<10128x128xf32, #tpu.memory_space<vmem_shared>>) offsets(%arg9 : memref<128xi32, #tpu.memory_space<vmem>>) semaphore(%run_scoped3A : memref<!tpu.dma_semaphore, #tpu.memory_space<semaphore_mem>>) {add = true}
        %dma_wait3A_205 = arith.constant 0 : i32
        %dma_wait3A_206 = arith.constant 0 : i32
        %dma_wait3A_207 = tpu.memref_slice %arg12[%dma_wait3A_205, %dma_wait3A_206] : memref<10128x128xf32, #tpu.memory_space<vmem_shared>> -> memref<10128x128xf32, #tpu.memory_space<vmem_shared>>
        tpu.wait_indirect_dma semaphore(%run_scoped3A : memref<!tpu.dma_semaphore, #tpu.memory_space<semaphore_mem>>) src(%arg11 : memref<128x128xf32, #tpu.memory_space<vmem>>) dst(%dma_wait3A_207 : memref<10128x128xf32, #tpu.memory_space<vmem_shared>>)
        tpu.yield
      }) : () -> ()
      %dma_start3A_169 = arith.constant 7 : i32
      %dma_start3A_170 = arith.constant 0 : i32
      %dma_start3A_171 = tpu.memref_slice %arg7[%dma_start3A_169, %dma_start3A_170] : memref<8x128xi32, #tpu.memory_space<vmem>> -> memref<1x128xi32, #tpu.memory_space<vmem>>
      %dma_start3A_172 = tpu.memref_squeeze %dma_start3A_171 : memref<1x128xi32, #tpu.memory_space<vmem>> -> memref<128xi32, #tpu.memory_space<vmem>>
      %dma_start3A_173 = arith.constant 0 : i32
      %dma_start3A_174 = arith.constant 0 : i32
      %dma_start3A_175 = tpu.memref_slice %arg2[%dma_start3A_173, %dma_start3A_174] : memref<20000x128xf32, #tpu.memory_space<hbm>> -> memref<20000x128xf32, #tpu.memory_space<hbm>>
      tpu.enqueue_indirect_dma source(%dma_start3A_175 : memref<20000x128xf32, #tpu.memory_space<hbm>>) target(%arg11 : memref<128x128xf32, #tpu.memory_space<vmem>>) offsets(%dma_start3A_172 : memref<128xi32, #tpu.memory_space<vmem>>) semaphore(%arg14 : memref<!tpu.dma_semaphore, #tpu.memory_space<semaphore_mem>>)
      %add3A_176 = arith.constant 896 : i32
      %add3A_177 = arith.addi %add3A_29, %add3A_176 : i32
      %dma_start3A_178 = tpu.memref_slice %arg4[%add3A_177] : memref<655360xi32, #tpu.memory_space<hbm>> -> memref<128xi32, #tpu.memory_space<hbm>>
      %dma_start3A_179 = tpu.memref_slice %arg4[%add3A_177] : memref<655360xi32, #tpu.memory_space<hbm>> -> memref<128xi32, #tpu.memory_space<hbm>>
      tpu.enqueue_dma source(%dma_start3A_179 : memref<128xi32, #tpu.memory_space<hbm>>) target(%arg9 : memref<128xi32, #tpu.memory_space<vmem>>) target_semaphore(%arg16 : memref<!tpu.dma_semaphore, #tpu.memory_space<semaphore_mem>>)
      %add3A_180 = arith.constant 768 : i32
      %add3A_181 = arith.addi %add3A_29, %add3A_180 : i32
      %dma_wait3A_182 = tpu.memref_slice %arg4[%add3A_181] : memref<655360xi32, #tpu.memory_space<hbm>> -> memref<128xi32, #tpu.memory_space<hbm>>
      %dma_wait3A_183 = tpu.memref_slice %arg4[%add3A_181] : memref<655360xi32, #tpu.memory_space<hbm>> -> memref<128xi32, #tpu.memory_space<hbm>>
      tpu.wait_dma2 semaphore(%arg15 : memref<!tpu.dma_semaphore, #tpu.memory_space<semaphore_mem>>) src(%dma_wait3A_183 : memref<128xi32, #tpu.memory_space<hbm>>) dst(%arg8 : memref<128xi32, #tpu.memory_space<vmem>>)
      %dma_wait3A_184 = arith.constant 6 : i32
      %dma_wait3A_185 = arith.constant 0 : i32
      %dma_wait3A_186 = tpu.memref_slice %arg7[%dma_wait3A_184, %dma_wait3A_185] : memref<8x128xi32, #tpu.memory_space<vmem>> -> memref<1x128xi32, #tpu.memory_space<vmem>>
      %dma_wait3A_187 = tpu.memref_squeeze %dma_wait3A_186 : memref<1x128xi32, #tpu.memory_space<vmem>> -> memref<128xi32, #tpu.memory_space<vmem>>
      %dma_wait3A_188 = arith.constant 0 : i32
      %dma_wait3A_189 = arith.constant 0 : i32
      %dma_wait3A_190 = tpu.memref_slice %arg2[%dma_wait3A_188, %dma_wait3A_189] : memref<20000x128xf32, #tpu.memory_space<hbm>> -> memref<20000x128xf32, #tpu.memory_space<hbm>>
      tpu.wait_indirect_dma semaphore(%arg13 : memref<!tpu.dma_semaphore, #tpu.memory_space<semaphore_mem>>) src(%dma_wait3A_190 : memref<20000x128xf32, #tpu.memory_space<hbm>>) dst(%arg10 : memref<128x128xf32, #tpu.memory_space<vmem>>)
      "tpu.region"() ({
        %run_scoped3A = tpu.sem_alloc : memref<!tpu.dma_semaphore, #tpu.memory_space<semaphore_mem>>
        %dma_start3A_202 = arith.constant 0 : i32
        %dma_start3A_203 = arith.constant 0 : i32
        %dma_start3A_204 = tpu.memref_slice %arg12[%dma_start3A_202, %dma_start3A_203] : memref<10128x128xf32, #tpu.memory_space<vmem_shared>> -> memref<10128x128xf32, #tpu.memory_space<vmem_shared>>
        tpu.enqueue_indirect_dma source(%arg10 : memref<128x128xf32, #tpu.memory_space<vmem>>) target(%dma_start3A_204 : memref<10128x128xf32, #tpu.memory_space<vmem_shared>>) offsets(%arg8 : memref<128xi32, #tpu.memory_space<vmem>>) semaphore(%run_scoped3A : memref<!tpu.dma_semaphore, #tpu.memory_space<semaphore_mem>>) {add = true}
        %dma_wait3A_205 = arith.constant 0 : i32
        %dma_wait3A_206 = arith.constant 0 : i32
        %dma_wait3A_207 = tpu.memref_slice %arg12[%dma_wait3A_205, %dma_wait3A_206] : memref<10128x128xf32, #tpu.memory_space<vmem_shared>> -> memref<10128x128xf32, #tpu.memory_space<vmem_shared>>
        tpu.wait_indirect_dma semaphore(%run_scoped3A : memref<!tpu.dma_semaphore, #tpu.memory_space<semaphore_mem>>) src(%arg10 : memref<128x128xf32, #tpu.memory_space<vmem>>) dst(%dma_wait3A_207 : memref<10128x128xf32, #tpu.memory_space<vmem_shared>>)
        tpu.yield
      }) : () -> ()
      %add3A_191 = arith.constant 896 : i32
      %add3A_192 = arith.addi %add3A_29, %add3A_191 : i32
      %dma_wait3A_193 = tpu.memref_slice %arg4[%add3A_192] : memref<655360xi32, #tpu.memory_space<hbm>> -> memref<128xi32, #tpu.memory_space<hbm>>
      %dma_wait3A_194 = tpu.memref_slice %arg4[%add3A_192] : memref<655360xi32, #tpu.memory_space<hbm>> -> memref<128xi32, #tpu.memory_space<hbm>>
      tpu.wait_dma2 semaphore(%arg16 : memref<!tpu.dma_semaphore, #tpu.memory_space<semaphore_mem>>) src(%dma_wait3A_194 : memref<128xi32, #tpu.memory_space<hbm>>) dst(%arg9 : memref<128xi32, #tpu.memory_space<vmem>>)
      %dma_wait3A_195 = arith.constant 7 : i32
      %dma_wait3A_196 = arith.constant 0 : i32
      %dma_wait3A_197 = tpu.memref_slice %arg7[%dma_wait3A_195, %dma_wait3A_196] : memref<8x128xi32, #tpu.memory_space<vmem>> -> memref<1x128xi32, #tpu.memory_space<vmem>>
      %dma_wait3A_198 = tpu.memref_squeeze %dma_wait3A_197 : memref<1x128xi32, #tpu.memory_space<vmem>> -> memref<128xi32, #tpu.memory_space<vmem>>
      %dma_wait3A_199 = arith.constant 0 : i32
      %dma_wait3A_200 = arith.constant 0 : i32
      %dma_wait3A_201 = tpu.memref_slice %arg2[%dma_wait3A_199, %dma_wait3A_200] : memref<20000x128xf32, #tpu.memory_space<hbm>> -> memref<20000x128xf32, #tpu.memory_space<hbm>>
      tpu.wait_indirect_dma semaphore(%arg14 : memref<!tpu.dma_semaphore, #tpu.memory_space<semaphore_mem>>) src(%dma_wait3A_201 : memref<20000x128xf32, #tpu.memory_space<hbm>>) dst(%arg11 : memref<128x128xf32, #tpu.memory_space<vmem>>)
      "tpu.region"() ({
        %run_scoped3A = tpu.sem_alloc : memref<!tpu.dma_semaphore, #tpu.memory_space<semaphore_mem>>
        %dma_start3A_202 = arith.constant 0 : i32
        %dma_start3A_203 = arith.constant 0 : i32
        %dma_start3A_204 = tpu.memref_slice %arg12[%dma_start3A_202, %dma_start3A_203] : memref<10128x128xf32, #tpu.memory_space<vmem_shared>> -> memref<10128x128xf32, #tpu.memory_space<vmem_shared>>
        tpu.enqueue_indirect_dma source(%arg11 : memref<128x128xf32, #tpu.memory_space<vmem>>) target(%dma_start3A_204 : memref<10128x128xf32, #tpu.memory_space<vmem_shared>>) offsets(%arg9 : memref<128xi32, #tpu.memory_space<vmem>>) semaphore(%run_scoped3A : memref<!tpu.dma_semaphore, #tpu.memory_space<semaphore_mem>>) {add = true}
        %dma_wait3A_205 = arith.constant 0 : i32
        %dma_wait3A_206 = arith.constant 0 : i32
        %dma_wait3A_207 = tpu.memref_slice %arg12[%dma_wait3A_205, %dma_wait3A_206] : memref<10128x128xf32, #tpu.memory_space<vmem_shared>> -> memref<10128x128xf32, #tpu.memory_space<vmem_shared>>
        tpu.wait_indirect_dma semaphore(%run_scoped3A : memref<!tpu.dma_semaphore, #tpu.memory_space<semaphore_mem>>) src(%arg11 : memref<128x128xf32, #tpu.memory_space<vmem>>) dst(%dma_wait3A_207 : memref<10128x128xf32, #tpu.memory_space<vmem_shared>>)
        tpu.yield
      }) : () -> ()
    }
    %scan3A_14 = arith.constant 20 : i32
    %barrier3A_15 = arith.constant 0 : index
    tpu.barrier barrier_id(%barrier3A_15)
    %eq3A_16 = arith.constant 0 : i32
    %eq3A_17 = arith.cmpi eq, %arg1, %eq3A_16 : i32
    %convert_element_type3A_18 = arith.extui %eq3A_17 : i1 to i32
    %cond3A_19 = arith.constant 0 : i32
    %cond3A_20 = arith.cmpi ne, %convert_element_type3A_18, %cond3A_19 : i32
    scf.if %cond3A_20 {
      "tpu.region"() ({
        %run_scoped3A = tpu.sem_alloc : memref<!tpu.dma_semaphore, #tpu.memory_space<semaphore_mem>>
        %dma_start3A = arith.constant 0 : i32
        %dma_start3A_21 = arith.constant 0 : i32
        %dma_start3A_22 = tpu.memref_slice %arg6[%arg0, %dma_start3A, %dma_start3A_21] : memref<2x10128x128xf32, #tpu.memory_space<hbm>> -> memref<1x10128x128xf32, #tpu.memory_space<hbm>>
        %dma_start3A_23 = tpu.memref_squeeze %dma_start3A_22 : memref<1x10128x128xf32, #tpu.memory_space<hbm>> -> memref<10128x128xf32, #tpu.memory_space<hbm>>
        tpu.enqueue_dma source(%arg12 : memref<10128x128xf32, #tpu.memory_space<vmem_shared>>) target(%dma_start3A_23 : memref<10128x128xf32, #tpu.memory_space<hbm>>) target_semaphore(%run_scoped3A : memref<!tpu.dma_semaphore, #tpu.memory_space<semaphore_mem>>)
        %dma_wait3A = arith.constant 0 : i32
        %dma_wait3A_24 = arith.constant 0 : i32
        %dma_wait3A_25 = tpu.memref_slice %arg6[%arg0, %dma_wait3A, %dma_wait3A_24] : memref<2x10128x128xf32, #tpu.memory_space<hbm>> -> memref<1x10128x128xf32, #tpu.memory_space<hbm>>
        %dma_wait3A_26 = tpu.memref_squeeze %dma_wait3A_25 : memref<1x10128x128xf32, #tpu.memory_space<hbm>> -> memref<10128x128xf32, #tpu.memory_space<hbm>>
        tpu.wait_dma2 semaphore(%run_scoped3A : memref<!tpu.dma_semaphore, #tpu.memory_space<semaphore_mem>>) src(%arg12 : memref<10128x128xf32, #tpu.memory_space<vmem_shared>>) dst(%dma_wait3A_26 : memref<10128x128xf32, #tpu.memory_space<hbm>>)
        tpu.yield
      }) : () -> ()
    } else {
    }
    return
  }
}

#map = affine_map<(d0, d1) -> (0)>
#map1 = affine_map<(d0, d1) -> (0, 0)>
#map2 = affine_map<(d0, d1) -> (0, 0, 0)>
module attributes {stable_mosaic.version = 14 : i64} {
  func.func @deg_kernel(%arg0: i32, %arg1: i32, %arg2: memref<655360xi32, #tpu.memory_space<hbm>>, %arg3: memref<10128x16xf32, #tpu.memory_space<hbm>>, %arg4: memref<128x16xf32, #tpu.memory_space<hbm>>, %arg5: memref<2x10128x16xf32, #tpu.memory_space<hbm>>, %arg6: memref<128xi32, #tpu.memory_space<vmem>>, %arg7: memref<128xi32, #tpu.memory_space<vmem>>, %arg8: memref<128x16xf32, #tpu.memory_space<vmem>>, %arg9: memref<10128x16xf32, #tpu.memory_space<vmem_shared>>, %arg10: memref<!tpu.dma_semaphore, #tpu.memory_space<semaphore_mem>>, %arg11: memref<!tpu.dma_semaphore, #tpu.memory_space<semaphore_mem>>) attributes {dimension_semantics = [#tpu.dimension_semantics<core_parallel>, #tpu.dimension_semantics<subcore_parallel>], iteration_bounds = array<i64: 2, 16>, scalar_prefetch = 0 : i64, scratch_operands = 6 : i64, tpu.core_type = #tpu.core_type<sc_vector_subcore>, window_params = [{transform_indices = #map}, {transform_indices = #map1}, {transform_indices = #map1}, {transform_indices = #map2}]} {
    %eq3A = arith.constant 0 : i32
    %eq3A_0 = arith.cmpi eq, %arg1, %eq3A : i32
    %convert_element_type3A = arith.extui %eq3A_0 : i1 to i32
    %cond3A = arith.constant 0 : i32
    %cond3A_1 = arith.cmpi ne, %convert_element_type3A, %cond3A : i32
    scf.if %cond3A_1 {
      "tpu.region"() ({
        %run_scoped3A = tpu.sem_alloc : memref<!tpu.dma_semaphore, #tpu.memory_space<semaphore_mem>>
        tpu.enqueue_dma source(%arg3 : memref<10128x16xf32, #tpu.memory_space<hbm>>) target(%arg9 : memref<10128x16xf32, #tpu.memory_space<vmem_shared>>) target_semaphore(%run_scoped3A : memref<!tpu.dma_semaphore, #tpu.memory_space<semaphore_mem>>)
        tpu.wait_dma2 semaphore(%run_scoped3A : memref<!tpu.dma_semaphore, #tpu.memory_space<semaphore_mem>>) src(%arg3 : memref<10128x16xf32, #tpu.memory_space<hbm>>) dst(%arg9 : memref<10128x16xf32, #tpu.memory_space<vmem_shared>>)
        tpu.yield
      }) : () -> ()
    } else {
    }
    "tpu.region"() ({
      %run_scoped3A = tpu.sem_alloc : memref<!tpu.dma_semaphore, #tpu.memory_space<semaphore_mem>>
      tpu.enqueue_dma source(%arg4 : memref<128x16xf32, #tpu.memory_space<hbm>>) target(%arg8 : memref<128x16xf32, #tpu.memory_space<vmem>>) target_semaphore(%run_scoped3A : memref<!tpu.dma_semaphore, #tpu.memory_space<semaphore_mem>>)
      tpu.wait_dma2 semaphore(%run_scoped3A : memref<!tpu.dma_semaphore, #tpu.memory_space<semaphore_mem>>) src(%arg4 : memref<128x16xf32, #tpu.memory_space<hbm>>) dst(%arg8 : memref<128x16xf32, #tpu.memory_space<vmem>>)
      tpu.yield
    }) : () -> ()
    %barrier3A = arith.constant 0 : index
    tpu.barrier barrier_id(%barrier3A)
    %mul3A = arith.constant 327680 : i32
    %mul3A_2 = arith.muli %arg0, %mul3A : i32
    %mul3A_3 = arith.constant 20480 : i32
    %mul3A_4 = arith.muli %arg1, %mul3A_3 : i32
    %add3A = arith.addi %mul3A_2, %mul3A_4 : i32
    %dma_start3A = tpu.memref_slice %arg2[%add3A] : memref<655360xi32, #tpu.memory_space<hbm>> -> memref<128xi32, #tpu.memory_space<hbm>>
    %dma_start3A_5 = tpu.memref_slice %arg2[%add3A] : memref<655360xi32, #tpu.memory_space<hbm>> -> memref<128xi32, #tpu.memory_space<hbm>>
    tpu.enqueue_dma source(%dma_start3A_5 : memref<128xi32, #tpu.memory_space<hbm>>) target(%arg6 : memref<128xi32, #tpu.memory_space<vmem>>) target_semaphore(%arg10 : memref<!tpu.dma_semaphore, #tpu.memory_space<semaphore_mem>>)
    %scan3A = arith.constant 0 : i32
    %scan3A_6 = arith.constant 0 : i32
    %scan3A_7 = arith.constant 79 : i32
    %scan3A_8 = arith.addi %scan3A_6, %scan3A_7 : i32
    %scan3A_9 = arith.constant 1 : i32
    scf.for %scan3A_28 = %scan3A_6 to %scan3A_8 step %scan3A_9  : i32 {
      %mul3A_29 = arith.constant 2 : i32
      %mul3A_30 = arith.muli %scan3A_28, %mul3A_29 : i32
      %mul3A_31 = arith.constant 128 : i32
      %mul3A_32 = arith.muli %mul3A_30, %mul3A_31 : i32
      %add3A_33 = arith.addi %add3A, %mul3A_32 : i32
      %add3A_34 = arith.constant 128 : i32
      %add3A_35 = arith.addi %add3A_33, %add3A_34 : i32
      %dma_start3A_36 = tpu.memref_slice %arg2[%add3A_35] : memref<655360xi32, #tpu.memory_space<hbm>> -> memref<128xi32, #tpu.memory_space<hbm>>
      %dma_start3A_37 = tpu.memref_slice %arg2[%add3A_35] : memref<655360xi32, #tpu.memory_space<hbm>> -> memref<128xi32, #tpu.memory_space<hbm>>
      tpu.enqueue_dma source(%dma_start3A_37 : memref<128xi32, #tpu.memory_space<hbm>>) target(%arg7 : memref<128xi32, #tpu.memory_space<vmem>>) target_semaphore(%arg11 : memref<!tpu.dma_semaphore, #tpu.memory_space<semaphore_mem>>)
      %add3A_38 = arith.constant 0 : i32
      %add3A_39 = arith.addi %add3A_33, %add3A_38 : i32
      %dma_wait3A_40 = tpu.memref_slice %arg2[%add3A_39] : memref<655360xi32, #tpu.memory_space<hbm>> -> memref<128xi32, #tpu.memory_space<hbm>>
      %dma_wait3A_41 = tpu.memref_slice %arg2[%add3A_39] : memref<655360xi32, #tpu.memory_space<hbm>> -> memref<128xi32, #tpu.memory_space<hbm>>
      tpu.wait_dma2 semaphore(%arg10 : memref<!tpu.dma_semaphore, #tpu.memory_space<semaphore_mem>>) src(%dma_wait3A_41 : memref<128xi32, #tpu.memory_space<hbm>>) dst(%arg6 : memref<128xi32, #tpu.memory_space<vmem>>)
      "tpu.region"() ({
        %run_scoped3A = tpu.sem_alloc : memref<!tpu.dma_semaphore, #tpu.memory_space<semaphore_mem>>
        %dma_start3A_50 = arith.constant 0 : i32
        %dma_start3A_51 = arith.constant 0 : i32
        %dma_start3A_52 = tpu.memref_slice %arg9[%dma_start3A_50, %dma_start3A_51] : memref<10128x16xf32, #tpu.memory_space<vmem_shared>> -> memref<10128x16xf32, #tpu.memory_space<vmem_shared>>
        tpu.enqueue_indirect_dma source(%arg8 : memref<128x16xf32, #tpu.memory_space<vmem>>) target(%dma_start3A_52 : memref<10128x16xf32, #tpu.memory_space<vmem_shared>>) offsets(%arg6 : memref<128xi32, #tpu.memory_space<vmem>>) semaphore(%run_scoped3A : memref<!tpu.dma_semaphore, #tpu.memory_space<semaphore_mem>>) {add = true}
        %dma_wait3A_53 = arith.constant 0 : i32
        %dma_wait3A_54 = arith.constant 0 : i32
        %dma_wait3A_55 = tpu.memref_slice %arg9[%dma_wait3A_53, %dma_wait3A_54] : memref<10128x16xf32, #tpu.memory_space<vmem_shared>> -> memref<10128x16xf32, #tpu.memory_space<vmem_shared>>
        tpu.wait_indirect_dma semaphore(%run_scoped3A : memref<!tpu.dma_semaphore, #tpu.memory_space<semaphore_mem>>) src(%arg8 : memref<128x16xf32, #tpu.memory_space<vmem>>) dst(%dma_wait3A_55 : memref<10128x16xf32, #tpu.memory_space<vmem_shared>>)
        tpu.yield
      }) : () -> ()
      %add3A_42 = arith.constant 256 : i32
      %add3A_43 = arith.addi %add3A_33, %add3A_42 : i32
      %dma_start3A_44 = tpu.memref_slice %arg2[%add3A_43] : memref<655360xi32, #tpu.memory_space<hbm>> -> memref<128xi32, #tpu.memory_space<hbm>>
      %dma_start3A_45 = tpu.memref_slice %arg2[%add3A_43] : memref<655360xi32, #tpu.memory_space<hbm>> -> memref<128xi32, #tpu.memory_space<hbm>>
      tpu.enqueue_dma source(%dma_start3A_45 : memref<128xi32, #tpu.memory_space<hbm>>) target(%arg6 : memref<128xi32, #tpu.memory_space<vmem>>) target_semaphore(%arg10 : memref<!tpu.dma_semaphore, #tpu.memory_space<semaphore_mem>>)
      %add3A_46 = arith.constant 128 : i32
      %add3A_47 = arith.addi %add3A_33, %add3A_46 : i32
      %dma_wait3A_48 = tpu.memref_slice %arg2[%add3A_47] : memref<655360xi32, #tpu.memory_space<hbm>> -> memref<128xi32, #tpu.memory_space<hbm>>
      %dma_wait3A_49 = tpu.memref_slice %arg2[%add3A_47] : memref<655360xi32, #tpu.memory_space<hbm>> -> memref<128xi32, #tpu.memory_space<hbm>>
      tpu.wait_dma2 semaphore(%arg11 : memref<!tpu.dma_semaphore, #tpu.memory_space<semaphore_mem>>) src(%dma_wait3A_49 : memref<128xi32, #tpu.memory_space<hbm>>) dst(%arg7 : memref<128xi32, #tpu.memory_space<vmem>>)
      "tpu.region"() ({
        %run_scoped3A = tpu.sem_alloc : memref<!tpu.dma_semaphore, #tpu.memory_space<semaphore_mem>>
        %dma_start3A_50 = arith.constant 0 : i32
        %dma_start3A_51 = arith.constant 0 : i32
        %dma_start3A_52 = tpu.memref_slice %arg9[%dma_start3A_50, %dma_start3A_51] : memref<10128x16xf32, #tpu.memory_space<vmem_shared>> -> memref<10128x16xf32, #tpu.memory_space<vmem_shared>>
        tpu.enqueue_indirect_dma source(%arg8 : memref<128x16xf32, #tpu.memory_space<vmem>>) target(%dma_start3A_52 : memref<10128x16xf32, #tpu.memory_space<vmem_shared>>) offsets(%arg7 : memref<128xi32, #tpu.memory_space<vmem>>) semaphore(%run_scoped3A : memref<!tpu.dma_semaphore, #tpu.memory_space<semaphore_mem>>) {add = true}
        %dma_wait3A_53 = arith.constant 0 : i32
        %dma_wait3A_54 = arith.constant 0 : i32
        %dma_wait3A_55 = tpu.memref_slice %arg9[%dma_wait3A_53, %dma_wait3A_54] : memref<10128x16xf32, #tpu.memory_space<vmem_shared>> -> memref<10128x16xf32, #tpu.memory_space<vmem_shared>>
        tpu.wait_indirect_dma semaphore(%run_scoped3A : memref<!tpu.dma_semaphore, #tpu.memory_space<semaphore_mem>>) src(%arg8 : memref<128x16xf32, #tpu.memory_space<vmem>>) dst(%dma_wait3A_55 : memref<10128x16xf32, #tpu.memory_space<vmem_shared>>)
        tpu.yield
      }) : () -> ()
    }
    %scan3A_10 = arith.constant 79 : i32
    %add3A_11 = arith.constant 20224 : i32
    %add3A_12 = arith.addi %add3A, %add3A_11 : i32
    %dma_wait3A = tpu.memref_slice %arg2[%add3A_12] : memref<655360xi32, #tpu.memory_space<hbm>> -> memref<128xi32, #tpu.memory_space<hbm>>
    %dma_wait3A_13 = tpu.memref_slice %arg2[%add3A_12] : memref<655360xi32, #tpu.memory_space<hbm>> -> memref<128xi32, #tpu.memory_space<hbm>>
    tpu.wait_dma2 semaphore(%arg10 : memref<!tpu.dma_semaphore, #tpu.memory_space<semaphore_mem>>) src(%dma_wait3A_13 : memref<128xi32, #tpu.memory_space<hbm>>) dst(%arg6 : memref<128xi32, #tpu.memory_space<vmem>>)
    %add3A_14 = arith.constant 128 : i32
    %add3A_15 = arith.addi %add3A_12, %add3A_14 : i32
    %dma_start3A_16 = tpu.memref_slice %arg2[%add3A_15] : memref<655360xi32, #tpu.memory_space<hbm>> -> memref<128xi32, #tpu.memory_space<hbm>>
    %dma_start3A_17 = tpu.memref_slice %arg2[%add3A_15] : memref<655360xi32, #tpu.memory_space<hbm>> -> memref<128xi32, #tpu.memory_space<hbm>>
    tpu.enqueue_dma source(%dma_start3A_17 : memref<128xi32, #tpu.memory_space<hbm>>) target(%arg7 : memref<128xi32, #tpu.memory_space<vmem>>) target_semaphore(%arg11 : memref<!tpu.dma_semaphore, #tpu.memory_space<semaphore_mem>>)
    "tpu.region"() ({
      %run_scoped3A = tpu.sem_alloc : memref<!tpu.dma_semaphore, #tpu.memory_space<semaphore_mem>>
      %dma_start3A_28 = arith.constant 0 : i32
      %dma_start3A_29 = arith.constant 0 : i32
      %dma_start3A_30 = tpu.memref_slice %arg9[%dma_start3A_28, %dma_start3A_29] : memref<10128x16xf32, #tpu.memory_space<vmem_shared>> -> memref<10128x16xf32, #tpu.memory_space<vmem_shared>>
      tpu.enqueue_indirect_dma source(%arg8 : memref<128x16xf32, #tpu.memory_space<vmem>>) target(%dma_start3A_30 : memref<10128x16xf32, #tpu.memory_space<vmem_shared>>) offsets(%arg6 : memref<128xi32, #tpu.memory_space<vmem>>) semaphore(%run_scoped3A : memref<!tpu.dma_semaphore, #tpu.memory_space<semaphore_mem>>) {add = true}
      %dma_wait3A_31 = arith.constant 0 : i32
      %dma_wait3A_32 = arith.constant 0 : i32
      %dma_wait3A_33 = tpu.memref_slice %arg9[%dma_wait3A_31, %dma_wait3A_32] : memref<10128x16xf32, #tpu.memory_space<vmem_shared>> -> memref<10128x16xf32, #tpu.memory_space<vmem_shared>>
      tpu.wait_indirect_dma semaphore(%run_scoped3A : memref<!tpu.dma_semaphore, #tpu.memory_space<semaphore_mem>>) src(%arg8 : memref<128x16xf32, #tpu.memory_space<vmem>>) dst(%dma_wait3A_33 : memref<10128x16xf32, #tpu.memory_space<vmem_shared>>)
      tpu.yield
    }) : () -> ()
    %add3A_18 = arith.constant 128 : i32
    %add3A_19 = arith.addi %add3A_12, %add3A_18 : i32
    %dma_wait3A_20 = tpu.memref_slice %arg2[%add3A_19] : memref<655360xi32, #tpu.memory_space<hbm>> -> memref<128xi32, #tpu.memory_space<hbm>>
    %dma_wait3A_21 = tpu.memref_slice %arg2[%add3A_19] : memref<655360xi32, #tpu.memory_space<hbm>> -> memref<128xi32, #tpu.memory_space<hbm>>
    tpu.wait_dma2 semaphore(%arg11 : memref<!tpu.dma_semaphore, #tpu.memory_space<semaphore_mem>>) src(%dma_wait3A_21 : memref<128xi32, #tpu.memory_space<hbm>>) dst(%arg7 : memref<128xi32, #tpu.memory_space<vmem>>)
    "tpu.region"() ({
      %run_scoped3A = tpu.sem_alloc : memref<!tpu.dma_semaphore, #tpu.memory_space<semaphore_mem>>
      %dma_start3A_28 = arith.constant 0 : i32
      %dma_start3A_29 = arith.constant 0 : i32
      %dma_start3A_30 = tpu.memref_slice %arg9[%dma_start3A_28, %dma_start3A_29] : memref<10128x16xf32, #tpu.memory_space<vmem_shared>> -> memref<10128x16xf32, #tpu.memory_space<vmem_shared>>
      tpu.enqueue_indirect_dma source(%arg8 : memref<128x16xf32, #tpu.memory_space<vmem>>) target(%dma_start3A_30 : memref<10128x16xf32, #tpu.memory_space<vmem_shared>>) offsets(%arg7 : memref<128xi32, #tpu.memory_space<vmem>>) semaphore(%run_scoped3A : memref<!tpu.dma_semaphore, #tpu.memory_space<semaphore_mem>>) {add = true}
      %dma_wait3A_31 = arith.constant 0 : i32
      %dma_wait3A_32 = arith.constant 0 : i32
      %dma_wait3A_33 = tpu.memref_slice %arg9[%dma_wait3A_31, %dma_wait3A_32] : memref<10128x16xf32, #tpu.memory_space<vmem_shared>> -> memref<10128x16xf32, #tpu.memory_space<vmem_shared>>
      tpu.wait_indirect_dma semaphore(%run_scoped3A : memref<!tpu.dma_semaphore, #tpu.memory_space<semaphore_mem>>) src(%arg8 : memref<128x16xf32, #tpu.memory_space<vmem>>) dst(%dma_wait3A_33 : memref<10128x16xf32, #tpu.memory_space<vmem_shared>>)
      tpu.yield
    }) : () -> ()
    %barrier3A_22 = arith.constant 0 : index
    tpu.barrier barrier_id(%barrier3A_22)
    %eq3A_23 = arith.constant 0 : i32
    %eq3A_24 = arith.cmpi eq, %arg1, %eq3A_23 : i32
    %convert_element_type3A_25 = arith.extui %eq3A_24 : i1 to i32
    %cond3A_26 = arith.constant 0 : i32
    %cond3A_27 = arith.cmpi ne, %convert_element_type3A_25, %cond3A_26 : i32
    scf.if %cond3A_27 {
      "tpu.region"() ({
        %run_scoped3A = tpu.sem_alloc : memref<!tpu.dma_semaphore, #tpu.memory_space<semaphore_mem>>
        %dma_start3A_28 = arith.constant 0 : i32
        %dma_start3A_29 = arith.constant 0 : i32
        %dma_start3A_30 = tpu.memref_slice %arg5[%arg0, %dma_start3A_28, %dma_start3A_29] : memref<2x10128x16xf32, #tpu.memory_space<hbm>> -> memref<1x10128x16xf32, #tpu.memory_space<hbm>>
        %dma_start3A_31 = tpu.memref_squeeze %dma_start3A_30 : memref<1x10128x16xf32, #tpu.memory_space<hbm>> -> memref<10128x16xf32, #tpu.memory_space<hbm>>
        tpu.enqueue_dma source(%arg9 : memref<10128x16xf32, #tpu.memory_space<vmem_shared>>) target(%dma_start3A_31 : memref<10128x16xf32, #tpu.memory_space<hbm>>) target_semaphore(%run_scoped3A : memref<!tpu.dma_semaphore, #tpu.memory_space<semaphore_mem>>)
        %dma_wait3A_32 = arith.constant 0 : i32
        %dma_wait3A_33 = arith.constant 0 : i32
        %dma_wait3A_34 = tpu.memref_slice %arg5[%arg0, %dma_wait3A_32, %dma_wait3A_33] : memref<2x10128x16xf32, #tpu.memory_space<hbm>> -> memref<1x10128x16xf32, #tpu.memory_space<hbm>>
        %dma_wait3A_35 = tpu.memref_squeeze %dma_wait3A_34 : memref<1x10128x16xf32, #tpu.memory_space<hbm>> -> memref<10128x16xf32, #tpu.memory_space<hbm>>
        tpu.wait_dma2 semaphore(%run_scoped3A : memref<!tpu.dma_semaphore, #tpu.memory_space<semaphore_mem>>) src(%arg9 : memref<10128x16xf32, #tpu.memory_space<vmem_shared>>) dst(%dma_wait3A_35 : memref<10128x16xf32, #tpu.memory_space<hbm>>)
        tpu.yield
      }) : () -> ()
    } else {
    }
    return
  }
}

#map = affine_map<(d0, d1) -> (0, 0)>
#map1 = affine_map<(d0, d1) -> (0)>
#map2 = affine_map<(d0, d1) -> (0, 0, 0)>
module attributes {stable_mosaic.version = 14 : i64} {
  func.func @scat_kernel(%arg0: i32, %arg1: i32, %arg2: memref<20000x128xf32, #tpu.memory_space<hbm>>, %arg3: memref<5120x128xi32, #tpu.memory_space<hbm>>, %arg4: memref<655360xi32, #tpu.memory_space<hbm>>, %arg5: memref<10128x128xf32, #tpu.memory_space<hbm>>, %arg6: memref<2x10128x128xf32, #tpu.memory_space<hbm>>, %arg7: memref<8x128xi32, #tpu.memory_space<vmem>>, %arg8: memref<128xi32, #tpu.memory_space<vmem>>, %arg9: memref<128xi32, #tpu.memory_space<vmem>>, %arg10: memref<128x128xf32, #tpu.memory_space<vmem>>, %arg11: memref<128x128xf32, #tpu.memory_space<vmem>>, %arg12: memref<10128x128xf32, #tpu.memory_space<vmem_shared>>, %arg13: memref<!tpu.dma_semaphore, #tpu.memory_space<semaphore_mem>>, %arg14: memref<!tpu.dma_semaphore, #tpu.memory_space<semaphore_mem>>, %arg15: memref<!tpu.dma_semaphore, #tpu.memory_space<semaphore_mem>>, %arg16: memref<!tpu.dma_semaphore, #tpu.memory_space<semaphore_mem>>) attributes {dimension_semantics = [#tpu.dimension_semantics<core_parallel>, #tpu.dimension_semantics<subcore_parallel>], iteration_bounds = array<i64: 2, 16>, scalar_prefetch = 0 : i64, scratch_operands = 10 : i64, tpu.core_type = #tpu.core_type<sc_vector_subcore>, window_params = [{transform_indices = #map}, {transform_indices = #map}, {transform_indices = #map1}, {transform_indices = #map}, {transform_indices = #map2}]} {
    %eq3A = arith.constant 0 : i32
    %eq3A_0 = arith.cmpi eq, %arg1, %eq3A : i32
    %convert_element_type3A = arith.extui %eq3A_0 : i1 to i32
    %cond3A = arith.constant 0 : i32
    %cond3A_1 = arith.cmpi ne, %convert_element_type3A, %cond3A : i32
    scf.if %cond3A_1 {
      "tpu.region"() ({
        %run_scoped3A = tpu.sem_alloc : memref<!tpu.dma_semaphore, #tpu.memory_space<semaphore_mem>>
        tpu.enqueue_dma source(%arg5 : memref<10128x128xf32, #tpu.memory_space<hbm>>) target(%arg12 : memref<10128x128xf32, #tpu.memory_space<vmem_shared>>) target_semaphore(%run_scoped3A : memref<!tpu.dma_semaphore, #tpu.memory_space<semaphore_mem>>)
        tpu.wait_dma2 semaphore(%run_scoped3A : memref<!tpu.dma_semaphore, #tpu.memory_space<semaphore_mem>>) src(%arg5 : memref<10128x128xf32, #tpu.memory_space<hbm>>) dst(%arg12 : memref<10128x128xf32, #tpu.memory_space<vmem_shared>>)
        tpu.yield
      }) : () -> ()
    } else {
    }
    %barrier3A = arith.constant 0 : index
    tpu.barrier barrier_id(%barrier3A)
    %mul3A = arith.constant 2560 : i32
    %mul3A_2 = arith.muli %arg0, %mul3A : i32
    %mul3A_3 = arith.constant 160 : i32
    %mul3A_4 = arith.muli %arg1, %mul3A_3 : i32
    %add3A = arith.addi %mul3A_2, %mul3A_4 : i32
    %mul3A_5 = arith.constant 327680 : i32
    %mul3A_6 = arith.muli %arg0, %mul3A_5 : i32
    %mul3A_7 = arith.constant 20480 : i32
    %mul3A_8 = arith.muli %arg1, %mul3A_7 : i32
    %add3A_9 = arith.addi %mul3A_6, %mul3A_8 : i32
    %scan3A = arith.constant 0 : i32
    %scan3A_10 = arith.constant 0 : i32
    %scan3A_11 = arith.constant 20 : i32
    %scan3A_12 = arith.addi %scan3A_10, %scan3A_11 : i32
    %scan3A_13 = arith.constant 1 : i32
    scf.for %scan3A_21 = %scan3A_10 to %scan3A_12 step %scan3A_13  : i32 {
      %mul3A_22 = arith.constant 8 : i32
      %mul3A_23 = arith.muli %scan3A_21, %mul3A_22 : i32
      %add3A_24 = arith.addi %add3A, %mul3A_23 : i32
      %mul3A_25 = arith.constant 8 : i32
      %mul3A_26 = arith.muli %scan3A_21, %mul3A_25 : i32
      %mul3A_27 = arith.constant 128 : i32
      %mul3A_28 = arith.muli %mul3A_26, %mul3A_27 : i32
      %add3A_29 = arith.addi %add3A_9, %mul3A_28 : i32
      "tpu.region"() ({
        %run_scoped3A = tpu.sem_alloc : memref<!tpu.dma_semaphore, #tpu.memory_space<semaphore_mem>>
        %dma_start3A_202 = arith.constant 0 : i32
        %dma_start3A_203 = tpu.memref_slice %arg3[%add3A_24, %dma_start3A_202] : memref<5120x128xi32, #tpu.memory_space<hbm>> -> memref<8x128xi32, #tpu.memory_space<hbm>>
        %dma_start3A_204 = arith.constant 0 : i32
        %dma_start3A_205 = tpu.memref_slice %arg3[%add3A_24, %dma_start3A_204] : memref<5120x128xi32, #tpu.memory_space<hbm>> -> memref<8x128xi32, #tpu.memory_space<hbm>>
        tpu.enqueue_dma source(%dma_start3A_205 : memref<8x128xi32, #tpu.memory_space<hbm>>) target(%arg7 : memref<8x128xi32, #tpu.memory_space<vmem>>) target_semaphore(%run_scoped3A : memref<!tpu.dma_semaphore, #tpu.memory_space<semaphore_mem>>)
        %dma_wait3A_206 = arith.constant 0 : i32
        %dma_wait3A_207 = tpu.memref_slice %arg3[%add3A_24, %dma_wait3A_206] : memref<5120x128xi32, #tpu.memory_space<hbm>> -> memref<8x128xi32, #tpu.memory_space<hbm>>
        %dma_wait3A_208 = arith.constant 0 : i32
        %dma_wait3A_209 = tpu.memref_slice %arg3[%add3A_24, %dma_wait3A_208] : memref<5120x128xi32, #tpu.memory_space<hbm>> -> memref<8x128xi32, #tpu.memory_space<hbm>>
        tpu.wait_dma2 semaphore(%run_scoped3A : memref<!tpu.dma_semaphore, #tpu.memory_space<semaphore_mem>>) src(%dma_wait3A_209 : memref<8x128xi32, #tpu.memory_space<hbm>>) dst(%arg7 : memref<8x128xi32, #tpu.memory_space<vmem>>)
        tpu.yield
      }) : () -> ()
      %dma_start3A = arith.constant 0 : i32
      %dma_start3A_30 = arith.constant 0 : i32
      %dma_start3A_31 = tpu.memref_slice %arg7[%dma_start3A, %dma_start3A_30] : memref<8x128xi32, #tpu.memory_space<vmem>> -> memref<1x128xi32, #tpu.memory_space<vmem>>
      %dma_start3A_32 = tpu.memref_squeeze %dma_start3A_31 : memref<1x128xi32, #tpu.memory_space<vmem>> -> memref<128xi32, #tpu.memory_space<vmem>>
      %dma_start3A_33 = arith.constant 0 : i32
      %dma_start3A_34 = arith.constant 0 : i32
      %dma_start3A_35 = tpu.memref_slice %arg2[%dma_start3A_33, %dma_start3A_34] : memref<20000x128xf32, #tpu.memory_space<hbm>> -> memref<20000x128xf32, #tpu.memory_space<hbm>>
      tpu.enqueue_indirect_dma source(%dma_start3A_35 : memref<20000x128xf32, #tpu.memory_space<hbm>>) target(%arg10 : memref<128x128xf32, #tpu.memory_space<vmem>>) offsets(%dma_start3A_32 : memref<128xi32, #tpu.memory_space<vmem>>) semaphore(%arg13 : memref<!tpu.dma_semaphore, #tpu.memory_space<semaphore_mem>>)
      %dma_start3A_36 = tpu.memref_slice %arg4[%add3A_29] : memref<655360xi32, #tpu.memory_space<hbm>> -> memref<128xi32, #tpu.memory_space<hbm>>
      %dma_start3A_37 = tpu.memref_slice %arg4[%add3A_29] : memref<655360xi32, #tpu.memory_space<hbm>> -> memref<128xi32, #tpu.memory_space<hbm>>
      tpu.enqueue_dma source(%dma_start3A_37 : memref<128xi32, #tpu.memory_space<hbm>>) target(%arg8 : memref<128xi32, #tpu.memory_space<vmem>>) target_semaphore(%arg15 : memref<!tpu.dma_semaphore, #tpu.memory_space<semaphore_mem>>)
      %dma_start3A_38 = arith.constant 1 : i32
      %dma_start3A_39 = arith.constant 0 : i32
      %dma_start3A_40 = tpu.memref_slice %arg7[%dma_start3A_38, %dma_start3A_39] : memref<8x128xi32, #tpu.memory_space<vmem>> -> memref<1x128xi32, #tpu.memory_space<vmem>>
      %dma_start3A_41 = tpu.memref_squeeze %dma_start3A_40 : memref<1x128xi32, #tpu.memory_space<vmem>> -> memref<128xi32, #tpu.memory_space<vmem>>
      %dma_start3A_42 = arith.constant 0 : i32
      %dma_start3A_43 = arith.constant 0 : i32
      %dma_start3A_44 = tpu.memref_slice %arg2[%dma_start3A_42, %dma_start3A_43] : memref<20000x128xf32, #tpu.memory_space<hbm>> -> memref<20000x128xf32, #tpu.memory_space<hbm>>
      tpu.enqueue_indirect_dma source(%dma_start3A_44 : memref<20000x128xf32, #tpu.memory_space<hbm>>) target(%arg11 : memref<128x128xf32, #tpu.memory_space<vmem>>) offsets(%dma_start3A_41 : memref<128xi32, #tpu.memory_space<vmem>>) semaphore(%arg14 : memref<!tpu.dma_semaphore, #tpu.memory_space<semaphore_mem>>)
      %add3A_45 = arith.constant 128 : i32
      %add3A_46 = arith.addi %add3A_29, %add3A_45 : i32
      %dma_start3A_47 = tpu.memref_slice %arg4[%add3A_46] : memref<655360xi32, #tpu.memory_space<hbm>> -> memref<128xi32, #tpu.memory_space<hbm>>
      %dma_start3A_48 = tpu.memref_slice %arg4[%add3A_46] : memref<655360xi32, #tpu.memory_space<hbm>> -> memref<128xi32, #tpu.memory_space<hbm>>
      tpu.enqueue_dma source(%dma_start3A_48 : memref<128xi32, #tpu.memory_space<hbm>>) target(%arg9 : memref<128xi32, #tpu.memory_space<vmem>>) target_semaphore(%arg16 : memref<!tpu.dma_semaphore, #tpu.memory_space<semaphore_mem>>)
      %add3A_49 = arith.constant 0 : i32
      %add3A_50 = arith.addi %add3A_29, %add3A_49 : i32
      %dma_wait3A = tpu.memref_slice %arg4[%add3A_50] : memref<655360xi32, #tpu.memory_space<hbm>> -> memref<128xi32, #tpu.memory_space<hbm>>
      %dma_wait3A_51 = tpu.memref_slice %arg4[%add3A_50] : memref<655360xi32, #tpu.memory_space<hbm>> -> memref<128xi32, #tpu.memory_space<hbm>>
      tpu.wait_dma2 semaphore(%arg15 : memref<!tpu.dma_semaphore, #tpu.memory_space<semaphore_mem>>) src(%dma_wait3A_51 : memref<128xi32, #tpu.memory_space<hbm>>) dst(%arg8 : memref<128xi32, #tpu.memory_space<vmem>>)
      %dma_wait3A_52 = arith.constant 0 : i32
      %dma_wait3A_53 = arith.constant 0 : i32
      %dma_wait3A_54 = tpu.memref_slice %arg7[%dma_wait3A_52, %dma_wait3A_53] : memref<8x128xi32, #tpu.memory_space<vmem>> -> memref<1x128xi32, #tpu.memory_space<vmem>>
      %dma_wait3A_55 = tpu.memref_squeeze %dma_wait3A_54 : memref<1x128xi32, #tpu.memory_space<vmem>> -> memref<128xi32, #tpu.memory_space<vmem>>
      %dma_wait3A_56 = arith.constant 0 : i32
      %dma_wait3A_57 = arith.constant 0 : i32
      %dma_wait3A_58 = tpu.memref_slice %arg2[%dma_wait3A_56, %dma_wait3A_57] : memref<20000x128xf32, #tpu.memory_space<hbm>> -> memref<20000x128xf32, #tpu.memory_space<hbm>>
      tpu.wait_indirect_dma semaphore(%arg13 : memref<!tpu.dma_semaphore, #tpu.memory_space<semaphore_mem>>) src(%dma_wait3A_58 : memref<20000x128xf32, #tpu.memory_space<hbm>>) dst(%arg10 : memref<128x128xf32, #tpu.memory_space<vmem>>)
      "tpu.region"() ({
        %run_scoped3A = tpu.sem_alloc : memref<!tpu.dma_semaphore, #tpu.memory_space<semaphore_mem>>
        %dma_start3A_202 = arith.constant 0 : i32
        %dma_start3A_203 = arith.constant 0 : i32
        %dma_start3A_204 = tpu.memref_slice %arg12[%dma_start3A_202, %dma_start3A_203] : memref<10128x128xf32, #tpu.memory_space<vmem_shared>> -> memref<10128x128xf32, #tpu.memory_space<vmem_shared>>
        tpu.enqueue_indirect_dma source(%arg10 : memref<128x128xf32, #tpu.memory_space<vmem>>) target(%dma_start3A_204 : memref<10128x128xf32, #tpu.memory_space<vmem_shared>>) offsets(%arg8 : memref<128xi32, #tpu.memory_space<vmem>>) semaphore(%run_scoped3A : memref<!tpu.dma_semaphore, #tpu.memory_space<semaphore_mem>>) {add = true}
        %dma_wait3A_205 = arith.constant 0 : i32
        %dma_wait3A_206 = arith.constant 0 : i32
        %dma_wait3A_207 = tpu.memref_slice %arg12[%dma_wait3A_205, %dma_wait3A_206] : memref<10128x128xf32, #tpu.memory_space<vmem_shared>> -> memref<10128x128xf32, #tpu.memory_space<vmem_shared>>
        tpu.wait_indirect_dma semaphore(%run_scoped3A : memref<!tpu.dma_semaphore, #tpu.memory_space<semaphore_mem>>) src(%arg10 : memref<128x128xf32, #tpu.memory_space<vmem>>) dst(%dma_wait3A_207 : memref<10128x128xf32, #tpu.memory_space<vmem_shared>>)
        tpu.yield
      }) : () -> ()
      %dma_start3A_59 = arith.constant 2 : i32
      %dma_start3A_60 = arith.constant 0 : i32
      %dma_start3A_61 = tpu.memref_slice %arg7[%dma_start3A_59, %dma_start3A_60] : memref<8x128xi32, #tpu.memory_space<vmem>> -> memref<1x128xi32, #tpu.memory_space<vmem>>
      %dma_start3A_62 = tpu.memref_squeeze %dma_start3A_61 : memref<1x128xi32, #tpu.memory_space<vmem>> -> memref<128xi32, #tpu.memory_space<vmem>>
      %dma_start3A_63 = arith.constant 0 : i32
      %dma_start3A_64 = arith.constant 0 : i32
      %dma_start3A_65 = tpu.memref_slice %arg2[%dma_start3A_63, %dma_start3A_64] : memref<20000x128xf32, #tpu.memory_space<hbm>> -> memref<20000x128xf32, #tpu.memory_space<hbm>>
      tpu.enqueue_indirect_dma source(%dma_start3A_65 : memref<20000x128xf32, #tpu.memory_space<hbm>>) target(%arg10 : memref<128x128xf32, #tpu.memory_space<vmem>>) offsets(%dma_start3A_62 : memref<128xi32, #tpu.memory_space<vmem>>) semaphore(%arg13 : memref<!tpu.dma_semaphore, #tpu.memory_space<semaphore_mem>>)
      %add3A_66 = arith.constant 256 : i32
      %add3A_67 = arith.addi %add3A_29, %add3A_66 : i32
      %dma_start3A_68 = tpu.memref_slice %arg4[%add3A_67] : memref<655360xi32, #tpu.memory_space<hbm>> -> memref<128xi32, #tpu.memory_space<hbm>>
      %dma_start3A_69 = tpu.memref_slice %arg4[%add3A_67] : memref<655360xi32, #tpu.memory_space<hbm>> -> memref<128xi32, #tpu.memory_space<hbm>>
      tpu.enqueue_dma source(%dma_start3A_69 : memref<128xi32, #tpu.memory_space<hbm>>) target(%arg8 : memref<128xi32, #tpu.memory_space<vmem>>) target_semaphore(%arg15 : memref<!tpu.dma_semaphore, #tpu.memory_space<semaphore_mem>>)
      %add3A_70 = arith.constant 128 : i32
      %add3A_71 = arith.addi %add3A_29, %add3A_70 : i32
      %dma_wait3A_72 = tpu.memref_slice %arg4[%add3A_71] : memref<655360xi32, #tpu.memory_space<hbm>> -> memref<128xi32, #tpu.memory_space<hbm>>
      %dma_wait3A_73 = tpu.memref_slice %arg4[%add3A_71] : memref<655360xi32, #tpu.memory_space<hbm>> -> memref<128xi32, #tpu.memory_space<hbm>>
      tpu.wait_dma2 semaphore(%arg16 : memref<!tpu.dma_semaphore, #tpu.memory_space<semaphore_mem>>) src(%dma_wait3A_73 : memref<128xi32, #tpu.memory_space<hbm>>) dst(%arg9 : memref<128xi32, #tpu.memory_space<vmem>>)
      %dma_wait3A_74 = arith.constant 1 : i32
      %dma_wait3A_75 = arith.constant 0 : i32
      %dma_wait3A_76 = tpu.memref_slice %arg7[%dma_wait3A_74, %dma_wait3A_75] : memref<8x128xi32, #tpu.memory_space<vmem>> -> memref<1x128xi32, #tpu.memory_space<vmem>>
      %dma_wait3A_77 = tpu.memref_squeeze %dma_wait3A_76 : memref<1x128xi32, #tpu.memory_space<vmem>> -> memref<128xi32, #tpu.memory_space<vmem>>
      %dma_wait3A_78 = arith.constant 0 : i32
      %dma_wait3A_79 = arith.constant 0 : i32
      %dma_wait3A_80 = tpu.memref_slice %arg2[%dma_wait3A_78, %dma_wait3A_79] : memref<20000x128xf32, #tpu.memory_space<hbm>> -> memref<20000x128xf32, #tpu.memory_space<hbm>>
      tpu.wait_indirect_dma semaphore(%arg14 : memref<!tpu.dma_semaphore, #tpu.memory_space<semaphore_mem>>) src(%dma_wait3A_80 : memref<20000x128xf32, #tpu.memory_space<hbm>>) dst(%arg11 : memref<128x128xf32, #tpu.memory_space<vmem>>)
      "tpu.region"() ({
        %run_scoped3A = tpu.sem_alloc : memref<!tpu.dma_semaphore, #tpu.memory_space<semaphore_mem>>
        %dma_start3A_202 = arith.constant 0 : i32
        %dma_start3A_203 = arith.constant 0 : i32
        %dma_start3A_204 = tpu.memref_slice %arg12[%dma_start3A_202, %dma_start3A_203] : memref<10128x128xf32, #tpu.memory_space<vmem_shared>> -> memref<10128x128xf32, #tpu.memory_space<vmem_shared>>
        tpu.enqueue_indirect_dma source(%arg11 : memref<128x128xf32, #tpu.memory_space<vmem>>) target(%dma_start3A_204 : memref<10128x128xf32, #tpu.memory_space<vmem_shared>>) offsets(%arg9 : memref<128xi32, #tpu.memory_space<vmem>>) semaphore(%run_scoped3A : memref<!tpu.dma_semaphore, #tpu.memory_space<semaphore_mem>>) {add = true}
        %dma_wait3A_205 = arith.constant 0 : i32
        %dma_wait3A_206 = arith.constant 0 : i32
        %dma_wait3A_207 = tpu.memref_slice %arg12[%dma_wait3A_205, %dma_wait3A_206] : memref<10128x128xf32, #tpu.memory_space<vmem_shared>> -> memref<10128x128xf32, #tpu.memory_space<vmem_shared>>
        tpu.wait_indirect_dma semaphore(%run_scoped3A : memref<!tpu.dma_semaphore, #tpu.memory_space<semaphore_mem>>) src(%arg11 : memref<128x128xf32, #tpu.memory_space<vmem>>) dst(%dma_wait3A_207 : memref<10128x128xf32, #tpu.memory_space<vmem_shared>>)
        tpu.yield
      }) : () -> ()
      %dma_start3A_81 = arith.constant 3 : i32
      %dma_start3A_82 = arith.constant 0 : i32
      %dma_start3A_83 = tpu.memref_slice %arg7[%dma_start3A_81, %dma_start3A_82] : memref<8x128xi32, #tpu.memory_space<vmem>> -> memref<1x128xi32, #tpu.memory_space<vmem>>
      %dma_start3A_84 = tpu.memref_squeeze %dma_start3A_83 : memref<1x128xi32, #tpu.memory_space<vmem>> -> memref<128xi32, #tpu.memory_space<vmem>>
      %dma_start3A_85 = arith.constant 0 : i32
      %dma_start3A_86 = arith.constant 0 : i32
      %dma_start3A_87 = tpu.memref_slice %arg2[%dma_start3A_85, %dma_start3A_86] : memref<20000x128xf32, #tpu.memory_space<hbm>> -> memref<20000x128xf32, #tpu.memory_space<hbm>>
      tpu.enqueue_indirect_dma source(%dma_start3A_87 : memref<20000x128xf32, #tpu.memory_space<hbm>>) target(%arg11 : memref<128x128xf32, #tpu.memory_space<vmem>>) offsets(%dma_start3A_84 : memref<128xi32, #tpu.memory_space<vmem>>) semaphore(%arg14 : memref<!tpu.dma_semaphore, #tpu.memory_space<semaphore_mem>>)
      %add3A_88 = arith.constant 384 : i32
      %add3A_89 = arith.addi %add3A_29, %add3A_88 : i32
      %dma_start3A_90 = tpu.memref_slice %arg4[%add3A_89] : memref<655360xi32, #tpu.memory_space<hbm>> -> memref<128xi32, #tpu.memory_space<hbm>>
      %dma_start3A_91 = tpu.memref_slice %arg4[%add3A_89] : memref<655360xi32, #tpu.memory_space<hbm>> -> memref<128xi32, #tpu.memory_space<hbm>>
      tpu.enqueue_dma source(%dma_start3A_91 : memref<128xi32, #tpu.memory_space<hbm>>) target(%arg9 : memref<128xi32, #tpu.memory_space<vmem>>) target_semaphore(%arg16 : memref<!tpu.dma_semaphore, #tpu.memory_space<semaphore_mem>>)
      %add3A_92 = arith.constant 256 : i32
      %add3A_93 = arith.addi %add3A_29, %add3A_92 : i32
      %dma_wait3A_94 = tpu.memref_slice %arg4[%add3A_93] : memref<655360xi32, #tpu.memory_space<hbm>> -> memref<128xi32, #tpu.memory_space<hbm>>
      %dma_wait3A_95 = tpu.memref_slice %arg4[%add3A_93] : memref<655360xi32, #tpu.memory_space<hbm>> -> memref<128xi32, #tpu.memory_space<hbm>>
      tpu.wait_dma2 semaphore(%arg15 : memref<!tpu.dma_semaphore, #tpu.memory_space<semaphore_mem>>) src(%dma_wait3A_95 : memref<128xi32, #tpu.memory_space<hbm>>) dst(%arg8 : memref<128xi32, #tpu.memory_space<vmem>>)
      %dma_wait3A_96 = arith.constant 2 : i32
      %dma_wait3A_97 = arith.constant 0 : i32
      %dma_wait3A_98 = tpu.memref_slice %arg7[%dma_wait3A_96, %dma_wait3A_97] : memref<8x128xi32, #tpu.memory_space<vmem>> -> memref<1x128xi32, #tpu.memory_space<vmem>>
      %dma_wait3A_99 = tpu.memref_squeeze %dma_wait3A_98 : memref<1x128xi32, #tpu.memory_space<vmem>> -> memref<128xi32, #tpu.memory_space<vmem>>
      %dma_wait3A_100 = arith.constant 0 : i32
      %dma_wait3A_101 = arith.constant 0 : i32
      %dma_wait3A_102 = tpu.memref_slice %arg2[%dma_wait3A_100, %dma_wait3A_101] : memref<20000x128xf32, #tpu.memory_space<hbm>> -> memref<20000x128xf32, #tpu.memory_space<hbm>>
      tpu.wait_indirect_dma semaphore(%arg13 : memref<!tpu.dma_semaphore, #tpu.memory_space<semaphore_mem>>) src(%dma_wait3A_102 : memref<20000x128xf32, #tpu.memory_space<hbm>>) dst(%arg10 : memref<128x128xf32, #tpu.memory_space<vmem>>)
      "tpu.region"() ({
        %run_scoped3A = tpu.sem_alloc : memref<!tpu.dma_semaphore, #tpu.memory_space<semaphore_mem>>
        %dma_start3A_202 = arith.constant 0 : i32
        %dma_start3A_203 = arith.constant 0 : i32
        %dma_start3A_204 = tpu.memref_slice %arg12[%dma_start3A_202, %dma_start3A_203] : memref<10128x128xf32, #tpu.memory_space<vmem_shared>> -> memref<10128x128xf32, #tpu.memory_space<vmem_shared>>
        tpu.enqueue_indirect_dma source(%arg10 : memref<128x128xf32, #tpu.memory_space<vmem>>) target(%dma_start3A_204 : memref<10128x128xf32, #tpu.memory_space<vmem_shared>>) offsets(%arg8 : memref<128xi32, #tpu.memory_space<vmem>>) semaphore(%run_scoped3A : memref<!tpu.dma_semaphore, #tpu.memory_space<semaphore_mem>>) {add = true}
        %dma_wait3A_205 = arith.constant 0 : i32
        %dma_wait3A_206 = arith.constant 0 : i32
        %dma_wait3A_207 = tpu.memref_slice %arg12[%dma_wait3A_205, %dma_wait3A_206] : memref<10128x128xf32, #tpu.memory_space<vmem_shared>> -> memref<10128x128xf32, #tpu.memory_space<vmem_shared>>
        tpu.wait_indirect_dma semaphore(%run_scoped3A : memref<!tpu.dma_semaphore, #tpu.memory_space<semaphore_mem>>) src(%arg10 : memref<128x128xf32, #tpu.memory_space<vmem>>) dst(%dma_wait3A_207 : memref<10128x128xf32, #tpu.memory_space<vmem_shared>>)
        tpu.yield
      }) : () -> ()
      %dma_start3A_103 = arith.constant 4 : i32
      %dma_start3A_104 = arith.constant 0 : i32
      %dma_start3A_105 = tpu.memref_slice %arg7[%dma_start3A_103, %dma_start3A_104] : memref<8x128xi32, #tpu.memory_space<vmem>> -> memref<1x128xi32, #tpu.memory_space<vmem>>
      %dma_start3A_106 = tpu.memref_squeeze %dma_start3A_105 : memref<1x128xi32, #tpu.memory_space<vmem>> -> memref<128xi32, #tpu.memory_space<vmem>>
      %dma_start3A_107 = arith.constant 0 : i32
      %dma_start3A_108 = arith.constant 0 : i32
      %dma_start3A_109 = tpu.memref_slice %arg2[%dma_start3A_107, %dma_start3A_108] : memref<20000x128xf32, #tpu.memory_space<hbm>> -> memref<20000x128xf32, #tpu.memory_space<hbm>>
      tpu.enqueue_indirect_dma source(%dma_start3A_109 : memref<20000x128xf32, #tpu.memory_space<hbm>>) target(%arg10 : memref<128x128xf32, #tpu.memory_space<vmem>>) offsets(%dma_start3A_106 : memref<128xi32, #tpu.memory_space<vmem>>) semaphore(%arg13 : memref<!tpu.dma_semaphore, #tpu.memory_space<semaphore_mem>>)
      %add3A_110 = arith.constant 512 : i32
      %add3A_111 = arith.addi %add3A_29, %add3A_110 : i32
      %dma_start3A_112 = tpu.memref_slice %arg4[%add3A_111] : memref<655360xi32, #tpu.memory_space<hbm>> -> memref<128xi32, #tpu.memory_space<hbm>>
      %dma_start3A_113 = tpu.memref_slice %arg4[%add3A_111] : memref<655360xi32, #tpu.memory_space<hbm>> -> memref<128xi32, #tpu.memory_space<hbm>>
      tpu.enqueue_dma source(%dma_start3A_113 : memref<128xi32, #tpu.memory_space<hbm>>) target(%arg8 : memref<128xi32, #tpu.memory_space<vmem>>) target_semaphore(%arg15 : memref<!tpu.dma_semaphore, #tpu.memory_space<semaphore_mem>>)
      %add3A_114 = arith.constant 384 : i32
      %add3A_115 = arith.addi %add3A_29, %add3A_114 : i32
      %dma_wait3A_116 = tpu.memref_slice %arg4[%add3A_115] : memref<655360xi32, #tpu.memory_space<hbm>> -> memref<128xi32, #tpu.memory_space<hbm>>
      %dma_wait3A_117 = tpu.memref_slice %arg4[%add3A_115] : memref<655360xi32, #tpu.memory_space<hbm>> -> memref<128xi32, #tpu.memory_space<hbm>>
      tpu.wait_dma2 semaphore(%arg16 : memref<!tpu.dma_semaphore, #tpu.memory_space<semaphore_mem>>) src(%dma_wait3A_117 : memref<128xi32, #tpu.memory_space<hbm>>) dst(%arg9 : memref<128xi32, #tpu.memory_space<vmem>>)
      %dma_wait3A_118 = arith.constant 3 : i32
      %dma_wait3A_119 = arith.constant 0 : i32
      %dma_wait3A_120 = tpu.memref_slice %arg7[%dma_wait3A_118, %dma_wait3A_119] : memref<8x128xi32, #tpu.memory_space<vmem>> -> memref<1x128xi32, #tpu.memory_space<vmem>>
      %dma_wait3A_121 = tpu.memref_squeeze %dma_wait3A_120 : memref<1x128xi32, #tpu.memory_space<vmem>> -> memref<128xi32, #tpu.memory_space<vmem>>
      %dma_wait3A_122 = arith.constant 0 : i32
      %dma_wait3A_123 = arith.constant 0 : i32
      %dma_wait3A_124 = tpu.memref_slice %arg2[%dma_wait3A_122, %dma_wait3A_123] : memref<20000x128xf32, #tpu.memory_space<hbm>> -> memref<20000x128xf32, #tpu.memory_space<hbm>>
      tpu.wait_indirect_dma semaphore(%arg14 : memref<!tpu.dma_semaphore, #tpu.memory_space<semaphore_mem>>) src(%dma_wait3A_124 : memref<20000x128xf32, #tpu.memory_space<hbm>>) dst(%arg11 : memref<128x128xf32, #tpu.memory_space<vmem>>)
      "tpu.region"() ({
        %run_scoped3A = tpu.sem_alloc : memref<!tpu.dma_semaphore, #tpu.memory_space<semaphore_mem>>
        %dma_start3A_202 = arith.constant 0 : i32
        %dma_start3A_203 = arith.constant 0 : i32
        %dma_start3A_204 = tpu.memref_slice %arg12[%dma_start3A_202, %dma_start3A_203] : memref<10128x128xf32, #tpu.memory_space<vmem_shared>> -> memref<10128x128xf32, #tpu.memory_space<vmem_shared>>
        tpu.enqueue_indirect_dma source(%arg11 : memref<128x128xf32, #tpu.memory_space<vmem>>) target(%dma_start3A_204 : memref<10128x128xf32, #tpu.memory_space<vmem_shared>>) offsets(%arg9 : memref<128xi32, #tpu.memory_space<vmem>>) semaphore(%run_scoped3A : memref<!tpu.dma_semaphore, #tpu.memory_space<semaphore_mem>>) {add = true}
        %dma_wait3A_205 = arith.constant 0 : i32
        %dma_wait3A_206 = arith.constant 0 : i32
        %dma_wait3A_207 = tpu.memref_slice %arg12[%dma_wait3A_205, %dma_wait3A_206] : memref<10128x128xf32, #tpu.memory_space<vmem_shared>> -> memref<10128x128xf32, #tpu.memory_space<vmem_shared>>
        tpu.wait_indirect_dma semaphore(%run_scoped3A : memref<!tpu.dma_semaphore, #tpu.memory_space<semaphore_mem>>) src(%arg11 : memref<128x128xf32, #tpu.memory_space<vmem>>) dst(%dma_wait3A_207 : memref<10128x128xf32, #tpu.memory_space<vmem_shared>>)
        tpu.yield
      }) : () -> ()
      %dma_start3A_125 = arith.constant 5 : i32
      %dma_start3A_126 = arith.constant 0 : i32
      %dma_start3A_127 = tpu.memref_slice %arg7[%dma_start3A_125, %dma_start3A_126] : memref<8x128xi32, #tpu.memory_space<vmem>> -> memref<1x128xi32, #tpu.memory_space<vmem>>
      %dma_start3A_128 = tpu.memref_squeeze %dma_start3A_127 : memref<1x128xi32, #tpu.memory_space<vmem>> -> memref<128xi32, #tpu.memory_space<vmem>>
      %dma_start3A_129 = arith.constant 0 : i32
      %dma_start3A_130 = arith.constant 0 : i32
      %dma_start3A_131 = tpu.memref_slice %arg2[%dma_start3A_129, %dma_start3A_130] : memref<20000x128xf32, #tpu.memory_space<hbm>> -> memref<20000x128xf32, #tpu.memory_space<hbm>>
      tpu.enqueue_indirect_dma source(%dma_start3A_131 : memref<20000x128xf32, #tpu.memory_space<hbm>>) target(%arg11 : memref<128x128xf32, #tpu.memory_space<vmem>>) offsets(%dma_start3A_128 : memref<128xi32, #tpu.memory_space<vmem>>) semaphore(%arg14 : memref<!tpu.dma_semaphore, #tpu.memory_space<semaphore_mem>>)
      %add3A_132 = arith.constant 640 : i32
      %add3A_133 = arith.addi %add3A_29, %add3A_132 : i32
      %dma_start3A_134 = tpu.memref_slice %arg4[%add3A_133] : memref<655360xi32, #tpu.memory_space<hbm>> -> memref<128xi32, #tpu.memory_space<hbm>>
      %dma_start3A_135 = tpu.memref_slice %arg4[%add3A_133] : memref<655360xi32, #tpu.memory_space<hbm>> -> memref<128xi32, #tpu.memory_space<hbm>>
      tpu.enqueue_dma source(%dma_start3A_135 : memref<128xi32, #tpu.memory_space<hbm>>) target(%arg9 : memref<128xi32, #tpu.memory_space<vmem>>) target_semaphore(%arg16 : memref<!tpu.dma_semaphore, #tpu.memory_space<semaphore_mem>>)
      %add3A_136 = arith.constant 512 : i32
      %add3A_137 = arith.addi %add3A_29, %add3A_136 : i32
      %dma_wait3A_138 = tpu.memref_slice %arg4[%add3A_137] : memref<655360xi32, #tpu.memory_space<hbm>> -> memref<128xi32, #tpu.memory_space<hbm>>
      %dma_wait3A_139 = tpu.memref_slice %arg4[%add3A_137] : memref<655360xi32, #tpu.memory_space<hbm>> -> memref<128xi32, #tpu.memory_space<hbm>>
      tpu.wait_dma2 semaphore(%arg15 : memref<!tpu.dma_semaphore, #tpu.memory_space<semaphore_mem>>) src(%dma_wait3A_139 : memref<128xi32, #tpu.memory_space<hbm>>) dst(%arg8 : memref<128xi32, #tpu.memory_space<vmem>>)
      %dma_wait3A_140 = arith.constant 4 : i32
      %dma_wait3A_141 = arith.constant 0 : i32
      %dma_wait3A_142 = tpu.memref_slice %arg7[%dma_wait3A_140, %dma_wait3A_141] : memref<8x128xi32, #tpu.memory_space<vmem>> -> memref<1x128xi32, #tpu.memory_space<vmem>>
      %dma_wait3A_143 = tpu.memref_squeeze %dma_wait3A_142 : memref<1x128xi32, #tpu.memory_space<vmem>> -> memref<128xi32, #tpu.memory_space<vmem>>
      %dma_wait3A_144 = arith.constant 0 : i32
      %dma_wait3A_145 = arith.constant 0 : i32
      %dma_wait3A_146 = tpu.memref_slice %arg2[%dma_wait3A_144, %dma_wait3A_145] : memref<20000x128xf32, #tpu.memory_space<hbm>> -> memref<20000x128xf32, #tpu.memory_space<hbm>>
      tpu.wait_indirect_dma semaphore(%arg13 : memref<!tpu.dma_semaphore, #tpu.memory_space<semaphore_mem>>) src(%dma_wait3A_146 : memref<20000x128xf32, #tpu.memory_space<hbm>>) dst(%arg10 : memref<128x128xf32, #tpu.memory_space<vmem>>)
      "tpu.region"() ({
        %run_scoped3A = tpu.sem_alloc : memref<!tpu.dma_semaphore, #tpu.memory_space<semaphore_mem>>
        %dma_start3A_202 = arith.constant 0 : i32
        %dma_start3A_203 = arith.constant 0 : i32
        %dma_start3A_204 = tpu.memref_slice %arg12[%dma_start3A_202, %dma_start3A_203] : memref<10128x128xf32, #tpu.memory_space<vmem_shared>> -> memref<10128x128xf32, #tpu.memory_space<vmem_shared>>
        tpu.enqueue_indirect_dma source(%arg10 : memref<128x128xf32, #tpu.memory_space<vmem>>) target(%dma_start3A_204 : memref<10128x128xf32, #tpu.memory_space<vmem_shared>>) offsets(%arg8 : memref<128xi32, #tpu.memory_space<vmem>>) semaphore(%run_scoped3A : memref<!tpu.dma_semaphore, #tpu.memory_space<semaphore_mem>>) {add = true}
        %dma_wait3A_205 = arith.constant 0 : i32
        %dma_wait3A_206 = arith.constant 0 : i32
        %dma_wait3A_207 = tpu.memref_slice %arg12[%dma_wait3A_205, %dma_wait3A_206] : memref<10128x128xf32, #tpu.memory_space<vmem_shared>> -> memref<10128x128xf32, #tpu.memory_space<vmem_shared>>
        tpu.wait_indirect_dma semaphore(%run_scoped3A : memref<!tpu.dma_semaphore, #tpu.memory_space<semaphore_mem>>) src(%arg10 : memref<128x128xf32, #tpu.memory_space<vmem>>) dst(%dma_wait3A_207 : memref<10128x128xf32, #tpu.memory_space<vmem_shared>>)
        tpu.yield
      }) : () -> ()
      %dma_start3A_147 = arith.constant 6 : i32
      %dma_start3A_148 = arith.constant 0 : i32
      %dma_start3A_149 = tpu.memref_slice %arg7[%dma_start3A_147, %dma_start3A_148] : memref<8x128xi32, #tpu.memory_space<vmem>> -> memref<1x128xi32, #tpu.memory_space<vmem>>
      %dma_start3A_150 = tpu.memref_squeeze %dma_start3A_149 : memref<1x128xi32, #tpu.memory_space<vmem>> -> memref<128xi32, #tpu.memory_space<vmem>>
      %dma_start3A_151 = arith.constant 0 : i32
      %dma_start3A_152 = arith.constant 0 : i32
      %dma_start3A_153 = tpu.memref_slice %arg2[%dma_start3A_151, %dma_start3A_152] : memref<20000x128xf32, #tpu.memory_space<hbm>> -> memref<20000x128xf32, #tpu.memory_space<hbm>>
      tpu.enqueue_indirect_dma source(%dma_start3A_153 : memref<20000x128xf32, #tpu.memory_space<hbm>>) target(%arg10 : memref<128x128xf32, #tpu.memory_space<vmem>>) offsets(%dma_start3A_150 : memref<128xi32, #tpu.memory_space<vmem>>) semaphore(%arg13 : memref<!tpu.dma_semaphore, #tpu.memory_space<semaphore_mem>>)
      %add3A_154 = arith.constant 768 : i32
      %add3A_155 = arith.addi %add3A_29, %add3A_154 : i32
      %dma_start3A_156 = tpu.memref_slice %arg4[%add3A_155] : memref<655360xi32, #tpu.memory_space<hbm>> -> memref<128xi32, #tpu.memory_space<hbm>>
      %dma_start3A_157 = tpu.memref_slice %arg4[%add3A_155] : memref<655360xi32, #tpu.memory_space<hbm>> -> memref<128xi32, #tpu.memory_space<hbm>>
      tpu.enqueue_dma source(%dma_start3A_157 : memref<128xi32, #tpu.memory_space<hbm>>) target(%arg8 : memref<128xi32, #tpu.memory_space<vmem>>) target_semaphore(%arg15 : memref<!tpu.dma_semaphore, #tpu.memory_space<semaphore_mem>>)
      %add3A_158 = arith.constant 640 : i32
      %add3A_159 = arith.addi %add3A_29, %add3A_158 : i32
      %dma_wait3A_160 = tpu.memref_slice %arg4[%add3A_159] : memref<655360xi32, #tpu.memory_space<hbm>> -> memref<128xi32, #tpu.memory_space<hbm>>
      %dma_wait3A_161 = tpu.memref_slice %arg4[%add3A_159] : memref<655360xi32, #tpu.memory_space<hbm>> -> memref<128xi32, #tpu.memory_space<hbm>>
      tpu.wait_dma2 semaphore(%arg16 : memref<!tpu.dma_semaphore, #tpu.memory_space<semaphore_mem>>) src(%dma_wait3A_161 : memref<128xi32, #tpu.memory_space<hbm>>) dst(%arg9 : memref<128xi32, #tpu.memory_space<vmem>>)
      %dma_wait3A_162 = arith.constant 5 : i32
      %dma_wait3A_163 = arith.constant 0 : i32
      %dma_wait3A_164 = tpu.memref_slice %arg7[%dma_wait3A_162, %dma_wait3A_163] : memref<8x128xi32, #tpu.memory_space<vmem>> -> memref<1x128xi32, #tpu.memory_space<vmem>>
      %dma_wait3A_165 = tpu.memref_squeeze %dma_wait3A_164 : memref<1x128xi32, #tpu.memory_space<vmem>> -> memref<128xi32, #tpu.memory_space<vmem>>
      %dma_wait3A_166 = arith.constant 0 : i32
      %dma_wait3A_167 = arith.constant 0 : i32
      %dma_wait3A_168 = tpu.memref_slice %arg2[%dma_wait3A_166, %dma_wait3A_167] : memref<20000x128xf32, #tpu.memory_space<hbm>> -> memref<20000x128xf32, #tpu.memory_space<hbm>>
      tpu.wait_indirect_dma semaphore(%arg14 : memref<!tpu.dma_semaphore, #tpu.memory_space<semaphore_mem>>) src(%dma_wait3A_168 : memref<20000x128xf32, #tpu.memory_space<hbm>>) dst(%arg11 : memref<128x128xf32, #tpu.memory_space<vmem>>)
      "tpu.region"() ({
        %run_scoped3A = tpu.sem_alloc : memref<!tpu.dma_semaphore, #tpu.memory_space<semaphore_mem>>
        %dma_start3A_202 = arith.constant 0 : i32
        %dma_start3A_203 = arith.constant 0 : i32
        %dma_start3A_204 = tpu.memref_slice %arg12[%dma_start3A_202, %dma_start3A_203] : memref<10128x128xf32, #tpu.memory_space<vmem_shared>> -> memref<10128x128xf32, #tpu.memory_space<vmem_shared>>
        tpu.enqueue_indirect_dma source(%arg11 : memref<128x128xf32, #tpu.memory_space<vmem>>) target(%dma_start3A_204 : memref<10128x128xf32, #tpu.memory_space<vmem_shared>>) offsets(%arg9 : memref<128xi32, #tpu.memory_space<vmem>>) semaphore(%run_scoped3A : memref<!tpu.dma_semaphore, #tpu.memory_space<semaphore_mem>>) {add = true}
        %dma_wait3A_205 = arith.constant 0 : i32
        %dma_wait3A_206 = arith.constant 0 : i32
        %dma_wait3A_207 = tpu.memref_slice %arg12[%dma_wait3A_205, %dma_wait3A_206] : memref<10128x128xf32, #tpu.memory_space<vmem_shared>> -> memref<10128x128xf32, #tpu.memory_space<vmem_shared>>
        tpu.wait_indirect_dma semaphore(%run_scoped3A : memref<!tpu.dma_semaphore, #tpu.memory_space<semaphore_mem>>) src(%arg11 : memref<128x128xf32, #tpu.memory_space<vmem>>) dst(%dma_wait3A_207 : memref<10128x128xf32, #tpu.memory_space<vmem_shared>>)
        tpu.yield
      }) : () -> ()
      %dma_start3A_169 = arith.constant 7 : i32
      %dma_start3A_170 = arith.constant 0 : i32
      %dma_start3A_171 = tpu.memref_slice %arg7[%dma_start3A_169, %dma_start3A_170] : memref<8x128xi32, #tpu.memory_space<vmem>> -> memref<1x128xi32, #tpu.memory_space<vmem>>
      %dma_start3A_172 = tpu.memref_squeeze %dma_start3A_171 : memref<1x128xi32, #tpu.memory_space<vmem>> -> memref<128xi32, #tpu.memory_space<vmem>>
      %dma_start3A_173 = arith.constant 0 : i32
      %dma_start3A_174 = arith.constant 0 : i32
      %dma_start3A_175 = tpu.memref_slice %arg2[%dma_start3A_173, %dma_start3A_174] : memref<20000x128xf32, #tpu.memory_space<hbm>> -> memref<20000x128xf32, #tpu.memory_space<hbm>>
      tpu.enqueue_indirect_dma source(%dma_start3A_175 : memref<20000x128xf32, #tpu.memory_space<hbm>>) target(%arg11 : memref<128x128xf32, #tpu.memory_space<vmem>>) offsets(%dma_start3A_172 : memref<128xi32, #tpu.memory_space<vmem>>) semaphore(%arg14 : memref<!tpu.dma_semaphore, #tpu.memory_space<semaphore_mem>>)
      %add3A_176 = arith.constant 896 : i32
      %add3A_177 = arith.addi %add3A_29, %add3A_176 : i32
      %dma_start3A_178 = tpu.memref_slice %arg4[%add3A_177] : memref<655360xi32, #tpu.memory_space<hbm>> -> memref<128xi32, #tpu.memory_space<hbm>>
      %dma_start3A_179 = tpu.memref_slice %arg4[%add3A_177] : memref<655360xi32, #tpu.memory_space<hbm>> -> memref<128xi32, #tpu.memory_space<hbm>>
      tpu.enqueue_dma source(%dma_start3A_179 : memref<128xi32, #tpu.memory_space<hbm>>) target(%arg9 : memref<128xi32, #tpu.memory_space<vmem>>) target_semaphore(%arg16 : memref<!tpu.dma_semaphore, #tpu.memory_space<semaphore_mem>>)
      %add3A_180 = arith.constant 768 : i32
      %add3A_181 = arith.addi %add3A_29, %add3A_180 : i32
      %dma_wait3A_182 = tpu.memref_slice %arg4[%add3A_181] : memref<655360xi32, #tpu.memory_space<hbm>> -> memref<128xi32, #tpu.memory_space<hbm>>
      %dma_wait3A_183 = tpu.memref_slice %arg4[%add3A_181] : memref<655360xi32, #tpu.memory_space<hbm>> -> memref<128xi32, #tpu.memory_space<hbm>>
      tpu.wait_dma2 semaphore(%arg15 : memref<!tpu.dma_semaphore, #tpu.memory_space<semaphore_mem>>) src(%dma_wait3A_183 : memref<128xi32, #tpu.memory_space<hbm>>) dst(%arg8 : memref<128xi32, #tpu.memory_space<vmem>>)
      %dma_wait3A_184 = arith.constant 6 : i32
      %dma_wait3A_185 = arith.constant 0 : i32
      %dma_wait3A_186 = tpu.memref_slice %arg7[%dma_wait3A_184, %dma_wait3A_185] : memref<8x128xi32, #tpu.memory_space<vmem>> -> memref<1x128xi32, #tpu.memory_space<vmem>>
      %dma_wait3A_187 = tpu.memref_squeeze %dma_wait3A_186 : memref<1x128xi32, #tpu.memory_space<vmem>> -> memref<128xi32, #tpu.memory_space<vmem>>
      %dma_wait3A_188 = arith.constant 0 : i32
      %dma_wait3A_189 = arith.constant 0 : i32
      %dma_wait3A_190 = tpu.memref_slice %arg2[%dma_wait3A_188, %dma_wait3A_189] : memref<20000x128xf32, #tpu.memory_space<hbm>> -> memref<20000x128xf32, #tpu.memory_space<hbm>>
      tpu.wait_indirect_dma semaphore(%arg13 : memref<!tpu.dma_semaphore, #tpu.memory_space<semaphore_mem>>) src(%dma_wait3A_190 : memref<20000x128xf32, #tpu.memory_space<hbm>>) dst(%arg10 : memref<128x128xf32, #tpu.memory_space<vmem>>)
      "tpu.region"() ({
        %run_scoped3A = tpu.sem_alloc : memref<!tpu.dma_semaphore, #tpu.memory_space<semaphore_mem>>
        %dma_start3A_202 = arith.constant 0 : i32
        %dma_start3A_203 = arith.constant 0 : i32
        %dma_start3A_204 = tpu.memref_slice %arg12[%dma_start3A_202, %dma_start3A_203] : memref<10128x128xf32, #tpu.memory_space<vmem_shared>> -> memref<10128x128xf32, #tpu.memory_space<vmem_shared>>
        tpu.enqueue_indirect_dma source(%arg10 : memref<128x128xf32, #tpu.memory_space<vmem>>) target(%dma_start3A_204 : memref<10128x128xf32, #tpu.memory_space<vmem_shared>>) offsets(%arg8 : memref<128xi32, #tpu.memory_space<vmem>>) semaphore(%run_scoped3A : memref<!tpu.dma_semaphore, #tpu.memory_space<semaphore_mem>>) {add = true}
        %dma_wait3A_205 = arith.constant 0 : i32
        %dma_wait3A_206 = arith.constant 0 : i32
        %dma_wait3A_207 = tpu.memref_slice %arg12[%dma_wait3A_205, %dma_wait3A_206] : memref<10128x128xf32, #tpu.memory_space<vmem_shared>> -> memref<10128x128xf32, #tpu.memory_space<vmem_shared>>
        tpu.wait_indirect_dma semaphore(%run_scoped3A : memref<!tpu.dma_semaphore, #tpu.memory_space<semaphore_mem>>) src(%arg10 : memref<128x128xf32, #tpu.memory_space<vmem>>) dst(%dma_wait3A_207 : memref<10128x128xf32, #tpu.memory_space<vmem_shared>>)
        tpu.yield
      }) : () -> ()
      %add3A_191 = arith.constant 896 : i32
      %add3A_192 = arith.addi %add3A_29, %add3A_191 : i32
      %dma_wait3A_193 = tpu.memref_slice %arg4[%add3A_192] : memref<655360xi32, #tpu.memory_space<hbm>> -> memref<128xi32, #tpu.memory_space<hbm>>
      %dma_wait3A_194 = tpu.memref_slice %arg4[%add3A_192] : memref<655360xi32, #tpu.memory_space<hbm>> -> memref<128xi32, #tpu.memory_space<hbm>>
      tpu.wait_dma2 semaphore(%arg16 : memref<!tpu.dma_semaphore, #tpu.memory_space<semaphore_mem>>) src(%dma_wait3A_194 : memref<128xi32, #tpu.memory_space<hbm>>) dst(%arg9 : memref<128xi32, #tpu.memory_space<vmem>>)
      %dma_wait3A_195 = arith.constant 7 : i32
      %dma_wait3A_196 = arith.constant 0 : i32
      %dma_wait3A_197 = tpu.memref_slice %arg7[%dma_wait3A_195, %dma_wait3A_196] : memref<8x128xi32, #tpu.memory_space<vmem>> -> memref<1x128xi32, #tpu.memory_space<vmem>>
      %dma_wait3A_198 = tpu.memref_squeeze %dma_wait3A_197 : memref<1x128xi32, #tpu.memory_space<vmem>> -> memref<128xi32, #tpu.memory_space<vmem>>
      %dma_wait3A_199 = arith.constant 0 : i32
      %dma_wait3A_200 = arith.constant 0 : i32
      %dma_wait3A_201 = tpu.memref_slice %arg2[%dma_wait3A_199, %dma_wait3A_200] : memref<20000x128xf32, #tpu.memory_space<hbm>> -> memref<20000x128xf32, #tpu.memory_space<hbm>>
      tpu.wait_indirect_dma semaphore(%arg14 : memref<!tpu.dma_semaphore, #tpu.memory_space<semaphore_mem>>) src(%dma_wait3A_201 : memref<20000x128xf32, #tpu.memory_space<hbm>>) dst(%arg11 : memref<128x128xf32, #tpu.memory_space<vmem>>)
      "tpu.region"() ({
        %run_scoped3A = tpu.sem_alloc : memref<!tpu.dma_semaphore, #tpu.memory_space<semaphore_mem>>
        %dma_start3A_202 = arith.constant 0 : i32
        %dma_start3A_203 = arith.constant 0 : i32
        %dma_start3A_204 = tpu.memref_slice %arg12[%dma_start3A_202, %dma_start3A_203] : memref<10128x128xf32, #tpu.memory_space<vmem_shared>> -> memref<10128x128xf32, #tpu.memory_space<vmem_shared>>
        tpu.enqueue_indirect_dma source(%arg11 : memref<128x128xf32, #tpu.memory_space<vmem>>) target(%dma_start3A_204 : memref<10128x128xf32, #tpu.memory_space<vmem_shared>>) offsets(%arg9 : memref<128xi32, #tpu.memory_space<vmem>>) semaphore(%run_scoped3A : memref<!tpu.dma_semaphore, #tpu.memory_space<semaphore_mem>>) {add = true}
        %dma_wait3A_205 = arith.constant 0 : i32
        %dma_wait3A_206 = arith.constant 0 : i32
        %dma_wait3A_207 = tpu.memref_slice %arg12[%dma_wait3A_205, %dma_wait3A_206] : memref<10128x128xf32, #tpu.memory_space<vmem_shared>> -> memref<10128x128xf32, #tpu.memory_space<vmem_shared>>
        tpu.wait_indirect_dma semaphore(%run_scoped3A : memref<!tpu.dma_semaphore, #tpu.memory_space<semaphore_mem>>) src(%arg11 : memref<128x128xf32, #tpu.memory_space<vmem>>) dst(%dma_wait3A_207 : memref<10128x128xf32, #tpu.memory_space<vmem_shared>>)
        tpu.yield
      }) : () -> ()
    }
    %scan3A_14 = arith.constant 20 : i32
    %barrier3A_15 = arith.constant 0 : index
    tpu.barrier barrier_id(%barrier3A_15)
    %eq3A_16 = arith.constant 0 : i32
    %eq3A_17 = arith.cmpi eq, %arg1, %eq3A_16 : i32
    %convert_element_type3A_18 = arith.extui %eq3A_17 : i1 to i32
    %cond3A_19 = arith.constant 0 : i32
    %cond3A_20 = arith.cmpi ne, %convert_element_type3A_18, %cond3A_19 : i32
    scf.if %cond3A_20 {
      "tpu.region"() ({
        %run_scoped3A = tpu.sem_alloc : memref<!tpu.dma_semaphore, #tpu.memory_space<semaphore_mem>>
        %dma_start3A = arith.constant 0 : i32
        %dma_start3A_21 = arith.constant 0 : i32
        %dma_start3A_22 = tpu.memref_slice %arg6[%arg0, %dma_start3A, %dma_start3A_21] : memref<2x10128x128xf32, #tpu.memory_space<hbm>> -> memref<1x10128x128xf32, #tpu.memory_space<hbm>>
        %dma_start3A_23 = tpu.memref_squeeze %dma_start3A_22 : memref<1x10128x128xf32, #tpu.memory_space<hbm>> -> memref<10128x128xf32, #tpu.memory_space<hbm>>
        tpu.enqueue_dma source(%arg12 : memref<10128x128xf32, #tpu.memory_space<vmem_shared>>) target(%dma_start3A_23 : memref<10128x128xf32, #tpu.memory_space<hbm>>) target_semaphore(%run_scoped3A : memref<!tpu.dma_semaphore, #tpu.memory_space<semaphore_mem>>)
        %dma_wait3A = arith.constant 0 : i32
        %dma_wait3A_24 = arith.constant 0 : i32
        %dma_wait3A_25 = tpu.memref_slice %arg6[%arg0, %dma_wait3A, %dma_wait3A_24] : memref<2x10128x128xf32, #tpu.memory_space<hbm>> -> memref<1x10128x128xf32, #tpu.memory_space<hbm>>
        %dma_wait3A_26 = tpu.memref_squeeze %dma_wait3A_25 : memref<1x10128x128xf32, #tpu.memory_space<hbm>> -> memref<10128x128xf32, #tpu.memory_space<hbm>>
        tpu.wait_dma2 semaphore(%run_scoped3A : memref<!tpu.dma_semaphore, #tpu.memory_space<semaphore_mem>>) src(%arg12 : memref<10128x128xf32, #tpu.memory_space<vmem_shared>>) dst(%dma_wait3A_26 : memref<10128x128xf32, #tpu.memory_space<hbm>>)
        tpu.yield
      }) : () -> ()
    } else {
    }
    return
  }
}

module attributes {stable_mosaic.version = 14 : i64} {
  func.func @body(%arg0: i32, %arg1: i32, %arg2: memref<1x1000x128xf32, #tpu.memory_space<vmem>>, %arg3: memref<1x128x128xf32, #tpu.memory_space<vmem>>, %arg4: memref<1x1000x16xf32, #tpu.memory_space<vmem>>, %arg5: memref<1x1000x128xf32, #tpu.memory_space<vmem>>) attributes {dimension_semantics = [#tpu.dimension_semantics<arbitrary>, #tpu.dimension_semantics<arbitrary>], iteration_bounds = array<i64: 2, 10>, scalar_prefetch = 0 : i64, scratch_operands = 0 : i64, tpu.core_type = #tpu.core_type<tc>, window_params = [{transform_indices = @transform_0, window_bounds = array<i64: 1, 1000, 128>}, {transform_indices = @transform_1, window_bounds = array<i64: 1, 128, 128>}, {transform_indices = @transform_2, window_bounds = array<i64: 1, 1000, 16>}, {transform_indices = @transform_3, window_bounds = array<i64: 1, 1000, 128>}]} {
    %get3A = arith.constant 0 : index
    %get3A_0 = arith.constant 0 : index
    %get3A_1 = arith.constant 0 : index
    %get3A_2 = vector.load %arg4[%get3A, %get3A_0, %get3A_1] : memref<1x1000x16xf32, #tpu.memory_space<vmem>>, vector<1x1000x1xf32>
    %get3A_3 = vector.shape_cast %get3A_2 : vector<1x1000x1xf32> to vector<1000x1xf32>
    %rsqrt3A = math.rsqrt %get3A_3 : vector<1000x1xf32>
    %get3A_4 = arith.constant 0 : index
    %get3A_5 = arith.constant 0 : index
    %get3A_6 = arith.constant 0 : index
    %get3A_7 = vector.load %arg2[%get3A_4, %get3A_5, %get3A_6] : memref<1x1000x128xf32, #tpu.memory_space<vmem>>, vector<1x1000x128xf32>
    %get3A_8 = vector.shape_cast %get3A_7 : vector<1x1000x128xf32> to vector<1000x128xf32>
    %get3A_9 = arith.constant 0 : index
    %get3A_10 = arith.constant 0 : index
    %get3A_11 = arith.constant 0 : index
    %get3A_12 = vector.load %arg3[%get3A_9, %get3A_10, %get3A_11] : memref<1x128x128xf32, #tpu.memory_space<vmem>>, vector<1x128x128xf32>
    %get3A_13 = vector.shape_cast %get3A_12 : vector<1x128x128xf32> to vector<128x128xf32>
    %dot_general3A = arith.constant dense<0.000000e+00> : vector<1000x128xf32>
    %dot_general3A_14 = tpu.matmul %get3A_8, %get3A_13, %dot_general3A {dimension_numbers = #tpu.dot_dimension_numbers<[1], [0], [0], [1], [0, 0, 1, 1], [], []>, transpose_lhs_hint = false} : vector<1000x128xf32>, vector<128x128xf32>, vector<1000x128xf32> -> vector<1000x128xf32>
    %mul3A = vector.broadcast %rsqrt3A : vector<1000x1xf32> to vector<1000x128xf32>
    %mul3A_15 = arith.mulf %mul3A, %dot_general3A_14 : vector<1000x128xf32>
    %swap3A = arith.constant 0 : index
    %swap3A_16 = arith.constant 0 : index
    %swap3A_17 = arith.constant 0 : index
    %swap3A_18 = vector.load %arg5[%swap3A, %swap3A_16, %swap3A_17] : memref<1x1000x128xf32, #tpu.memory_space<vmem>>, vector<1x1000x128xf32>
    %swap3A_19 = vector.shape_cast %swap3A_18 : vector<1x1000x128xf32> to vector<1000x128xf32>
    %swap3A_20 = vector.shape_cast %mul3A_15 : vector<1000x128xf32> to vector<1x1000x128xf32>
    tpu.vector_store %arg5[%swap3A, %swap3A_16, %swap3A_17], %swap3A_20 {strides = array<i32>} : memref<1x1000x128xf32, #tpu.memory_space<vmem>>, vector<1x1000x128xf32>,
    return
  }
  func.func @transform_0(%arg0: i32, %arg1: i32) -> (i32, i32, i32) {
    %c0_i32 = arith.constant 0 : i32
    %c0_i32_0 = arith.constant 0 : i32
    return %arg0, %arg1, %c0_i32 : i32, i32, i32
  }
  func.func @transform_1(%arg0: i32, %arg1: i32) -> (i32, i32, i32) {
    %c0_i32 = arith.constant 0 : i32
    %c0_i32_0 = arith.constant 0 : i32
    %c0_i32_1 = arith.constant 0 : i32
    return %arg0, %c0_i32, %c0_i32_0 : i32, i32, i32
  }
  func.func @transform_2(%arg0: i32, %arg1: i32) -> (i32, i32, i32) {
    %c0_i32 = arith.constant 0 : i32
    %c0_i32_0 = arith.constant 0 : i32
    return %arg0, %arg1, %c0_i32 : i32, i32, i32
  }
  func.func @transform_3(%arg0: i32, %arg1: i32) -> (i32, i32, i32) {
    %c0_i32 = arith.constant 0 : i32
    %c0_i32_0 = arith.constant 0 : i32
    return %arg0, %arg1, %c0_i32 : i32, i32, i32
  }
}

module attributes {stable_mosaic.version = 14 : i64} {
  func.func @body(%arg0: i32, %arg1: i32, %arg2: memref<1x1000x128xf32, #tpu.memory_space<vmem>>, %arg3: memref<1x1000x128xf32, #tpu.memory_space<vmem>>, %arg4: memref<1x1000x16xf32, #tpu.memory_space<vmem>>, %arg5: memref<1x1x128xf32, #tpu.memory_space<vmem>>, %arg6: memref<1x8x128xf32, #tpu.memory_space<vmem>>) attributes {dimension_semantics = [#tpu.dimension_semantics<arbitrary>, #tpu.dimension_semantics<arbitrary>], iteration_bounds = array<i64: 2, 10>, scalar_prefetch = 0 : i64, scratch_operands = 0 : i64, tpu.core_type = #tpu.core_type<tc>, window_params = [{transform_indices = @transform_0, window_bounds = array<i64: 1, 1000, 128>}, {transform_indices = @transform_1, window_bounds = array<i64: 1, 1000, 128>}, {transform_indices = @transform_2, window_bounds = array<i64: 1, 1000, 16>}, {transform_indices = @transform_3, window_bounds = array<i64: 1, 1, 128>}, {transform_indices = @transform_4, window_bounds = array<i64: 1, 8, 128>}]} {
    %eq3A = arith.constant 0 : i32
    %eq3A_0 = arith.cmpi eq, %arg1, %eq3A : i32
    %convert_element_type3A = arith.extui %eq3A_0 : i1 to i32
    %cond3A = arith.constant 0 : i32
    %cond3A_1 = arith.cmpi ne, %convert_element_type3A, %cond3A : i32
    scf.if %cond3A_1 {
      %broadcast_in_dim3A_52 = arith.constant 0.000000e+00 : f32
      %broadcast_in_dim3A_53 = vector.broadcast %broadcast_in_dim3A_52 : f32 to vector<1x8x128xf32>
      %swap3A_54 = arith.constant 0 : index
      %swap3A_55 = arith.constant 0 : index
      %swap3A_56 = arith.constant 0 : index
      %swap3A_57 = vector.load %arg6[%swap3A_54, %swap3A_55, %swap3A_56] : memref<1x8x128xf32, #tpu.memory_space<vmem>>, vector<1x8x128xf32>
      tpu.vector_store %arg6[%swap3A_54, %swap3A_55, %swap3A_56], %broadcast_in_dim3A_53 {strides = array<i32>} : memref<1x8x128xf32, #tpu.memory_space<vmem>>, vector<1x8x128xf32>,
    } else {
    }
    %get3A = arith.constant 0 : index
    %get3A_2 = arith.constant 0 : index
    %get3A_3 = arith.constant 0 : index
    %get3A_4 = vector.load %arg4[%get3A, %get3A_2, %get3A_3] : memref<1x1000x16xf32, #tpu.memory_space<vmem>>, vector<1x1000x1xf32>
    %get3A_5 = vector.shape_cast %get3A_4 : vector<1x1000x1xf32> to vector<1000x1xf32>
    %rsqrt3A = math.rsqrt %get3A_5 : vector<1000x1xf32>
    %get3A_6 = arith.constant 0 : index
    %get3A_7 = arith.constant 0 : index
    %get3A_8 = arith.constant 0 : index
    %get3A_9 = vector.load %arg2[%get3A_6, %get3A_7, %get3A_8] : memref<1x1000x128xf32, #tpu.memory_space<vmem>>, vector<1x1000x128xf32>
    %get3A_10 = vector.shape_cast %get3A_9 : vector<1x1000x128xf32> to vector<1000x128xf32>
    %get3A_11 = arith.constant 0 : index
    %get3A_12 = arith.constant 0 : index
    %get3A_13 = arith.constant 0 : index
    %get3A_14 = vector.load %arg3[%get3A_11, %get3A_12, %get3A_13] : memref<1x1000x128xf32, #tpu.memory_space<vmem>>, vector<1x1000x128xf32>
    %get3A_15 = vector.shape_cast %get3A_14 : vector<1x1000x128xf32> to vector<1000x128xf32>
    %add3A = arith.addf %get3A_10, %get3A_15 : vector<1000x128xf32>
    %mul3A = vector.broadcast %rsqrt3A : vector<1000x1xf32> to vector<1000x128xf32>
    %mul3A_16 = arith.mulf %mul3A, %add3A : vector<1000x128xf32>
    %get3A_17 = arith.constant 0 : index
    %get3A_18 = arith.constant 0 : index
    %get3A_19 = arith.constant 0 : index
    %get3A_20 = vector.load %arg5[%get3A_17, %get3A_18, %get3A_19] : memref<1x1x128xf32, #tpu.memory_space<vmem>>, vector<1x1x128xf32>
    %get3A_21 = vector.shape_cast %get3A_20 : vector<1x1x128xf32> to vector<1x128xf32>
    %add3A_22 = vector.broadcast %get3A_21 : vector<1x128xf32> to vector<1000x128xf32>
    %add3A_23 = arith.addf %mul3A_16, %add3A_22 : vector<1000x128xf32>
    %get3A_24 = arith.constant 0 : index
    %get3A_25 = arith.constant 0 : index
    %get3A_26 = arith.constant 0 : index
    %get3A_27 = vector.load %arg6[%get3A_24, %get3A_25, %get3A_26] : memref<1x8x128xf32, #tpu.memory_space<vmem>>, vector<1x1x128xf32>
    %get3A_28 = vector.shape_cast %get3A_27 : vector<1x1x128xf32> to vector<1x128xf32>
    %reduce_sum3A = arith.constant dense<0.000000e+00> : vector<128xf32>
    %reduce_sum3A_29 = vector.multi_reduction <add>, %add3A_23, %reduce_sum3A [0] : vector<1000x128xf32> to vector<128xf32>
    %broadcast_in_dim3A = vector.shape_cast %reduce_sum3A_29 : vector<128xf32> to vector<1x128xf32>
    %add3A_30 = arith.addf %get3A_28, %broadcast_in_dim3A : vector<1x128xf32>
    %swap3A = arith.constant 0 : index
    %swap3A_31 = arith.constant 0 : index
    %swap3A_32 = arith.constant 0 : index
    %swap3A_33 = vector.load %arg6[%swap3A, %swap3A_31, %swap3A_32] : memref<1x8x128xf32, #tpu.memory_space<vmem>>, vector<1x1x128xf32>
    %swap3A_34 = vector.shape_cast %swap3A_33 : vector<1x1x128xf32> to vector<1x128xf32>
    %swap3A_35 = vector.shape_cast %add3A_30 : vector<1x128xf32> to vector<1x1x128xf32>
    tpu.vector_store %arg6[%swap3A, %swap3A_31, %swap3A_32], %swap3A_35 {strides = array<i32>} : memref<1x8x128xf32, #tpu.memory_space<vmem>>, vector<1x1x128xf32>,
    %get3A_36 = arith.constant 0 : index
    %get3A_37 = arith.constant 1 : index
    %get3A_38 = arith.constant 0 : index
    %get3A_39 = vector.load %arg6[%get3A_36, %get3A_37, %get3A_38] : memref<1x8x128xf32, #tpu.memory_space<vmem>>, vector<1x1x128xf32>
    %get3A_40 = vector.shape_cast %get3A_39 : vector<1x1x128xf32> to vector<1x128xf32>
    %mul3A_41 = arith.mulf %add3A_23, %add3A_23 : vector<1000x128xf32>
    %reduce_sum3A_42 = arith.constant dense<0.000000e+00> : vector<128xf32>
    %reduce_sum3A_43 = vector.multi_reduction <add>, %mul3A_41, %reduce_sum3A_42 [0] : vector<1000x128xf32> to vector<128xf32>
    %broadcast_in_dim3A_44 = vector.shape_cast %reduce_sum3A_43 : vector<128xf32> to vector<1x128xf32>
    %add3A_45 = arith.addf %get3A_40, %broadcast_in_dim3A_44 : vector<1x128xf32>
    %swap3A_46 = arith.constant 0 : index
    %swap3A_47 = arith.constant 1 : index
    %swap3A_48 = arith.constant 0 : index
    %swap3A_49 = vector.load %arg6[%swap3A_46, %swap3A_47, %swap3A_48] : memref<1x8x128xf32, #tpu.memory_space<vmem>>, vector<1x1x128xf32>
    %swap3A_50 = vector.shape_cast %swap3A_49 : vector<1x1x128xf32> to vector<1x128xf32>
    %swap3A_51 = vector.shape_cast %add3A_45 : vector<1x128xf32> to vector<1x1x128xf32>
    tpu.vector_store %arg6[%swap3A_46, %swap3A_47, %swap3A_48], %swap3A_51 {strides = array<i32>} : memref<1x8x128xf32, #tpu.memory_space<vmem>>, vector<1x1x128xf32>,
    return
  }
  func.func @transform_0(%arg0: i32, %arg1: i32) -> (i32, i32, i32) {
    %c0_i32 = arith.constant 0 : i32
    %c0_i32_0 = arith.constant 0 : i32
    return %arg0, %arg1, %c0_i32 : i32, i32, i32
  }
  func.func @transform_1(%arg0: i32, %arg1: i32) -> (i32, i32, i32) {
    %c0_i32 = arith.constant 0 : i32
    %c0_i32_0 = arith.constant 0 : i32
    return %arg0, %arg1, %c0_i32 : i32, i32, i32
  }
  func.func @transform_2(%arg0: i32, %arg1: i32) -> (i32, i32, i32) {
    %c0_i32 = arith.constant 0 : i32
    %c0_i32_0 = arith.constant 0 : i32
    return %arg0, %arg1, %c0_i32 : i32, i32, i32
  }
  func.func @transform_3(%arg0: i32, %arg1: i32) -> (i32, i32, i32) {
    %c0_i32 = arith.constant 0 : i32
    %c0_i32_0 = arith.constant 0 : i32
    %c0_i32_1 = arith.constant 0 : i32
    return %arg0, %c0_i32, %c0_i32_0 : i32, i32, i32
  }
  func.func @transform_4(%arg0: i32, %arg1: i32) -> (i32, i32, i32) {
    %c0_i32 = arith.constant 0 : i32
    %c0_i32_0 = arith.constant 0 : i32
    %c0_i32_1 = arith.constant 0 : i32
    return %arg0, %c0_i32, %c0_i32_0 : i32, i32, i32
  }
}

module attributes {stable_mosaic.version = 14 : i64} {
  func.func @body(%arg0: i32, %arg1: i32, %arg2: memref<1x1000x128xf32, #tpu.memory_space<vmem>>, %arg3: memref<1x1000x128xf32, #tpu.memory_space<vmem>>, %arg4: memref<1x1000x16xf32, #tpu.memory_space<vmem>>, %arg5: memref<1x8x128xf32, #tpu.memory_space<vmem>>, %arg6: memref<1x1x128xf32, #tpu.memory_space<vmem>>, %arg7: memref<1x1x128xf32, #tpu.memory_space<vmem>>, %arg8: memref<1x1x128xf32, #tpu.memory_space<vmem>>, %arg9: memref<1x1x128xf32, #tpu.memory_space<vmem>>, %arg10: memref<1x128x128xf32, #tpu.memory_space<vmem>>, %arg11: memref<1x1000x128xf32, #tpu.memory_space<vmem>>, %arg12: memref<1x1000x128xf32, #tpu.memory_space<vmem>>) attributes {dimension_semantics = [#tpu.dimension_semantics<arbitrary>, #tpu.dimension_semantics<arbitrary>], iteration_bounds = array<i64: 2, 10>, scalar_prefetch = 0 : i64, scratch_operands = 0 : i64, tpu.core_type = #tpu.core_type<tc>, window_params = [{transform_indices = @transform_0, window_bounds = array<i64: 1, 1000, 128>}, {transform_indices = @transform_1, window_bounds = array<i64: 1, 1000, 128>}, {transform_indices = @transform_2, window_bounds = array<i64: 1, 1000, 16>}, {transform_indices = @transform_3, window_bounds = array<i64: 1, 8, 128>}, {transform_indices = @transform_4, window_bounds = array<i64: 1, 1, 128>}, {transform_indices = @transform_5, window_bounds = array<i64: 1, 1, 128>}, {transform_indices = @transform_6, window_bounds = array<i64: 1, 1, 128>}, {transform_indices = @transform_7, window_bounds = array<i64: 1, 1, 128>}, {transform_indices = @transform_8, window_bounds = array<i64: 1, 128, 128>}, {transform_indices = @transform_9, window_bounds = array<i64: 1, 1000, 128>}, {transform_indices = @transform_10, window_bounds = array<i64: 1, 1000, 128>}]} {
    %get3A = arith.constant 0 : index
    %get3A_0 = arith.constant 0 : index
    %get3A_1 = arith.constant 0 : index
    %get3A_2 = vector.load %arg4[%get3A, %get3A_0, %get3A_1] : memref<1x1000x16xf32, #tpu.memory_space<vmem>>, vector<1x1000x1xf32>
    %get3A_3 = vector.shape_cast %get3A_2 : vector<1x1000x1xf32> to vector<1000x1xf32>
    %rsqrt3A = math.rsqrt %get3A_3 : vector<1000x1xf32>
    %get3A_4 = arith.constant 0 : index
    %get3A_5 = arith.constant 0 : index
    %get3A_6 = arith.constant 0 : index
    %get3A_7 = vector.load %arg2[%get3A_4, %get3A_5, %get3A_6] : memref<1x1000x128xf32, #tpu.memory_space<vmem>>, vector<1x1000x128xf32>
    %get3A_8 = vector.shape_cast %get3A_7 : vector<1x1000x128xf32> to vector<1000x128xf32>
    %get3A_9 = arith.constant 0 : index
    %get3A_10 = arith.constant 0 : index
    %get3A_11 = arith.constant 0 : index
    %get3A_12 = vector.load %arg3[%get3A_9, %get3A_10, %get3A_11] : memref<1x1000x128xf32, #tpu.memory_space<vmem>>, vector<1x1000x128xf32>
    %get3A_13 = vector.shape_cast %get3A_12 : vector<1x1000x128xf32> to vector<1000x128xf32>
    %add3A = arith.addf %get3A_8, %get3A_13 : vector<1000x128xf32>
    %mul3A = vector.broadcast %rsqrt3A : vector<1000x1xf32> to vector<1000x128xf32>
    %mul3A_14 = arith.mulf %mul3A, %add3A : vector<1000x128xf32>
    %get3A_15 = arith.constant 0 : index
    %get3A_16 = arith.constant 0 : index
    %get3A_17 = arith.constant 0 : index
    %get3A_18 = vector.load %arg6[%get3A_15, %get3A_16, %get3A_17] : memref<1x1x128xf32, #tpu.memory_space<vmem>>, vector<1x1x128xf32>
    %get3A_19 = vector.shape_cast %get3A_18 : vector<1x1x128xf32> to vector<1x128xf32>
    %add3A_20 = vector.broadcast %get3A_19 : vector<1x128xf32> to vector<1000x128xf32>
    %add3A_21 = arith.addf %mul3A_14, %add3A_20 : vector<1000x128xf32>
    %get3A_22 = arith.constant 0 : index
    %get3A_23 = arith.constant 0 : index
    %get3A_24 = arith.constant 0 : index
    %get3A_25 = vector.load %arg5[%get3A_22, %get3A_23, %get3A_24] : memref<1x8x128xf32, #tpu.memory_space<vmem>>, vector<1x1x128xf32>
    %get3A_26 = vector.shape_cast %get3A_25 : vector<1x1x128xf32> to vector<1x128xf32>
    %get3A_27 = arith.constant 0 : index
    %get3A_28 = arith.constant 1 : index
    %get3A_29 = arith.constant 0 : index
    %get3A_30 = vector.load %arg5[%get3A_27, %get3A_28, %get3A_29] : memref<1x8x128xf32, #tpu.memory_space<vmem>>, vector<1x1x128xf32>
    %get3A_31 = vector.shape_cast %get3A_30 : vector<1x1x128xf32> to vector<1x128xf32>
    %mul3A_32 = arith.constant 9.99999974E-5 : f32
    %mul3A_33 = vector.broadcast %mul3A_32 : f32 to vector<1x128xf32>
    %mul3A_34 = arith.mulf %get3A_26, %mul3A_33 : vector<1x128xf32>
    %get3A_35 = arith.constant 0 : index
    %get3A_36 = arith.constant 0 : index
    %get3A_37 = arith.constant 0 : index
    %get3A_38 = vector.load %arg9[%get3A_35, %get3A_36, %get3A_37] : memref<1x1x128xf32, #tpu.memory_space<vmem>>, vector<1x1x128xf32>
    %get3A_39 = vector.shape_cast %get3A_38 : vector<1x1x128xf32> to vector<1x128xf32>
    %mul3A_40 = arith.constant 9.99999974E-5 : f32
    %mul3A_41 = vector.broadcast %mul3A_40 : f32 to vector<1x128xf32>
    %mul3A_42 = arith.mulf %get3A_31, %mul3A_41 : vector<1x128xf32>
    %sub3A = arith.constant 2.000000e+00 : f32
    %sub3A_43 = vector.broadcast %sub3A : f32 to vector<1x128xf32>
    %sub3A_44 = arith.subf %sub3A_43, %get3A_39 : vector<1x128xf32>
    %mul3A_45 = arith.mulf %sub3A_44, %get3A_39 : vector<1x128xf32>
    %mul3A_46 = arith.mulf %mul3A_45, %mul3A_34 : vector<1x128xf32>
    %mul3A_47 = arith.mulf %mul3A_46, %mul3A_34 : vector<1x128xf32>
    %sub3A_48 = arith.subf %mul3A_42, %mul3A_47 : vector<1x128xf32>
    %mul3A_49 = arith.mulf %get3A_39, %mul3A_34 : vector<1x128xf32>
    %sub3A_50 = vector.broadcast %mul3A_49 : vector<1x128xf32> to vector<1000x128xf32>
    %sub3A_51 = arith.subf %add3A_21, %sub3A_50 : vector<1000x128xf32>
    %add3A_52 = arith.constant 9.99999974E-6 : f32
    %add3A_53 = vector.broadcast %add3A_52 : f32 to vector<1x128xf32>
    %add3A_54 = arith.addf %sub3A_48, %add3A_53 : vector<1x128xf32>
    %rsqrt3A_55 = math.rsqrt %add3A_54 : vector<1x128xf32>
    %mul3A_56 = vector.broadcast %rsqrt3A_55 : vector<1x128xf32> to vector<1000x128xf32>
    %mul3A_57 = arith.mulf %sub3A_51, %mul3A_56 : vector<1000x128xf32>
    %get3A_58 = arith.constant 0 : index
    %get3A_59 = arith.constant 0 : index
    %get3A_60 = arith.constant 0 : index
    %get3A_61 = vector.load %arg7[%get3A_58, %get3A_59, %get3A_60] : memref<1x1x128xf32, #tpu.memory_space<vmem>>, vector<1x1x128xf32>
    %get3A_62 = vector.shape_cast %get3A_61 : vector<1x1x128xf32> to vector<1x128xf32>
    %mul3A_63 = vector.broadcast %get3A_62 : vector<1x128xf32> to vector<1000x128xf32>
    %mul3A_64 = arith.mulf %mul3A_57, %mul3A_63 : vector<1000x128xf32>
    %get3A_65 = arith.constant 0 : index
    %get3A_66 = arith.constant 0 : index
    %get3A_67 = arith.constant 0 : index
    %get3A_68 = vector.load %arg8[%get3A_65, %get3A_66, %get3A_67] : memref<1x1x128xf32, #tpu.memory_space<vmem>>, vector<1x1x128xf32>
    %get3A_69 = vector.shape_cast %get3A_68 : vector<1x1x128xf32> to vector<1x128xf32>
    %add3A_70 = vector.broadcast %get3A_69 : vector<1x128xf32> to vector<1000x128xf32>
    %add3A_71 = arith.addf %mul3A_64, %add3A_70 : vector<1000x128xf32>
    %max3A = arith.constant 0.000000e+00 : f32
    %max3A_72 = vector.broadcast %max3A : f32 to vector<1000x128xf32>
    %max3A_73 = arith.maximumf %add3A_71, %max3A_72 : vector<1000x128xf32>
    %swap3A = arith.constant 0 : index
    %swap3A_74 = arith.constant 0 : index
    %swap3A_75 = arith.constant 0 : index
    %swap3A_76 = vector.load %arg11[%swap3A, %swap3A_74, %swap3A_75] : memref<1x1000x128xf32, #tpu.memory_space<vmem>>, vector<1x1000x128xf32>
    %swap3A_77 = vector.shape_cast %swap3A_76 : vector<1x1000x128xf32> to vector<1000x128xf32>
    %swap3A_78 = vector.shape_cast %max3A_73 : vector<1000x128xf32> to vector<1x1000x128xf32>
    tpu.vector_store %arg11[%swap3A, %swap3A_74, %swap3A_75], %swap3A_78 {strides = array<i32>} : memref<1x1000x128xf32, #tpu.memory_space<vmem>>, vector<1x1000x128xf32>,
    %get3A_79 = arith.constant 0 : index
    %get3A_80 = arith.constant 0 : index
    %get3A_81 = arith.constant 0 : index
    %get3A_82 = vector.load %arg10[%get3A_79, %get3A_80, %get3A_81] : memref<1x128x128xf32, #tpu.memory_space<vmem>>, vector<1x128x128xf32>
    %get3A_83 = vector.shape_cast %get3A_82 : vector<1x128x128xf32> to vector<128x128xf32>
    %dot_general3A = arith.constant dense<0.000000e+00> : vector<1000x128xf32>
    %dot_general3A_84 = tpu.matmul %max3A_73, %get3A_83, %dot_general3A {dimension_numbers = #tpu.dot_dimension_numbers<[1], [0], [0], [1], [0, 0, 1, 1], [], []>, transpose_lhs_hint = false} : vector<1000x128xf32>, vector<128x128xf32>, vector<1000x128xf32> -> vector<1000x128xf32>
    %mul3A_85 = vector.broadcast %rsqrt3A : vector<1000x1xf32> to vector<1000x128xf32>
    %mul3A_86 = arith.mulf %mul3A_85, %dot_general3A_84 : vector<1000x128xf32>
    %swap3A_87 = arith.constant 0 : index
    %swap3A_88 = arith.constant 0 : index
    %swap3A_89 = arith.constant 0 : index
    %swap3A_90 = vector.load %arg12[%swap3A_87, %swap3A_88, %swap3A_89] : memref<1x1000x128xf32, #tpu.memory_space<vmem>>, vector<1x1000x128xf32>
    %swap3A_91 = vector.shape_cast %swap3A_90 : vector<1x1000x128xf32> to vector<1000x128xf32>
    %swap3A_92 = vector.shape_cast %mul3A_86 : vector<1000x128xf32> to vector<1x1000x128xf32>
    tpu.vector_store %arg12[%swap3A_87, %swap3A_88, %swap3A_89], %swap3A_92 {strides = array<i32>} : memref<1x1000x128xf32, #tpu.memory_space<vmem>>, vector<1x1000x128xf32>,
    return
  }
  func.func @transform_0(%arg0: i32, %arg1: i32) -> (i32, i32, i32) {
    %c0_i32 = arith.constant 0 : i32
    %c0_i32_0 = arith.constant 0 : i32
    return %arg0, %arg1, %c0_i32 : i32, i32, i32
  }
  func.func @transform_1(%arg0: i32, %arg1: i32) -> (i32, i32, i32) {
    %c0_i32 = arith.constant 0 : i32
    %c0_i32_0 = arith.constant 0 : i32
    return %arg0, %arg1, %c0_i32 : i32, i32, i32
  }
  func.func @transform_2(%arg0: i32, %arg1: i32) -> (i32, i32, i32) {
    %c0_i32 = arith.constant 0 : i32
    %c0_i32_0 = arith.constant 0 : i32
    return %arg0, %arg1, %c0_i32 : i32, i32, i32
  }
  func.func @transform_3(%arg0: i32, %arg1: i32) -> (i32, i32, i32) {
    %c0_i32 = arith.constant 0 : i32
    %c0_i32_0 = arith.constant 0 : i32
    %c0_i32_1 = arith.constant 0 : i32
    return %arg0, %c0_i32, %c0_i32_0 : i32, i32, i32
  }
  func.func @transform_4(%arg0: i32, %arg1: i32) -> (i32, i32, i32) {
    %c0_i32 = arith.constant 0 : i32
    %c0_i32_0 = arith.constant 0 : i32
    %c0_i32_1 = arith.constant 0 : i32
    return %arg0, %c0_i32, %c0_i32_0 : i32, i32, i32
  }
  func.func @transform_5(%arg0: i32, %arg1: i32) -> (i32, i32, i32) {
    %c0_i32 = arith.constant 0 : i32
    %c0_i32_0 = arith.constant 0 : i32
    %c0_i32_1 = arith.constant 0 : i32
    return %arg0, %c0_i32, %c0_i32_0 : i32, i32, i32
  }
  func.func @transform_6(%arg0: i32, %arg1: i32) -> (i32, i32, i32) {
    %c0_i32 = arith.constant 0 : i32
    %c0_i32_0 = arith.constant 0 : i32
    %c0_i32_1 = arith.constant 0 : i32
    return %arg0, %c0_i32, %c0_i32_0 : i32, i32, i32
  }
  func.func @transform_7(%arg0: i32, %arg1: i32) -> (i32, i32, i32) {
    %c0_i32 = arith.constant 0 : i32
    %c0_i32_0 = arith.constant 0 : i32
    %c0_i32_1 = arith.constant 0 : i32
    return %arg0, %c0_i32, %c0_i32_0 : i32, i32, i32
  }
  func.func @transform_8(%arg0: i32, %arg1: i32) -> (i32, i32, i32) {
    %c0_i32 = arith.constant 0 : i32
    %c0_i32_0 = arith.constant 0 : i32
    %c0_i32_1 = arith.constant 0 : i32
    return %arg0, %c0_i32, %c0_i32_0 : i32, i32, i32
  }
  func.func @transform_9(%arg0: i32, %arg1: i32) -> (i32, i32, i32) {
    %c0_i32 = arith.constant 0 : i32
    %c0_i32_0 = arith.constant 0 : i32
    return %arg0, %arg1, %c0_i32 : i32, i32, i32
  }
  func.func @transform_10(%arg0: i32, %arg1: i32) -> (i32, i32, i32) {
    %c0_i32 = arith.constant 0 : i32
    %c0_i32_0 = arith.constant 0 : i32
    return %arg0, %arg1, %c0_i32 : i32, i32, i32
  }
}

module attributes {stable_mosaic.version = 14 : i64} {
  func.func @body(%arg0: i32, %arg1: i32, %arg2: memref<1x1000x128xf32, #tpu.memory_space<vmem>>, %arg3: memref<1x1000x128xf32, #tpu.memory_space<vmem>>, %arg4: memref<1x1000x16xf32, #tpu.memory_space<vmem>>, %arg5: memref<1x8x128xf32, #tpu.memory_space<vmem>>, %arg6: memref<1x1x128xf32, #tpu.memory_space<vmem>>, %arg7: memref<1x1x128xf32, #tpu.memory_space<vmem>>, %arg8: memref<1x1x128xf32, #tpu.memory_space<vmem>>, %arg9: memref<1x1x128xf32, #tpu.memory_space<vmem>>, %arg10: memref<1x1000x128xf32, #tpu.memory_space<vmem>>, %arg11: memref<1x8x128xf32, #tpu.memory_space<vmem>>) attributes {dimension_semantics = [#tpu.dimension_semantics<arbitrary>, #tpu.dimension_semantics<arbitrary>], iteration_bounds = array<i64: 2, 10>, scalar_prefetch = 0 : i64, scratch_operands = 0 : i64, tpu.core_type = #tpu.core_type<tc>, window_params = [{transform_indices = @transform_0, window_bounds = array<i64: 1, 1000, 128>}, {transform_indices = @transform_1, window_bounds = array<i64: 1, 1000, 128>}, {transform_indices = @transform_2, window_bounds = array<i64: 1, 1000, 16>}, {transform_indices = @transform_3, window_bounds = array<i64: 1, 8, 128>}, {transform_indices = @transform_4, window_bounds = array<i64: 1, 1, 128>}, {transform_indices = @transform_5, window_bounds = array<i64: 1, 1, 128>}, {transform_indices = @transform_6, window_bounds = array<i64: 1, 1, 128>}, {transform_indices = @transform_7, window_bounds = array<i64: 1, 1, 128>}, {transform_indices = @transform_8, window_bounds = array<i64: 1, 1000, 128>}, {transform_indices = @transform_9, window_bounds = array<i64: 1, 8, 128>}]} {
    %get3A = arith.constant 0 : index
    %get3A_0 = arith.constant 0 : index
    %get3A_1 = arith.constant 0 : index
    %get3A_2 = vector.load %arg4[%get3A, %get3A_0, %get3A_1] : memref<1x1000x16xf32, #tpu.memory_space<vmem>>, vector<1x1000x1xf32>
    %get3A_3 = vector.shape_cast %get3A_2 : vector<1x1000x1xf32> to vector<1000x1xf32>
    %rsqrt3A = math.rsqrt %get3A_3 : vector<1000x1xf32>
    %get3A_4 = arith.constant 0 : index
    %get3A_5 = arith.constant 0 : index
    %get3A_6 = arith.constant 0 : index
    %get3A_7 = vector.load %arg2[%get3A_4, %get3A_5, %get3A_6] : memref<1x1000x128xf32, #tpu.memory_space<vmem>>, vector<1x1000x128xf32>
    %get3A_8 = vector.shape_cast %get3A_7 : vector<1x1000x128xf32> to vector<1000x128xf32>
    %get3A_9 = arith.constant 0 : index
    %get3A_10 = arith.constant 0 : index
    %get3A_11 = arith.constant 0 : index
    %get3A_12 = vector.load %arg3[%get3A_9, %get3A_10, %get3A_11] : memref<1x1000x128xf32, #tpu.memory_space<vmem>>, vector<1x1000x128xf32>
    %get3A_13 = vector.shape_cast %get3A_12 : vector<1x1000x128xf32> to vector<1000x128xf32>
    %add3A = arith.addf %get3A_8, %get3A_13 : vector<1000x128xf32>
    %mul3A = vector.broadcast %rsqrt3A : vector<1000x1xf32> to vector<1000x128xf32>
    %mul3A_14 = arith.mulf %mul3A, %add3A : vector<1000x128xf32>
    %get3A_15 = arith.constant 0 : index
    %get3A_16 = arith.constant 0 : index
    %get3A_17 = arith.constant 0 : index
    %get3A_18 = vector.load %arg6[%get3A_15, %get3A_16, %get3A_17] : memref<1x1x128xf32, #tpu.memory_space<vmem>>, vector<1x1x128xf32>
    %get3A_19 = vector.shape_cast %get3A_18 : vector<1x1x128xf32> to vector<1x128xf32>
    %add3A_20 = vector.broadcast %get3A_19 : vector<1x128xf32> to vector<1000x128xf32>
    %add3A_21 = arith.addf %mul3A_14, %add3A_20 : vector<1000x128xf32>
    %get3A_22 = arith.constant 0 : index
    %get3A_23 = arith.constant 0 : index
    %get3A_24 = arith.constant 0 : index
    %get3A_25 = vector.load %arg5[%get3A_22, %get3A_23, %get3A_24] : memref<1x8x128xf32, #tpu.memory_space<vmem>>, vector<1x1x128xf32>
    %get3A_26 = vector.shape_cast %get3A_25 : vector<1x1x128xf32> to vector<1x128xf32>
    %get3A_27 = arith.constant 0 : index
    %get3A_28 = arith.constant 1 : index
    %get3A_29 = arith.constant 0 : index
    %get3A_30 = vector.load %arg5[%get3A_27, %get3A_28, %get3A_29] : memref<1x8x128xf32, #tpu.memory_space<vmem>>, vector<1x1x128xf32>
    %get3A_31 = vector.shape_cast %get3A_30 : vector<1x1x128xf32> to vector<1x128xf32>
    %mul3A_32 = arith.constant 9.99999974E-5 : f32
    %mul3A_33 = vector.broadcast %mul3A_32 : f32 to vector<1x128xf32>
    %mul3A_34 = arith.mulf %get3A_26, %mul3A_33 : vector<1x128xf32>
    %get3A_35 = arith.constant 0 : index
    %get3A_36 = arith.constant 0 : index
    %get3A_37 = arith.constant 0 : index
    %get3A_38 = vector.load %arg9[%get3A_35, %get3A_36, %get3A_37] : memref<1x1x128xf32, #tpu.memory_space<vmem>>, vector<1x1x128xf32>
    %get3A_39 = vector.shape_cast %get3A_38 : vector<1x1x128xf32> to vector<1x128xf32>
    %mul3A_40 = arith.constant 9.99999974E-5 : f32
    %mul3A_41 = vector.broadcast %mul3A_40 : f32 to vector<1x128xf32>
    %mul3A_42 = arith.mulf %get3A_31, %mul3A_41 : vector<1x128xf32>
    %sub3A = arith.constant 2.000000e+00 : f32
    %sub3A_43 = vector.broadcast %sub3A : f32 to vector<1x128xf32>
    %sub3A_44 = arith.subf %sub3A_43, %get3A_39 : vector<1x128xf32>
    %mul3A_45 = arith.mulf %sub3A_44, %get3A_39 : vector<1x128xf32>
    %mul3A_46 = arith.mulf %mul3A_45, %mul3A_34 : vector<1x128xf32>
    %mul3A_47 = arith.mulf %mul3A_46, %mul3A_34 : vector<1x128xf32>
    %sub3A_48 = arith.subf %mul3A_42, %mul3A_47 : vector<1x128xf32>
    %mul3A_49 = arith.mulf %get3A_39, %mul3A_34 : vector<1x128xf32>
    %sub3A_50 = vector.broadcast %mul3A_49 : vector<1x128xf32> to vector<1000x128xf32>
    %sub3A_51 = arith.subf %add3A_21, %sub3A_50 : vector<1000x128xf32>
    %add3A_52 = arith.constant 9.99999974E-6 : f32
    %add3A_53 = vector.broadcast %add3A_52 : f32 to vector<1x128xf32>
    %add3A_54 = arith.addf %sub3A_48, %add3A_53 : vector<1x128xf32>
    %rsqrt3A_55 = math.rsqrt %add3A_54 : vector<1x128xf32>
    %mul3A_56 = vector.broadcast %rsqrt3A_55 : vector<1x128xf32> to vector<1000x128xf32>
    %mul3A_57 = arith.mulf %sub3A_51, %mul3A_56 : vector<1000x128xf32>
    %get3A_58 = arith.constant 0 : index
    %get3A_59 = arith.constant 0 : index
    %get3A_60 = arith.constant 0 : index
    %get3A_61 = vector.load %arg7[%get3A_58, %get3A_59, %get3A_60] : memref<1x1x128xf32, #tpu.memory_space<vmem>>, vector<1x1x128xf32>
    %get3A_62 = vector.shape_cast %get3A_61 : vector<1x1x128xf32> to vector<1x128xf32>
    %mul3A_63 = vector.broadcast %get3A_62 : vector<1x128xf32> to vector<1000x128xf32>
    %mul3A_64 = arith.mulf %mul3A_57, %mul3A_63 : vector<1000x128xf32>
    %get3A_65 = arith.constant 0 : index
    %get3A_66 = arith.constant 0 : index
    %get3A_67 = arith.constant 0 : index
    %get3A_68 = vector.load %arg8[%get3A_65, %get3A_66, %get3A_67] : memref<1x1x128xf32, #tpu.memory_space<vmem>>, vector<1x1x128xf32>
    %get3A_69 = vector.shape_cast %get3A_68 : vector<1x1x128xf32> to vector<1x128xf32>
    %add3A_70 = vector.broadcast %get3A_69 : vector<1x128xf32> to vector<1000x128xf32>
    %add3A_71 = arith.addf %mul3A_64, %add3A_70 : vector<1000x128xf32>
    %get3A_72 = arith.constant 0 : index
    %get3A_73 = arith.constant 0 : index
    %get3A_74 = arith.constant 0 : index
    %get3A_75 = vector.load %arg10[%get3A_72, %get3A_73, %get3A_74] : memref<1x1000x128xf32, #tpu.memory_space<vmem>>, vector<1x1000x128xf32>
    %get3A_76 = vector.shape_cast %get3A_75 : vector<1x1000x128xf32> to vector<1000x128xf32>
    %add3A_77 = arith.addf %add3A_71, %get3A_76 : vector<1000x128xf32>
    %max3A = arith.constant 0.000000e+00 : f32
    %max3A_78 = vector.broadcast %max3A : f32 to vector<1000x128xf32>
    %max3A_79 = arith.maximumf %add3A_77, %max3A_78 : vector<1000x128xf32>
    %eq3A = arith.constant 0 : i32
    %eq3A_80 = arith.cmpi eq, %arg1, %eq3A : i32
    %convert_element_type3A = arith.extui %eq3A_80 : i1 to i32
    %cond3A = arith.constant 0 : i32
    %cond3A_81 = arith.cmpi ne, %convert_element_type3A, %cond3A : i32
    scf.if %cond3A_81 {
      %broadcast_in_dim3A_108 = arith.constant 0.000000e+00 : f32
      %broadcast_in_dim3A_109 = vector.broadcast %broadcast_in_dim3A_108 : f32 to vector<1x8x128xf32>
      %swap3A_110 = arith.constant 0 : index
      %swap3A_111 = arith.constant 0 : index
      %swap3A_112 = arith.constant 0 : index
      %swap3A_113 = vector.load %arg11[%swap3A_110, %swap3A_111, %swap3A_112] : memref<1x8x128xf32, #tpu.memory_space<vmem>>, vector<1x8x128xf32>
      tpu.vector_store %arg11[%swap3A_110, %swap3A_111, %swap3A_112], %broadcast_in_dim3A_109 {strides = array<i32>} : memref<1x8x128xf32, #tpu.memory_space<vmem>>, vector<1x8x128xf32>,
    } else {
    }
    %get3A_82 = arith.constant 0 : index
    %get3A_83 = arith.constant 0 : index
    %get3A_84 = arith.constant 0 : index
    %get3A_85 = vector.load %arg11[%get3A_82, %get3A_83, %get3A_84] : memref<1x8x128xf32, #tpu.memory_space<vmem>>, vector<1x1x128xf32>
    %get3A_86 = vector.shape_cast %get3A_85 : vector<1x1x128xf32> to vector<1x128xf32>
    %reduce_sum3A = arith.constant dense<0.000000e+00> : vector<128xf32>
    %reduce_sum3A_87 = vector.multi_reduction <add>, %max3A_79, %reduce_sum3A [0] : vector<1000x128xf32> to vector<128xf32>
    %broadcast_in_dim3A = vector.shape_cast %reduce_sum3A_87 : vector<128xf32> to vector<1x128xf32>
    %add3A_88 = arith.addf %get3A_86, %broadcast_in_dim3A : vector<1x128xf32>
    %swap3A = arith.constant 0 : index
    %swap3A_89 = arith.constant 0 : index
    %swap3A_90 = arith.constant 0 : index
    %swap3A_91 = vector.load %arg11[%swap3A, %swap3A_89, %swap3A_90] : memref<1x8x128xf32, #tpu.memory_space<vmem>>, vector<1x1x128xf32>
    %swap3A_92 = vector.shape_cast %swap3A_91 : vector<1x1x128xf32> to vector<1x128xf32>
    %swap3A_93 = vector.shape_cast %add3A_88 : vector<1x128xf32> to vector<1x1x128xf32>
    tpu.vector_store %arg11[%swap3A, %swap3A_89, %swap3A_90], %swap3A_93 {strides = array<i32>} : memref<1x8x128xf32, #tpu.memory_space<vmem>>, vector<1x1x128xf32>,
    %get3A_94 = arith.constant 0 : index
    %get3A_95 = arith.constant 1 : index
    %get3A_96 = arith.constant 0 : index
    %get3A_97 = vector.load %arg11[%get3A_94, %get3A_95, %get3A_96] : memref<1x8x128xf32, #tpu.memory_space<vmem>>, vector<1x1x128xf32>
    %get3A_98 = vector.shape_cast %get3A_97 : vector<1x1x128xf32> to vector<1x128xf32>
    %reduce_max3A = arith.constant dense<0xFF800000> : vector<128xf32>
    %reduce_max3A_99 = vector.multi_reduction <maximumf>, %max3A_79, %reduce_max3A [0] : vector<1000x128xf32> to vector<128xf32>
    %broadcast_in_dim3A_100 = vector.shape_cast %reduce_max3A_99 : vector<128xf32> to vector<1x128xf32>
    %max3A_101 = arith.maximumf %get3A_98, %broadcast_in_dim3A_100 : vector<1x128xf32>
    %swap3A_102 = arith.constant 0 : index
    %swap3A_103 = arith.constant 1 : index
    %swap3A_104 = arith.constant 0 : index
    %swap3A_105 = vector.load %arg11[%swap3A_102, %swap3A_103, %swap3A_104] : memref<1x8x128xf32, #tpu.memory_space<vmem>>, vector<1x1x128xf32>
    %swap3A_106 = vector.shape_cast %swap3A_105 : vector<1x1x128xf32> to vector<1x128xf32>
    %swap3A_107 = vector.shape_cast %max3A_101 : vector<1x128xf32> to vector<1x1x128xf32>
    tpu.vector_store %arg11[%swap3A_102, %swap3A_103, %swap3A_104], %swap3A_107 {strides = array<i32>} : memref<1x8x128xf32, #tpu.memory_space<vmem>>, vector<1x1x128xf32>,
    return
  }
  func.func @transform_0(%arg0: i32, %arg1: i32) -> (i32, i32, i32) {
    %c0_i32 = arith.constant 0 : i32
    %c0_i32_0 = arith.constant 0 : i32
    return %arg0, %arg1, %c0_i32 : i32, i32, i32
  }
  func.func @transform_1(%arg0: i32, %arg1: i32) -> (i32, i32, i32) {
    %c0_i32 = arith.constant 0 : i32
    %c0_i32_0 = arith.constant 0 : i32
    return %arg0, %arg1, %c0_i32 : i32, i32, i32
  }
  func.func @transform_2(%arg0: i32, %arg1: i32) -> (i32, i32, i32) {
    %c0_i32 = arith.constant 0 : i32
    %c0_i32_0 = arith.constant 0 : i32
    return %arg0, %arg1, %c0_i32 : i32, i32, i32
  }
  func.func @transform_3(%arg0: i32, %arg1: i32) -> (i32, i32, i32) {
    %c0_i32 = arith.constant 0 : i32
    %c0_i32_0 = arith.constant 0 : i32
    %c0_i32_1 = arith.constant 0 : i32
    return %arg0, %c0_i32, %c0_i32_0 : i32, i32, i32
  }
  func.func @transform_4(%arg0: i32, %arg1: i32) -> (i32, i32, i32) {
    %c0_i32 = arith.constant 0 : i32
    %c0_i32_0 = arith.constant 0 : i32
    %c0_i32_1 = arith.constant 0 : i32
    return %arg0, %c0_i32, %c0_i32_0 : i32, i32, i32
  }
  func.func @transform_5(%arg0: i32, %arg1: i32) -> (i32, i32, i32) {
    %c0_i32 = arith.constant 0 : i32
    %c0_i32_0 = arith.constant 0 : i32
    %c0_i32_1 = arith.constant 0 : i32
    return %arg0, %c0_i32, %c0_i32_0 : i32, i32, i32
  }
  func.func @transform_6(%arg0: i32, %arg1: i32) -> (i32, i32, i32) {
    %c0_i32 = arith.constant 0 : i32
    %c0_i32_0 = arith.constant 0 : i32
    %c0_i32_1 = arith.constant 0 : i32
    return %arg0, %c0_i32, %c0_i32_0 : i32, i32, i32
  }
  func.func @transform_7(%arg0: i32, %arg1: i32) -> (i32, i32, i32) {
    %c0_i32 = arith.constant 0 : i32
    %c0_i32_0 = arith.constant 0 : i32
    %c0_i32_1 = arith.constant 0 : i32
    return %arg0, %c0_i32, %c0_i32_0 : i32, i32, i32
  }
  func.func @transform_8(%arg0: i32, %arg1: i32) -> (i32, i32, i32) {
    %c0_i32 = arith.constant 0 : i32
    %c0_i32_0 = arith.constant 0 : i32
    return %arg0, %arg1, %c0_i32 : i32, i32, i32
  }
  func.func @transform_9(%arg0: i32, %arg1: i32) -> (i32, i32, i32) {
    %c0_i32 = arith.constant 0 : i32
    %c0_i32_0 = arith.constant 0 : i32
    %c0_i32_1 = arith.constant 0 : i32
    return %arg0, %c0_i32, %c0_i32_0 : i32, i32, i32
  }
}

module attributes {stable_mosaic.version = 14 : i64} {
  func.func @body(%arg0: memref<2x8x128xf32, #tpu.memory_space<vmem>>, %arg1: memref<2x256x128xf32, #tpu.memory_space<vmem>>, %arg2: memref<2x1x128xf32, #tpu.memory_space<vmem>>, %arg3: memref<2x1x128xf32, #tpu.memory_space<vmem>>, %arg4: memref<2x1x128xf32, #tpu.memory_space<vmem>>, %arg5: memref<2x128x64xf32, #tpu.memory_space<vmem>>, %arg6: memref<2x1x64xf32, #tpu.memory_space<vmem>>, %arg7: memref<128x2xf32, #tpu.memory_space<vmem>>, %arg8: memref<1x2xf32, #tpu.memory_space<vmem>>, %arg9: memref<1x64xf32, #tpu.memory_space<vmem>>, %arg10: memref<1x64xf32, #tpu.memory_space<vmem>>, %arg11: memref<1x2xf32, #tpu.memory_space<vmem>>, %arg12: memref<1x64xf32, #tpu.memory_space<vmem>>) attributes {dimension_semantics = [], scalar_prefetch = 0 : i64, scratch_operands = 0 : i64, tpu.core_type = #tpu.core_type<tc>} {
    %get3A = arith.constant 0 : index
    %get3A_0 = arith.constant 0 : index
    %get3A_1 = arith.constant 0 : index
    %get3A_2 = vector.load %arg0[%get3A, %get3A_0, %get3A_1] : memref<2x8x128xf32, #tpu.memory_space<vmem>>, vector<1x1x128xf32>
    %get3A_3 = vector.shape_cast %get3A_2 : vector<1x1x128xf32> to vector<1x128xf32>
    %mul3A = arith.constant 9.99999974E-5 : f32
    %mul3A_4 = vector.broadcast %mul3A : f32 to vector<1x128xf32>
    %mul3A_5 = arith.mulf %get3A_3, %mul3A_4 : vector<1x128xf32>
    %get3A_6 = arith.constant 0 : index
    %get3A_7 = arith.constant 1 : index
    %get3A_8 = arith.constant 0 : index
    %get3A_9 = vector.load %arg0[%get3A_6, %get3A_7, %get3A_8] : memref<2x8x128xf32, #tpu.memory_space<vmem>>, vector<1x1x128xf32>
    %get3A_10 = vector.shape_cast %get3A_9 : vector<1x1x128xf32> to vector<1x128xf32>
    %concatenate3A = tpu.concatenate %mul3A_5, %get3A_10 in 1 : vector<1x128xf32>, vector<1x128xf32> -> vector<1x256xf32>
    %get3A_11 = arith.constant 0 : index
    %get3A_12 = arith.constant 0 : index
    %get3A_13 = arith.constant 0 : index
    %get3A_14 = vector.load %arg1[%get3A_11, %get3A_12, %get3A_13] : memref<2x256x128xf32, #tpu.memory_space<vmem>>, vector<1x256x128xf32>
    %get3A_15 = vector.shape_cast %get3A_14 : vector<1x256x128xf32> to vector<256x128xf32>
    %dot_general3A = arith.constant dense<0.000000e+00> : vector<1x128xf32>
    %dot_general3A_16 = tpu.matmul %concatenate3A, %get3A_15, %dot_general3A {dimension_numbers = #tpu.dot_dimension_numbers<[1], [0], [0], [1], [0, 0, 1, 1], [], []>, transpose_lhs_hint = false} : vector<1x256xf32>, vector<256x128xf32>, vector<1x128xf32> -> vector<1x128xf32>
    %get3A_17 = arith.constant 0 : index
    %get3A_18 = arith.constant 0 : index
    %get3A_19 = arith.constant 0 : index
    %get3A_20 = vector.load %arg2[%get3A_17, %get3A_18, %get3A_19] : memref<2x1x128xf32, #tpu.memory_space<vmem>>, vector<1x1x128xf32>
    %get3A_21 = vector.shape_cast %get3A_20 : vector<1x1x128xf32> to vector<1x128xf32>
    %add3A = arith.addf %dot_general3A_16, %get3A_21 : vector<1x128xf32>
    %reduce_sum3A = arith.constant dense<0.000000e+00> : vector<1xf32>
    %reduce_sum3A_22 = vector.multi_reduction <add>, %add3A, %reduce_sum3A [1] : vector<1x128xf32> to vector<1xf32>
    %broadcast_in_dim3A = vector.shape_cast %reduce_sum3A_22 : vector<1xf32> to vector<1x1xf32>
    %div3A = arith.constant 1.280000e+02 : f32
    %div3A_23 = vector.broadcast %div3A : f32 to vector<1x1xf32>
    %div3A_24 = arith.divf %broadcast_in_dim3A, %div3A_23 : vector<1x1xf32>
    %sub3A = vector.broadcast %div3A_24 : vector<1x1xf32> to vector<1x128xf32>
    %sub3A_25 = arith.subf %add3A, %sub3A : vector<1x128xf32>
    %sub3A_26 = vector.broadcast %div3A_24 : vector<1x1xf32> to vector<1x128xf32>
    %sub3A_27 = arith.subf %add3A, %sub3A_26 : vector<1x128xf32>
    %mul3A_28 = arith.mulf %sub3A_25, %sub3A_27 : vector<1x128xf32>
    %reduce_sum3A_29 = arith.constant dense<0.000000e+00> : vector<1xf32>
    %reduce_sum3A_30 = vector.multi_reduction <add>, %mul3A_28, %reduce_sum3A_29 [1] : vector<1x128xf32> to vector<1xf32>
    %broadcast_in_dim3A_31 = vector.shape_cast %reduce_sum3A_30 : vector<1xf32> to vector<1x1xf32>
    %div3A_32 = arith.constant 1.280000e+02 : f32
    %div3A_33 = vector.broadcast %div3A_32 : f32 to vector<1x1xf32>
    %div3A_34 = arith.divf %broadcast_in_dim3A_31, %div3A_33 : vector<1x1xf32>
    %sub3A_35 = vector.broadcast %div3A_24 : vector<1x1xf32> to vector<1x128xf32>
    %sub3A_36 = arith.subf %add3A, %sub3A_35 : vector<1x128xf32>
    %add3A_37 = arith.constant 9.99999974E-6 : f32
    %add3A_38 = vector.broadcast %add3A_37 : f32 to vector<1x1xf32>
    %add3A_39 = arith.addf %div3A_34, %add3A_38 : vector<1x1xf32>
    %sqrt3A = math.sqrt %add3A_39 : vector<1x1xf32>
    %div3A_40 = vector.broadcast %sqrt3A : vector<1x1xf32> to vector<1x128xf32>
    %div3A_41 = arith.divf %sub3A_36, %div3A_40 : vector<1x128xf32>
    %get3A_42 = arith.constant 0 : index
    %get3A_43 = arith.constant 0 : index
    %get3A_44 = arith.constant 0 : index
    %get3A_45 = vector.load %arg3[%get3A_42, %get3A_43, %get3A_44] : memref<2x1x128xf32, #tpu.memory_space<vmem>>, vector<1x1x128xf32>
    %get3A_46 = vector.shape_cast %get3A_45 : vector<1x1x128xf32> to vector<1x128xf32>
    %mul3A_47 = arith.mulf %div3A_41, %get3A_46 : vector<1x128xf32>
    %get3A_48 = arith.constant 0 : index
    %get3A_49 = arith.constant 0 : index
    %get3A_50 = arith.constant 0 : index
    %get3A_51 = vector.load %arg4[%get3A_48, %get3A_49, %get3A_50] : memref<2x1x128xf32, #tpu.memory_space<vmem>>, vector<1x1x128xf32>
    %get3A_52 = vector.shape_cast %get3A_51 : vector<1x1x128xf32> to vector<1x128xf32>
    %add3A_53 = arith.addf %mul3A_47, %get3A_52 : vector<1x128xf32>
    %max3A = arith.constant 0.000000e+00 : f32
    %max3A_54 = vector.broadcast %max3A : f32 to vector<1x128xf32>
    %max3A_55 = arith.maximumf %add3A_53, %max3A_54 : vector<1x128xf32>
    %get3A_56 = arith.constant 0 : index
    %get3A_57 = arith.constant 0 : index
    %get3A_58 = arith.constant 0 : index
    %get3A_59 = vector.load %arg5[%get3A_56, %get3A_57, %get3A_58] : memref<2x128x64xf32, #tpu.memory_space<vmem>>, vector<1x128x64xf32>
    %get3A_60 = vector.shape_cast %get3A_59 : vector<1x128x64xf32> to vector<128x64xf32>
    %dot_general3A_61 = arith.constant dense<0.000000e+00> : vector<1x64xf32>
    %dot_general3A_62 = tpu.matmul %max3A_55, %get3A_60, %dot_general3A_61 {dimension_numbers = #tpu.dot_dimension_numbers<[1], [0], [0], [1], [0, 0, 1, 1], [], []>, transpose_lhs_hint = false} : vector<1x128xf32>, vector<128x64xf32>, vector<1x64xf32> -> vector<1x64xf32>
    %get3A_63 = arith.constant 0 : index
    %get3A_64 = arith.constant 0 : index
    %get3A_65 = arith.constant 0 : index
    %get3A_66 = vector.load %arg6[%get3A_63, %get3A_64, %get3A_65] : memref<2x1x64xf32, #tpu.memory_space<vmem>>, vector<1x1x64xf32>
    %get3A_67 = vector.shape_cast %get3A_66 : vector<1x1x64xf32> to vector<1x64xf32>
    %add3A_68 = arith.addf %dot_general3A_62, %get3A_67 : vector<1x64xf32>
    %get3A_69 = arith.constant 1 : index
    %get3A_70 = arith.constant 0 : index
    %get3A_71 = arith.constant 0 : index
    %get3A_72 = vector.load %arg0[%get3A_69, %get3A_70, %get3A_71] : memref<2x8x128xf32, #tpu.memory_space<vmem>>, vector<1x1x128xf32>
    %get3A_73 = vector.shape_cast %get3A_72 : vector<1x1x128xf32> to vector<1x128xf32>
    %mul3A_74 = arith.constant 9.99999974E-5 : f32
    %mul3A_75 = vector.broadcast %mul3A_74 : f32 to vector<1x128xf32>
    %mul3A_76 = arith.mulf %get3A_73, %mul3A_75 : vector<1x128xf32>
    %get3A_77 = arith.constant 1 : index
    %get3A_78 = arith.constant 1 : index
    %get3A_79 = arith.constant 0 : index
    %get3A_80 = vector.load %arg0[%get3A_77, %get3A_78, %get3A_79] : memref<2x8x128xf32, #tpu.memory_space<vmem>>, vector<1x1x128xf32>
    %get3A_81 = vector.shape_cast %get3A_80 : vector<1x1x128xf32> to vector<1x128xf32>
    %concatenate3A_82 = tpu.concatenate %mul3A_76, %get3A_81 in 1 : vector<1x128xf32>, vector<1x128xf32> -> vector<1x256xf32>
    %get3A_83 = arith.constant 1 : index
    %get3A_84 = arith.constant 0 : index
    %get3A_85 = arith.constant 0 : index
    %get3A_86 = vector.load %arg1[%get3A_83, %get3A_84, %get3A_85] : memref<2x256x128xf32, #tpu.memory_space<vmem>>, vector<1x256x128xf32>
    %get3A_87 = vector.shape_cast %get3A_86 : vector<1x256x128xf32> to vector<256x128xf32>
    %dot_general3A_88 = arith.constant dense<0.000000e+00> : vector<1x128xf32>
    %dot_general3A_89 = tpu.matmul %concatenate3A_82, %get3A_87, %dot_general3A_88 {dimension_numbers = #tpu.dot_dimension_numbers<[1], [0], [0], [1], [0, 0, 1, 1], [], []>, transpose_lhs_hint = false} : vector<1x256xf32>, vector<256x128xf32>, vector<1x128xf32> -> vector<1x128xf32>
    %get3A_90 = arith.constant 1 : index
    %get3A_91 = arith.constant 0 : index
    %get3A_92 = arith.constant 0 : index
    %get3A_93 = vector.load %arg2[%get3A_90, %get3A_91, %get3A_92] : memref<2x1x128xf32, #tpu.memory_space<vmem>>, vector<1x1x128xf32>
    %get3A_94 = vector.shape_cast %get3A_93 : vector<1x1x128xf32> to vector<1x128xf32>
    %add3A_95 = arith.addf %dot_general3A_89, %get3A_94 : vector<1x128xf32>
    %reduce_sum3A_96 = arith.constant dense<0.000000e+00> : vector<1xf32>
    %reduce_sum3A_97 = vector.multi_reduction <add>, %add3A_95, %reduce_sum3A_96 [1] : vector<1x128xf32> to vector<1xf32>
    %broadcast_in_dim3A_98 = vector.shape_cast %reduce_sum3A_97 : vector<1xf32> to vector<1x1xf32>
    %div3A_99 = arith.constant 1.280000e+02 : f32
    %div3A_100 = vector.broadcast %div3A_99 : f32 to vector<1x1xf32>
    %div3A_101 = arith.divf %broadcast_in_dim3A_98, %div3A_100 : vector<1x1xf32>
    %sub3A_102 = vector.broadcast %div3A_101 : vector<1x1xf32> to vector<1x128xf32>
    %sub3A_103 = arith.subf %add3A_95, %sub3A_102 : vector<1x128xf32>
    %sub3A_104 = vector.broadcast %div3A_101 : vector<1x1xf32> to vector<1x128xf32>
    %sub3A_105 = arith.subf %add3A_95, %sub3A_104 : vector<1x128xf32>
    %mul3A_106 = arith.mulf %sub3A_103, %sub3A_105 : vector<1x128xf32>
    %reduce_sum3A_107 = arith.constant dense<0.000000e+00> : vector<1xf32>
    %reduce_sum3A_108 = vector.multi_reduction <add>, %mul3A_106, %reduce_sum3A_107 [1] : vector<1x128xf32> to vector<1xf32>
    %broadcast_in_dim3A_109 = vector.shape_cast %reduce_sum3A_108 : vector<1xf32> to vector<1x1xf32>
    %div3A_110 = arith.constant 1.280000e+02 : f32
    %div3A_111 = vector.broadcast %div3A_110 : f32 to vector<1x1xf32>
    %div3A_112 = arith.divf %broadcast_in_dim3A_109, %div3A_111 : vector<1x1xf32>
    %sub3A_113 = vector.broadcast %div3A_101 : vector<1x1xf32> to vector<1x128xf32>
    %sub3A_114 = arith.subf %add3A_95, %sub3A_113 : vector<1x128xf32>
    %add3A_115 = arith.constant 9.99999974E-6 : f32
    %add3A_116 = vector.broadcast %add3A_115 : f32 to vector<1x1xf32>
    %add3A_117 = arith.addf %div3A_112, %add3A_116 : vector<1x1xf32>
    %sqrt3A_118 = math.sqrt %add3A_117 : vector<1x1xf32>
    %div3A_119 = vector.broadcast %sqrt3A_118 : vector<1x1xf32> to vector<1x128xf32>
    %div3A_120 = arith.divf %sub3A_114, %div3A_119 : vector<1x128xf32>
    %get3A_121 = arith.constant 1 : index
    %get3A_122 = arith.constant 0 : index
    %get3A_123 = arith.constant 0 : index
    %get3A_124 = vector.load %arg3[%get3A_121, %get3A_122, %get3A_123] : memref<2x1x128xf32, #tpu.memory_space<vmem>>, vector<1x1x128xf32>
    %get3A_125 = vector.shape_cast %get3A_124 : vector<1x1x128xf32> to vector<1x128xf32>
    %mul3A_126 = arith.mulf %div3A_120, %get3A_125 : vector<1x128xf32>
    %get3A_127 = arith.constant 1 : index
    %get3A_128 = arith.constant 0 : index
    %get3A_129 = arith.constant 0 : index
    %get3A_130 = vector.load %arg4[%get3A_127, %get3A_128, %get3A_129] : memref<2x1x128xf32, #tpu.memory_space<vmem>>, vector<1x1x128xf32>
    %get3A_131 = vector.shape_cast %get3A_130 : vector<1x1x128xf32> to vector<1x128xf32>
    %add3A_132 = arith.addf %mul3A_126, %get3A_131 : vector<1x128xf32>
    %max3A_133 = arith.constant 0.000000e+00 : f32
    %max3A_134 = vector.broadcast %max3A_133 : f32 to vector<1x128xf32>
    %max3A_135 = arith.maximumf %add3A_132, %max3A_134 : vector<1x128xf32>
    %get3A_136 = arith.constant 1 : index
    %get3A_137 = arith.constant 0 : index
    %get3A_138 = arith.constant 0 : index
    %get3A_139 = vector.load %arg5[%get3A_136, %get3A_137, %get3A_138] : memref<2x128x64xf32, #tpu.memory_space<vmem>>, vector<1x128x64xf32>
    %get3A_140 = vector.shape_cast %get3A_139 : vector<1x128x64xf32> to vector<128x64xf32>
    %dot_general3A_141 = arith.constant dense<0.000000e+00> : vector<1x64xf32>
    %dot_general3A_142 = tpu.matmul %max3A_135, %get3A_140, %dot_general3A_141 {dimension_numbers = #tpu.dot_dimension_numbers<[1], [0], [0], [1], [0, 0, 1, 1], [], []>, transpose_lhs_hint = false} : vector<1x128xf32>, vector<128x64xf32>, vector<1x64xf32> -> vector<1x64xf32>
    %get3A_143 = arith.constant 1 : index
    %get3A_144 = arith.constant 0 : index
    %get3A_145 = arith.constant 0 : index
    %get3A_146 = vector.load %arg6[%get3A_143, %get3A_144, %get3A_145] : memref<2x1x64xf32, #tpu.memory_space<vmem>>, vector<1x1x64xf32>
    %get3A_147 = vector.shape_cast %get3A_146 : vector<1x1x64xf32> to vector<1x64xf32>
    %add3A_148 = arith.addf %dot_general3A_142, %get3A_147 : vector<1x64xf32>
    %concatenate3A_149 = tpu.concatenate %add3A_68, %add3A_148 in 1 : vector<1x64xf32>, vector<1x64xf32> -> vector<1x128xf32>
    %get3A_150 = arith.constant 0 : index
    %get3A_151 = arith.constant 0 : index
    %get3A_152 = vector.load %arg7[%get3A_150, %get3A_151] : memref<128x2xf32, #tpu.memory_space<vmem>>, vector<128x2xf32>
    %dot_general3A_153 = arith.constant dense<0.000000e+00> : vector<1x2xf32>
    %dot_general3A_154 = tpu.matmul %concatenate3A_149, %get3A_152, %dot_general3A_153 {dimension_numbers = #tpu.dot_dimension_numbers<[1], [0], [0], [1], [0, 0, 1, 1], [], []>, transpose_lhs_hint = false} : vector<1x128xf32>, vector<128x2xf32>, vector<1x2xf32> -> vector<1x2xf32>
    %get3A_155 = arith.constant 0 : index
    %get3A_156 = arith.constant 0 : index
    %get3A_157 = vector.load %arg8[%get3A_155, %get3A_156] : memref<1x2xf32, #tpu.memory_space<vmem>>, vector<1x2xf32>
    %add3A_158 = arith.addf %dot_general3A_154, %get3A_157 : vector<1x2xf32>
    %reduce_max3A = arith.constant dense<0xFF800000> : vector<1xf32>
    %reduce_max3A_159 = vector.multi_reduction <maximumf>, %add3A_158, %reduce_max3A [1] : vector<1x2xf32> to vector<1xf32>
    %broadcast_in_dim3A_160 = vector.shape_cast %reduce_max3A_159 : vector<1xf32> to vector<1x1xf32>
    %sub3A_161 = vector.broadcast %broadcast_in_dim3A_160 : vector<1x1xf32> to vector<1x2xf32>
    %sub3A_162 = arith.subf %add3A_158, %sub3A_161 : vector<1x2xf32>
    %exp3A = math.exp %sub3A_162 : vector<1x2xf32>
    %reduce_sum3A_163 = arith.constant dense<0.000000e+00> : vector<1xf32>
    %reduce_sum3A_164 = vector.multi_reduction <add>, %exp3A, %reduce_sum3A_163 [1] : vector<1x2xf32> to vector<1xf32>
    %broadcast_in_dim3A_165 = vector.shape_cast %reduce_sum3A_164 : vector<1xf32> to vector<1x1xf32>
    %div3A_166 = vector.broadcast %broadcast_in_dim3A_165 : vector<1x1xf32> to vector<1x2xf32>
    %div3A_167 = arith.divf %exp3A, %div3A_166 : vector<1x2xf32>
    %swap3A = arith.constant 0 : index
    %swap3A_168 = arith.constant 0 : index
    %swap3A_169 = vector.load %arg9[%swap3A, %swap3A_168] : memref<1x64xf32, #tpu.memory_space<vmem>>, vector<1x64xf32>
    tpu.vector_store %arg9[%swap3A, %swap3A_168], %add3A_68 {strides = array<i32>} : memref<1x64xf32, #tpu.memory_space<vmem>>, vector<1x64xf32>,
    %swap3A_170 = arith.constant 0 : index
    %swap3A_171 = arith.constant 0 : index
    %swap3A_172 = vector.load %arg10[%swap3A_170, %swap3A_171] : memref<1x64xf32, #tpu.memory_space<vmem>>, vector<1x64xf32>
    tpu.vector_store %arg10[%swap3A_170, %swap3A_171], %add3A_148 {strides = array<i32>} : memref<1x64xf32, #tpu.memory_space<vmem>>, vector<1x64xf32>,
    %swap3A_173 = arith.constant 0 : index
    %swap3A_174 = arith.constant 0 : index
    %swap3A_175 = vector.load %arg11[%swap3A_173, %swap3A_174] : memref<1x2xf32, #tpu.memory_space<vmem>>, vector<1x2xf32>
    tpu.vector_store %arg11[%swap3A_173, %swap3A_174], %div3A_167 {strides = array<i32>} : memref<1x2xf32, #tpu.memory_space<vmem>>, vector<1x2xf32>,
    %slice3A = vector.extract_strided_slice %div3A_167 {offsets = [0, 0], sizes = [1, 1], strides = [1, 1]} : vector<1x2xf32> to vector<1x1xf32>
    %mul3A_176 = vector.broadcast %slice3A : vector<1x1xf32> to vector<1x64xf32>
    %mul3A_177 = arith.mulf %mul3A_176, %add3A_68 : vector<1x64xf32>
    %slice3A_178 = vector.extract_strided_slice %div3A_167 {offsets = [0, 1], sizes = [1, 1], strides = [1, 1]} : vector<1x2xf32> to vector<1x1xf32>
    %mul3A_179 = vector.broadcast %slice3A_178 : vector<1x1xf32> to vector<1x64xf32>
    %mul3A_180 = arith.mulf %mul3A_179, %add3A_148 : vector<1x64xf32>
    %add3A_181 = arith.addf %mul3A_177, %mul3A_180 : vector<1x64xf32>
    %swap3A_182 = arith.constant 0 : index
    %swap3A_183 = arith.constant 0 : index
    %swap3A_184 = vector.load %arg12[%swap3A_182, %swap3A_183] : memref<1x64xf32, #tpu.memory_space<vmem>>, vector<1x64xf32>
    tpu.vector_store %arg12[%swap3A_182, %swap3A_183], %add3A_181 {strides = array<i32>} : memref<1x64xf32, #tpu.memory_space<vmem>>, vector<1x64xf32>,
    return
  }
}

</mosaic_0001>

<sc_bundles>
// kernel: kernel.11.cloned.1.call-start
scs
__scs_entry_jumppad:
0x0: {  	(pc) =	sbr.rel $0x88, $3  }
0x1: {  	(tag) =	ssettag $0x0;
	lr =	simm.s32 $0x1  }
0x2: {  	[smem:$0x3F7B] =	sst lr;
	_ =	strace $0xD0000000  }
0x3: {  	_ = 	snop  }
0x4: {  	_ = 	snop  }
0x5: {  	_ = 	snop  }
0x6: {  	_ = 	snop  }
0x7: {  	_ = 	snop  }
__scs_overlays_trampoline_lowered:
0x8: {  	[smem:$0x3F8A] =	sst s0  }
0x9: {  	[smem:$0x3F8B] =	sst s1  }
0xa: {  	[smem:$0x3F8C] =	sst s2  }
0xb: {  	[smem:$0x3F8D] =	sst s3  }
0xc: {  	[smem:$0x3F8E] =	sst s4  }
0xd: {  	[smem:$0x3F8F] =	sst s5  }
0xe: {  	[smem:$0x3F90] =	sst s6  }
0xf: {  	[smem:$0x3F91] =	sst s7  }
0x10: {  	[smem:$0x3F92] =	sst s8  }
0x11: {  	[smem:$0x3F93] =	sst s9;
	s0 =	simm.s32 @!p0 $0x0  }
0x12: {  	s1 =	sld [smem:$0x3F79];
	s0 =	simm.s32 @p0 $0x1  }
0x13: {  	[smem:$0x3F94] =	sst s0;
	s0 =	simm.s32 @!p1 $0x0  }
0x14: {  	s2 =	sld [smem:$0x3F78];
	s0 =	simm.s32 @p1 $0x1  }
0x15: {  	[smem:$0x3F95] =	sst s0;
	s0 =	simm.s32 @!p2 $0x0  }
0x16: {  	s3 =	sld [smem:$0x3FDB];
	s0 =	simm.s32 @p2 $0x1  }
0x17: {  	s4 =	simm.s32 $0x1BF5;
	[smem:$0x3F97] =	sst s0  }
0x18: {  	s0 =	sld [smem:$0x3F7A];
	_ =	swait.ge [sflag:s4], $0x0  }
0x19: {  	s7 =	sld [smem:$0x3F7B]  }
0x1a: {  	s8 =	sadd.s32 $0xFFFFE003, lr  }
0x1b: {  	s9 =	sadd.s32 $0xFFFFFEF7, lr;
	s5 =	simm.s32 $0xFFFFFFFF;
	p2 =	slt.u32 s8, $0xFFFFF086  }
0x1c: {  	p1 =	slt.u32 s9, $0xF7A;
	s5 =	simm.s32 @!p2 $0x0  }
0x1d: {  	s5 =	simm.s32 @p1 $0x1;
	p0 =	seq.s32 s7, s2  }
0x1e: {  	s7 =	smul.u32 @!p0 $0xF7A, s2;
	p2 =	seq.s32 @!p0 s5, $0x0  }
0x1f: {  	s9 =	smul.u32 $0xF7A, s1;
	s8 =	simm.s32 @!p0 $0x1BF5;
	p2 =	por !p2, p0  }
0x20: {  	[sflag:s8] =	ssyncset.s32 @!p0 $0xFFFFF086;
	s6 =	sadd.s32 @!p0 s3, s7;
	s7 =	simm.s32 @!p0 $0x108  }
0x21: {  	s3 =	sadd.s32 s3, s9;
	s6 =	sadd.s32 @!p0 $0x88, s6;
	s7 =	simm.s32 @p2 $0x1082  }
0x22: {  	[simem:s7], [sflag:s8] =	dma.local @!p0 [hbm:s6], $0xF7A  }
0x23: {  	s9 =	sor.u32 $0xD0000000, s2;
	s6 =	simm.s32 $0x108;
	_ =	swait.ge @!p0 [sflag:s8], $0x0  }
0x24: {  	s3 =	sadd.s32 $0x88, s3;
	s6 =	simm.s32 @!p1 $0x1082;
	[sflag:s4] =	ssyncset.s32 $0xFFFFF086  }
0x25: {  	[simem:s6], [sflag:s4] =	dma.local [hbm:s3], $0xF7A  }
0x26: {  	[smem:$0x3F7B] =	sst s1;
	(tag) =	ssettag s2;
	_ =	strace s9  }
0x27: {  	s1 =	sld [smem:$0x3F8B]  }
0x28: {  	s2 =	sld [smem:$0x3F8C]  }
0x29: {  	s4 =	sld [smem:$0x3F8E]  }
0x2a: {  	p0 =	seq.s32 s5, $0x0;
	s5 =	sld [smem:$0x3F8F]  }
0x2b: {  	s6 =	sld [smem:$0x3F90]  }
0x2c: {  	s7 =	sld [smem:$0x3F91]  }
0x2d: {  	s3 =	simm.s32 $0x108;
	s8 =	sld [smem:$0x3F92]  }
0x2e: {  	s3 =	simm.s32 @!p0 $0x1082;
	s9 =	sld [smem:$0x3F93]  }
0x2f: {  	lr =	sadd.s32 s0, s3;
	s0 =	sld [smem:$0x3F8A]  }
0x30: {  	s3 =	sld [smem:$0x3F8D]  }
0x31: {  	[smem:$0x3F96] =	sst s10  }
0x32: {  	s10 =	sld [smem:$0x3F94];
	_ =	sdelay $0x3  }
0x33: {  	p0 =	seq.s32 s10, $0x1;
	s10 =	sld [smem:$0x3F96];
	_ =	sdelay $0x3  }
0x34: {  	[smem:$0x3F96] =	sst s10  }
0x35: {  	s10 =	sld [smem:$0x3F95];
	_ =	sdelay $0x3  }
0x36: {  	p1 =	seq.s32 s10, $0x1;
	s10 =	sld [smem:$0x3F96];
	_ =	sdelay $0x3  }
0x37: {  	[smem:$0x3F96] =	sst s10  }
0x38: {  	s10 =	sld [smem:$0x3F97]  }
0x39: {  	_ = 	snop;
	(pc) =	sbr.ind lr, $3  }
0x3a: {  	_ = 	snop  }
0x3b: {  	_ = 	snop  }
0x3c: {  	p2 =	seq.s32 s10, $0x1;
	s10 =	sld [smem:$0x3F96]  }
0x3d: {  	_ =	shalt  }
0x3e: {  	_ =	shalt  }
0x3f: {  	_ =	shalt  }
0x40: {  	_ =	shalt  }
0x41: {  	_ =	shalt  }
0x42: {  	_ =	shalt  }
0x43: {  	_ =	shalt  }
0x44: {  	_ =	shalt  }
0x45: {  	_ =	shalt  }
0x46: {  	_ =	shalt  }
0x47: {  	_ =	shalt  }
0x48: {  	_ =	shalt  }
0x49: {  	_ =	shalt  }
0x4a: {  	_ =	shalt  }
0x4b: {  	_ =	shalt  }
0x4c: {  	_ =	shalt  }
0x4d: {  	_ =	shalt  }
0x4e: {  	_ =	shalt  }
0x4f: {  	_ =	shalt  }
0x50: {  	_ =	shalt  }
0x51: {  	_ =	shalt  }
0x52: {  	_ =	shalt  }
0x53: {  	_ =	shalt  }
0x54: {  	_ =	shalt  }
0x55: {  	_ =	shalt  }
0x56: {  	_ =	shalt  }
0x57: {  	_ =	shalt  }
0x58: {  	_ =	shalt  }
0x59: {  	_ =	shalt  }
0x5a: {  	_ =	shalt  }
0x5b: {  	_ =	shalt  }
0x5c: {  	_ =	shalt  }
0x5d: {  	_ =	shalt  }
0x5e: {  	_ =	shalt  }
0x5f: {  	_ =	shalt  }
0x60: {  	_ =	shalt  }
0x61: {  	_ =	shalt  }
0x62: {  	_ =	shalt  }
0x63: {  	_ =	shalt  }
0x64: {  	_ =	shalt  }
0x65: {  	_ =	shalt  }
0x66: {  	_ =	shalt  }
0x67: {  	_ =	shalt  }
0x68: {  	_ =	shalt  }
0x69: {  	_ =	shalt  }
0x6a: {  	_ =	shalt  }
0x6b: {  	_ =	shalt  }
0x6c: {  	_ =	shalt  }
0x6d: {  	_ =	shalt  }
0x6e: {  	_ =	shalt  }
0x6f: {  	_ =	shalt  }
0x70: {  	_ =	shalt  }
0x71: {  	_ =	shalt  }
0x72: {  	_ =	shalt  }
0x73: {  	_ =	shalt  }
0x74: {  	_ =	shalt  }
0x75: {  	_ =	shalt  }
0x76: {  	_ =	shalt  }
0x77: {  	_ =	shalt  }
0x78: {  	_ =	shalt  }
0x79: {  	_ =	shalt  }
0x7a: {  	_ =	shalt  }
0x7b: {  	_ =	shalt  }
0x7c: {  	_ =	shalt  }
0x7d: {  	_ =	shalt  }
0x7e: {  	_ =	shalt  }
0x7f: {  	_ =	shalt  }
0x80: {  	_ =	shalt  }
0x81: {  	_ =	shalt  }
0x82: {  	_ =	shalt  }
0x83: {  	_ =	shalt  }
0x84: {  	_ =	shalt  }
0x85: {  	_ =	shalt  }
0x86: {  	_ =	shalt  }
0x87: {  	_ =	shalt  }
.Lfunc_end0:
.L_simem_size_0:
called_computation_lowered:
.L_overlay_start_0:
0x88: {  	s2 =	sld [smem:$0x3FD9]  }
0x89: {  	s3 =	sld [smem:$0x3FFE];
	_ =	sdelay $0x1  }
0x8a: {  	s1 =	srdreg.scid  }
0x8b: {  	s0 =	sand.u32 $0x1, s1  }
0x8c: {  	s16 =	sshll.u32 s0, $0xA;
	s2 =	sadd.s32 s3, s2  }
0x8d: {  	s2 =	sadd.s32 s2, s16  }
0x8e: {  	[smem:$0x3FA2] =	sst s2  }
0x8f: {  	_ = 	snop  }
0x90: {  	(tm) =	ssettm $0x1  }
0x91: {  	s17 =	sld [smem:$0x3FFB];
	_ =	sdelay $0x3  }
0x92: {  	_ =	strace s17  }
0x93: {  	s2 =	sld [smem:$0x3FFC];
	_ =	sdelay $0x3  }
0x94: {  	_ =	strace s2  }
0x95: {  	s2 =	sld [smem:$0x3FFD];
	_ =	sdelay $0x3  }
0x96: {  	_ =	strace s2  }
0x97: {  	_ =	strace $0x8FFFFFFF  }
0x98: {  	s18 =	sld [smem:$0x3FDB];
	_ =	sdelay $0x1  }
0x99: {  	s19 =	simm.s32 $_scs_section_size  }
0x9a: {  	s4 =	simm.s32 $_size__tile_overlayer_lowered;
	s5 =	simm.s32 $_tile_overlayer_lowered  }
0x9b: {  	s22 =	simm.s32 $0x1BFF;
	s21 =	sshll.u32 s5, $0x1;
	s2 =	sadd.s32 s19, s18  }
0x9c: {  	s6 =	simm.s32 $0x0;
	s20 =	sshll.u32 s4, $0x1;
	s4 =	sadd.s32 s21, s2  }
0x9d: {  	[timem:s6], [sflag:s22] =	dma.local [hbm:s4], s20  }
0x9e: {  	_ =	swait.ge [sflag:s22], s20  }
0x9f: {  	s3 =	ssub.s32 $0x0, s20;
	[sflag:s22] =	ssyncset.done $0x0  }
0xa0: {  	[sflag:s22] =	ssyncadd.s32 s3;
	_ =	sdelay $0x1  }
0xa1: {  	s23 =	simm.s32 $0x1B8B  }
0xa2: {  	_ =	swait.ge [sflag:s23], $0x1  }
0xa3: {  	[sflag:s23] =	ssyncset.done $0x0  }
0xa4: {  	s25 =	simm.s32 $0x1B8E;
	s24 =	sld [smem:$0x3FFE];
	[sflag:s23] =	ssyncadd.s32 $0xFFFFFFFF  }
0xa5: {  	s26 =	simm.s32 $execute0_lowered;
	[smem:$0x3FD2] =	sst s25  }
0xa6: {  	s4 =	sshll.u32 s26, $0x1;
	_ =	strace $0x80000046;
	[dreg:$0x1] =	wrdreg $0xFFFFFFFF  }
0xa7: {  	s28 =	simm.s32 $_size_execute0_lowered;
	s2 =	sadd.s32 s2, s4;
	[dreg:$0x0] =	wrdreg $0x0  }
0xa8: {  	s4 =	sshll.u32 s28, $0x1;
	[dreg:$0x2] =	wrdreg s2  }
0xa9: {  	[dreg:$0x3] =	wrdreg s4  }
0xaa: {  	[dreg:$0x4] =	wrdreg $0xC0  }
0xab: {  	_ =	task [dreg:s6], $0x5FFFF  }
0xac: {  	[dreg:$0x1] =	wrdreg $0xFFFFFFFF  }
0xad: {  	[dreg:$0x0] =	wrdreg $0x60  }
0xae: {  	[dreg:$0x2] =	wrdreg s24  }
0xaf: {  	[dreg:$0x3] =	wrdreg $0x41000  }
0xb0: {  	[dreg:$0x4] =	wrdreg $0x9  }
0xb1: {  	_ =	task.clear_ibuf [dreg:s6], $0x5FFFF;
	_ =	strace $0x90000046  }
0xb2: {  	s29 =	simm.s32 $0x9;
	_ =	strace $0x80000048  }
0xb3: {  	_ =	swait.ge [sflag:s29], $0x1  }
0xb4: {  	[sflag:s29] =	ssyncadd.s32 $0xFFFFFFFF  }
0xb5: {  	_ =	strace $0x90000048  }
0xb6: {  	_ =	sfence  }
0xb7: {  	s30 =	sld [smem:$0x0];
	_ =	sdelay $0x2  }
0xb8: {  	s31 =	sshll.u32 s1, $0xD;
	s1 =	sshrl.u32 s1, $0x2  }
0xb9: {  	s3 =	sand.u32 $0x4000, s31;
	s1 =	sadd.s32 s1, s30  }
0xba: {  	s0 =	sor.u32 s3, s0;
	s1 =	sshll.u32 s1, $0x11  }
0xbb: {  	s0 =	sor.u32 s1, s0  }
0xbc: {  	s0 =	sadd.s32 $0x8F2B, s0  }
0xbd: {  	[sflag:s0] =	ssyncadd.remote.s32 $0x1  }
0xbe: {  	_ =	sfence.sel $0xFFFF  }
0xbf: {  	[dreg:$0x0] =	wrdreg $0xFFFFFFFF;
	(pc) =	sbr.abs _section_cstart, $3  }
0xc0: {  	[dreg:$0x1] =	wrdreg $0xFFFFFFFF  }
0xc1: {  	_ =	task.clear_ibuf [dreg:s6], $0x2FFFF;
	_ =	strace $0x9FFFFFFF  }
0xc2: {  	(tm) =	ssettm $0x7FFFFFFF  }
0xc3: {  	_ =	shalt  }
tec
execute0_lowered:
.L_overlay_start_1:
0x0: {  	(tag) =	ssettag $0x1  }
0x1: {  	s5 =	rddreg [dreg:$0x0]  }
0x2: {  	s1 =	rddreg [dreg:$0x1]  }
0x3: {  	s2 =	srdreg.scid;
	s0 =	rddreg [dreg:$0x2]  }
0x4: {  	s9 =	stileid.u32;
	s13 =	simm.s32 $0x3;
	s14 =	simm.s32 $0x80  }
0x5: {  	s15 =	simm.s32 $0x1;
	s16 =	simm.s32 $0x2;
	s17 =	simm.s32 $0x0  }
0x6: {  	s4 =	sand.u32 $0x1, s2;
	s2 =	simm.s32 $0x0;
	s7 =	smul.u32 $0x5000, s9  }
0x7: {  	s10 =	sadd.s32 $0x7200, s5;
	s3 =	sadd.s32 $0x1B200, s5;
	s6 =	smul.u32 $0x50000, s4  }
0x8: {  	p0 =	sne.s32 s9, $0x0;
	[smem:$0x7FF] =	sst s2;
	s8 =	smul.u32 $0x27900, s4  }
0x9: {  	s11 =	ssub.s32 $0x2, s4;
	s4 =	sadd.s32 $0x42C00, s5;
	_ =	strace $0x80000047  }
0xa: {  	s30 =	sshrl.u32 s11, $0x1;
	s12 =	sadd.s32 s7, s6;
	s8 =	sadd.s32 s8, s5  }
0xb: {  	s11 =	ssub.s32 s11, s30;
	s7 =	sshrl.u32 s12, $0x3;
	s12 =	sor.u32 $0x100, s12  }
0xc: {  	s5 =	sadd.s32 s10, s7;
	s7 =	sadd.s32 $0x43400, s8;
	s8 =	smax.u32 s11, $0x1  }
0xd: {  	s31 =	sshrl.u32 s12, $0x3;
	s11 =	sshrl.u32 @!p0 s1, $0x3;
	s12 =	simm.s32 $0x100  }
0xe: {  	s6 =	sadd.s32 $0x9F0, s5;
	s9 =	sadd.s32 $0x10, s5;
	s10 =	sadd.s32 s31, s10  }
.LBB2_1:
0xf: {  	s18 =	simm.s32 @!p0 $0x1C03  }
0x10: {  	[spmem:s11], [sflag:s18] =	dma.local @!p0 [hbm:s3], $0x27900  }
0x11: {  	s18 =	simm.s32 @!p0 $0x3  }
0x12: {  	_ =	swait.ge @!p0 [sflag:s18], $0x27900  }
0x13: {  	[sflag:s18] =	ssyncset.done @!p0 $0x0  }
0x14: {  	[sflag:s18] =	ssyncadd.s32 @!p0 $0xFFFD8700  }
0x15: {  	[tilespmem:s12], [sflag:$0x3] =	stream.linear.gather [hbm4b:s4+s2], $0x4000, $0x38;
	[tilespmem:$0x6890] =	vst v63  }
0x16: {  	_ =	swait.ge [sflag:s13], $0x4000  }
0x17: {  	[sflag:s13] =	ssyncset.done $0x0  }
0x18: {  	[sflag:s13] =	ssyncadd.s32 $0xFFFFC000  }
0x19: {  	[bflag:$0x0] =	sbarrier.arrive $0xFFFF  }
0x1a: {  	[tilespmem:s2], [sflag:$0x1] =	stream.linear.gather [hbm4b:s5+s2], $0x80, $0x38;
	[tilespmem:$0x6890] =	vst v63  }
0x1b: {  	s30 =	sadd.s32 $0x0, s9  }
0x1c: {  	[tilespmem:s14], [sflag:$0x2] =	stream.linear.gather [hbm4b:s30+s2], $0x80, $0x38;
	[tilespmem:$0x6890] =	vst v63  }
0x1d: {  	_ =	swait.ge [sflag:s15], $0x80  }
0x1e: {  	[sflag:s15] =	ssyncset.done $0x0  }
0x1f: {  	[sflag:s15] =	ssyncadd.s32 $0xFFFFFF80  }
0x20: {  	[spmem:s1] =	stream.indirect.scatter.add.f32 [tilespmem:s12], [sflag:$0x3], $0x10, s2, s14, $0xb8;
	[tilespmem:$0x6890] =	vst v63  }
0x21: {  	_ =	swait.ge [sflag:s13], $0x800  }
0x22: {  	[sflag:s13] =	ssyncset.done $0x0  }
0x23: {  	s31 =	sadd.s32 $0x0, s10;
	[sflag:s13] =	ssyncadd.s32 $0xFFFFF800  }
0x24: {  	[tilespmem:s2], [sflag:$0x1] =	stream.linear.gather [hbm4b:s31+s2], $0x80, $0x38;
	[tilespmem:$0x6890] =	vst v63  }
0x25: {  	_ =	swait.ge [sflag:s16], $0x80  }
0x26: {  	[sflag:s16] =	ssyncset.done $0x0  }
0x27: {  	[sflag:s16] =	ssyncadd.s32 $0xFFFFFF80  }
0x28: {  	[spmem:s1] =	stream.indirect.scatter.add.f32 [tilespmem:s12], [sflag:$0x3], $0x10, s14, s14, $0xb8;
	[tilespmem:$0x6890] =	vst v63  }
0x29: {  	_ =	swait.ge [sflag:s13], $0x800  }
0x2a: {  	s19 =	simm.s32 $0x40;
	s18 =	simm.s32 $0x20;
	[sflag:s13] =	ssyncset.done $0x0  }
.LBB2_2:
0x2b: {  	s20 =	sadd.s32 s18, s9  }
0x2c: {  	[sflag:s13] =	ssyncadd.s32 $0xFFFFF800;
	s21 =	smov.u32 s19;
	s22 =	sadd.s32 $0x20, s19  }
0x2d: {  	[tilespmem:s14], [sflag:$0x2] =	stream.linear.gather [hbm4b:s20+s2], $0x80, $0x38;
	[tilespmem:$0x6890] =	vst v63  }
0x2e: {  	p1 =	sne.s32 s19, $0x9C0;
	_ =	swait.ge [sflag:s15], $0x80  }
0x2f: {  	[sflag:s15] =	ssyncset.done $0x0  }
0x30: {  	[sflag:s15] =	ssyncadd.s32 $0xFFFFFF80  }
0x31: {  	[spmem:s1] =	stream.indirect.scatter.add.f32 [tilespmem:s12], [sflag:$0x3], $0x10, s2, s14, $0xb8;
	[tilespmem:$0x6890] =	vst v63  }
0x32: {  	_ =	swait.ge [sflag:s13], $0x800  }
0x33: {  	[sflag:s13] =	ssyncset.done $0x0  }
0x34: {  	s19 =	sadd.s32 s18, s10;
	s18 =	smov.u32 s21;
	[sflag:s13] =	ssyncadd.s32 $0xFFFFF800  }
0x35: {  	[tilespmem:s2], [sflag:$0x1] =	stream.linear.gather [hbm4b:s19+s2], $0x80, $0x38;
	[tilespmem:$0x6890] =	vst v63  }
0x36: {  	_ =	swait.ge [sflag:s16], $0x80  }
.Ltmp0:
0x37: {  	[sflag:s16] =	ssyncset.done $0x0;
	(pc) =	sbr.rel @p1 .LBB2_2-.Ltmp0, $4  }
0x38: {  	[sflag:s16] =	ssyncadd.s32 $0xFFFFFF80  }
0x39: {  	[spmem:s1] =	stream.indirect.scatter.add.f32 [tilespmem:s12], [sflag:$0x3], $0x10, s14, s14, $0xb8;
	[tilespmem:$0x6890] =	vst v63  }
0x3a: {  	_ =	swait.ge [sflag:s13], $0x800  }
0x3b: {  	s19 =	smov.u32 s22;
	[sflag:s13] =	ssyncset.done $0x0  }
0x3c: {  	s19 =	sadd.s32 s18, s9;
	[sflag:s13] =	ssyncadd.s32 $0xFFFFF800  }
0x3d: {  	[tilespmem:s14], [sflag:$0x2] =	stream.linear.gather [hbm4b:s19+s2], $0x80, $0x38;
	[tilespmem:$0x6890] =	vst v63  }
0x3e: {  	_ =	swait.ge [sflag:s15], $0x80  }
0x3f: {  	[sflag:s15] =	ssyncset.done $0x0  }
0x40: {  	[sflag:s15] =	ssyncadd.s32 $0xFFFFFF80  }
0x41: {  	[spmem:s1] =	stream.indirect.scatter.add.f32 [tilespmem:s12], [sflag:$0x3], $0x10, s2, s14, $0xb8;
	[tilespmem:$0x6890] =	vst v63  }
0x42: {  	_ =	swait.ge [sflag:s13], $0x800  }
0x43: {  	[sflag:s13] =	ssyncset.done $0x0  }
0x44: {  	s31 =	sadd.s32 s18, s10;
	[sflag:s13] =	ssyncadd.s32 $0xFFFFF800  }
0x45: {  	[tilespmem:s2], [sflag:$0x1] =	stream.linear.gather [hbm4b:s31+s2], $0x80, $0x38;
	[tilespmem:$0x6890] =	vst v63  }
0x46: {  	_ =	swait.ge [sflag:s16], $0x80  }
0x47: {  	[sflag:s16] =	ssyncset.done $0x0  }
0x48: {  	[sflag:s16] =	ssyncadd.s32 $0xFFFFFF80  }
0x49: {  	[spmem:s1] =	stream.indirect.scatter.add.f32 [tilespmem:s12], [sflag:$0x3], $0x10, s14, s14, $0xb8;
	[tilespmem:$0x6890] =	vst v63  }
0x4a: {  	_ =	swait.ge [sflag:s13], $0x800  }
0x4b: {  	[sflag:s13] =	ssyncset.done $0x0  }
0x4c: {  	[sflag:s13] =	ssyncadd.s32 $0xFFFFF800  }
0x4d: {  	_ =	swait.ge [sflag:s15], $0x80  }
0x4e: {  	[sflag:s15] =	ssyncset.done $0x0  }
0x4f: {  	[sflag:s15] =	ssyncadd.s32 $0xFFFFFF80  }
0x50: {  	[tilespmem:s14], [sflag:$0x2] =	stream.linear.gather [hbm4b:s6+s2], $0x80, $0x38;
	[tilespmem:$0x6890] =	vst v63  }
0x51: {  	_ = 	snop  }
0x52: {  	[spmem:s1] =	stream.indirect.scatter.add.f32 [tilespmem:s12], [sflag:$0x3], $0x10, s2, s14, $0xb8;
	[tilespmem:$0x6890] =	vst v63  }
0x53: {  	_ =	swait.ge [sflag:s13], $0x800  }
0x54: {  	[sflag:s13] =	ssyncset.done $0x0  }
0x55: {  	[sflag:s13] =	ssyncadd.s32 $0xFFFFF800  }
0x56: {  	_ =	swait.ge [sflag:s16], $0x80  }
0x57: {  	[sflag:s16] =	ssyncset.done $0x0  }
0x58: {  	[sflag:s16] =	ssyncadd.s32 $0xFFFFFF80  }
0x59: {  	[spmem:s1] =	stream.indirect.scatter.add.f32 [tilespmem:s12], [sflag:$0x3], $0x10, s14, s14, $0xb8;
	[tilespmem:$0x6890] =	vst v63  }
0x5a: {  	_ =	swait.ge [sflag:s13], $0x800  }
0x5b: {  	[sflag:s13] =	ssyncset.done $0x0  }
0x5c: {  	s17 =	sadd.s32 $0x1, s17;
	[sflag:s13] =	ssyncadd.s32 $0xFFFFF800  }
0x5d: {  	s18 =	simm.s32 @!p0 $0x1C03;
	p1 =	sne.s32 s17, s8;
	[bflag:$0x0] =	sbarrier.arrive $0xFFFF  }
0x5e: {  	[hbm:s7], [sflag:s18] =	dma.local @!p0 [spmem:s11], $0x27900  }
.Ltmp1:
0x5f: {  	_ = 	snop;
	(pc) =	sbr.rel @p1 .LBB2_1-.Ltmp1, $4  }
0x60: {  	s18 =	simm.s32 @!p0 $0x3  }
0x61: {  	_ =	swait.ge @!p0 [sflag:s18], $0x27900  }
0x62: {  	[sflag:s18] =	ssyncset.done @!p0 $0x0  }
0x63: {  	[sflag:s18] =	ssyncadd.s32 @!p0 $0xFFFD8700  }
0x64: {  	_ =	sfence.sel $0x180000  }
0x65: {  	[bflag:$0x0] =	sbarrier.arrive $0xFFFF  }
0x66: {  	_ =	strace $0x90000047  }
0x67: {  	s0 =	sadd.s32 @!p0 $0x100000, s0;
	[bflag:$0x2] =	sbarrier.arrive $0xFFFF  }
0x68: {  	[sflag:s0] =	ssyncadd.tile.s32 @!p0 $0x1;
	_ =	shalt  }
.Lfunc_end2:
_tile_overlayer_lowered:
.L_overlay_start_2:
0x69: {  	(tag) =	ssettag $0x2  }
0x6a: {  	s0 =	rddreg [dreg:$0x0];
	s2 =	stileid.u32  }
0x6b: {  	s1 =	rddreg [dreg:$0x1];
	p0 =	sne.s32 s2, $0x0  }
0x6c: {  	s3 =	rddreg [dreg:$0x2];
	[bflag:$0x3] =	sbarrier.arrive $0xFFFF;
	s2 =	simm.s32 @!p0 $0x1C03  }
0x6d: {  	[timem:s3], [sflag:s2] =	dma.local @!p0 [hbm:s0], s1  }
0x6e: {  	s0 =	simm.s32 @!p0 $0x3  }
0x6f: {  	_ =	swait.ge @!p0 [sflag:s0], s1  }
0x70: {  	s1 =	ssub.s32 @!p0 $0x0, s1;
	[sflag:s0] =	ssyncset.done @!p0 $0x0  }
0x71: {  	[sflag:s0] =	ssyncadd.s32 @!p0 s1  }
0x72: {  	[bflag:$0x3] =	sbarrier.arrive $0xFFFF  }
0x73: {  	_ =	shalt  }

// kernel: kernel.14.cloned.1.call-start
scs
__scs_entry_jumppad:
0x0: {  	(pc) =	sbr.rel $0x88, $3  }
0x1: {  	(tag) =	ssettag $0x0;
	lr =	simm.s32 $0x1  }
0x2: {  	[smem:$0x3F7B] =	sst lr;
	_ =	strace $0xD0000000  }
0x3: {  	_ = 	snop  }
0x4: {  	_ = 	snop  }
0x5: {  	_ = 	snop  }
0x6: {  	_ = 	snop  }
0x7: {  	_ = 	snop  }
__scs_overlays_trampoline_lowered:
0x8: {  	[smem:$0x3F8A] =	sst s0  }
0x9: {  	[smem:$0x3F8B] =	sst s1  }
0xa: {  	[smem:$0x3F8C] =	sst s2  }
0xb: {  	[smem:$0x3F8D] =	sst s3  }
0xc: {  	[smem:$0x3F8E] =	sst s4  }
0xd: {  	[smem:$0x3F8F] =	sst s5  }
0xe: {  	[smem:$0x3F90] =	sst s6  }
0xf: {  	[smem:$0x3F91] =	sst s7  }
0x10: {  	[smem:$0x3F92] =	sst s8  }
0x11: {  	[smem:$0x3F93] =	sst s9;
	s0 =	simm.s32 @!p0 $0x0  }
0x12: {  	s1 =	sld [smem:$0x3F79];
	s0 =	simm.s32 @p0 $0x1  }
0x13: {  	[smem:$0x3F94] =	sst s0;
	s0 =	simm.s32 @!p1 $0x0  }
0x14: {  	s2 =	sld [smem:$0x3F78];
	s0 =	simm.s32 @p1 $0x1  }
0x15: {  	[smem:$0x3F95] =	sst s0;
	s0 =	simm.s32 @!p2 $0x0  }
0x16: {  	s3 =	sld [smem:$0x3FDB];
	s0 =	simm.s32 @p2 $0x1  }
0x17: {  	s4 =	simm.s32 $0x1BF5;
	[smem:$0x3F97] =	sst s0  }
0x18: {  	s0 =	sld [smem:$0x3F7A];
	_ =	swait.ge [sflag:s4], $0x0  }
0x19: {  	s7 =	sld [smem:$0x3F7B]  }
0x1a: {  	s8 =	sadd.s32 $0xFFFFE003, lr  }
0x1b: {  	s9 =	sadd.s32 $0xFFFFFEF7, lr;
	s5 =	simm.s32 $0xFFFFFFFF;
	p2 =	slt.u32 s8, $0xFFFFF086  }
0x1c: {  	p1 =	slt.u32 s9, $0xF7A;
	s5 =	simm.s32 @!p2 $0x0  }
0x1d: {  	s5 =	simm.s32 @p1 $0x1;
	p0 =	seq.s32 s7, s2  }
0x1e: {  	s7 =	smul.u32 @!p0 $0xF7A, s2;
	p2 =	seq.s32 @!p0 s5, $0x0  }
0x1f: {  	s9 =	smul.u32 $0xF7A, s1;
	s8 =	simm.s32 @!p0 $0x1BF5;
	p2 =	por !p2, p0  }
0x20: {  	[sflag:s8] =	ssyncset.s32 @!p0 $0xFFFFF086;
	s6 =	sadd.s32 @!p0 s3, s7;
	s7 =	simm.s32 @!p0 $0x108  }
0x21: {  	s3 =	sadd.s32 s3, s9;
	s6 =	sadd.s32 @!p0 $0x88, s6;
	s7 =	simm.s32 @p2 $0x1082  }
0x22: {  	[simem:s7], [sflag:s8] =	dma.local @!p0 [hbm:s6], $0xF7A  }
0x23: {  	s9 =	sor.u32 $0xD0000000, s2;
	s6 =	simm.s32 $0x108;
	_ =	swait.ge @!p0 [sflag:s8], $0x0  }
0x24: {  	s3 =	sadd.s32 $0x88, s3;
	s6 =	simm.s32 @!p1 $0x1082;
	[sflag:s4] =	ssyncset.s32 $0xFFFFF086  }
0x25: {  	[simem:s6], [sflag:s4] =	dma.local [hbm:s3], $0xF7A  }
0x26: {  	[smem:$0x3F7B] =	sst s1;
	(tag) =	ssettag s2;
	_ =	strace s9  }
0x27: {  	s1 =	sld [smem:$0x3F8B]  }
0x28: {  	s2 =	sld [smem:$0x3F8C]  }
0x29: {  	s4 =	sld [smem:$0x3F8E]  }
0x2a: {  	p0 =	seq.s32 s5, $0x0;
	s5 =	sld [smem:$0x3F8F]  }
0x2b: {  	s6 =	sld [smem:$0x3F90]  }
0x2c: {  	s7 =	sld [smem:$0x3F91]  }
0x2d: {  	s3 =	simm.s32 $0x108;
	s8 =	sld [smem:$0x3F92]  }
0x2e: {  	s3 =	simm.s32 @!p0 $0x1082;
	s9 =	sld [smem:$0x3F93]  }
0x2f: {  	lr =	sadd.s32 s0, s3;
	s0 =	sld [smem:$0x3F8A]  }
0x30: {  	s3 =	sld [smem:$0x3F8D]  }
0x31: {  	[smem:$0x3F96] =	sst s10  }
0x32: {  	s10 =	sld [smem:$0x3F94];
	_ =	sdelay $0x3  }
0x33: {  	p0 =	seq.s32 s10, $0x1;
	s10 =	sld [smem:$0x3F96];
	_ =	sdelay $0x3  }
0x34: {  	[smem:$0x3F96] =	sst s10  }
0x35: {  	s10 =	sld [smem:$0x3F95];
	_ =	sdelay $0x3  }
0x36: {  	p1 =	seq.s32 s10, $0x1;
	s10 =	sld [smem:$0x3F96];
	_ =	sdelay $0x3  }
0x37: {  	[smem:$0x3F96] =	sst s10  }
0x38: {  	s10 =	sld [smem:$0x3F97]  }
0x39: {  	_ = 	snop;
	(pc) =	sbr.ind lr, $3  }
0x3a: {  	_ = 	snop  }
0x3b: {  	_ = 	snop  }
0x3c: {  	p2 =	seq.s32 s10, $0x1;
	s10 =	sld [smem:$0x3F96]  }
0x3d: {  	_ =	shalt  }
0x3e: {  	_ =	shalt  }
0x3f: {  	_ =	shalt  }
0x40: {  	_ =	shalt  }
0x41: {  	_ =	shalt  }
0x42: {  	_ =	shalt  }
0x43: {  	_ =	shalt  }
0x44: {  	_ =	shalt  }
0x45: {  	_ =	shalt  }
0x46: {  	_ =	shalt  }
0x47: {  	_ =	shalt  }
0x48: {  	_ =	shalt  }
0x49: {  	_ =	shalt  }
0x4a: {  	_ =	shalt  }
0x4b: {  	_ =	shalt  }
0x4c: {  	_ =	shalt  }
0x4d: {  	_ =	shalt  }
0x4e: {  	_ =	shalt  }
0x4f: {  	_ =	shalt  }
0x50: {  	_ =	shalt  }
0x51: {  	_ =	shalt  }
0x52: {  	_ =	shalt  }
0x53: {  	_ =	shalt  }
0x54: {  	_ =	shalt  }
0x55: {  	_ =	shalt  }
0x56: {  	_ =	shalt  }
0x57: {  	_ =	shalt  }
0x58: {  	_ =	shalt  }
0x59: {  	_ =	shalt  }
0x5a: {  	_ =	shalt  }
0x5b: {  	_ =	shalt  }
0x5c: {  	_ =	shalt  }
0x5d: {  	_ =	shalt  }
0x5e: {  	_ =	shalt  }
0x5f: {  	_ =	shalt  }
0x60: {  	_ =	shalt  }
0x61: {  	_ =	shalt  }
0x62: {  	_ =	shalt  }
0x63: {  	_ =	shalt  }
0x64: {  	_ =	shalt  }
0x65: {  	_ =	shalt  }
0x66: {  	_ =	shalt  }
0x67: {  	_ =	shalt  }
0x68: {  	_ =	shalt  }
0x69: {  	_ =	shalt  }
0x6a: {  	_ =	shalt  }
0x6b: {  	_ =	shalt  }
0x6c: {  	_ =	shalt  }
0x6d: {  	_ =	shalt  }
0x6e: {  	_ =	shalt  }
0x6f: {  	_ =	shalt  }
0x70: {  	_ =	shalt  }
0x71: {  	_ =	shalt  }
0x72: {  	_ =	shalt  }
0x73: {  	_ =	shalt  }
0x74: {  	_ =	shalt  }
0x75: {  	_ =	shalt  }
0x76: {  	_ =	shalt  }
0x77: {  	_ =	shalt  }
0x78: {  	_ =	shalt  }
0x79: {  	_ =	shalt  }
0x7a: {  	_ =	shalt  }
0x7b: {  	_ =	shalt  }
0x7c: {  	_ =	shalt  }
0x7d: {  	_ =	shalt  }
0x7e: {  	_ =	shalt  }
0x7f: {  	_ =	shalt  }
0x80: {  	_ =	shalt  }
0x81: {  	_ =	shalt  }
0x82: {  	_ =	shalt  }
0x83: {  	_ =	shalt  }
0x84: {  	_ =	shalt  }
0x85: {  	_ =	shalt  }
0x86: {  	_ =	shalt  }
0x87: {  	_ =	shalt  }
.Lfunc_end0:
.L_simem_size_0:
called_computation.1_lowered:
.L_overlay_start_0:
0x88: {  	s2 =	sld [smem:$0x3FD9]  }
0x89: {  	s3 =	sld [smem:$0x3FFE];
	_ =	sdelay $0x1  }
0x8a: {  	s1 =	srdreg.scid  }
0x8b: {  	s0 =	sand.u32 $0x1, s1  }
0x8c: {  	s16 =	sshll.u32 s0, $0xA;
	s2 =	sadd.s32 s3, s2  }
0x8d: {  	s2 =	sadd.s32 s2, s16  }
0x8e: {  	[smem:$0x3FA2] =	sst s2  }
0x8f: {  	_ = 	snop  }
0x90: {  	(tm) =	ssettm $0x1  }
0x91: {  	s17 =	sld [smem:$0x3FFB];
	_ =	sdelay $0x3  }
0x92: {  	_ =	strace s17  }
0x93: {  	s2 =	sld [smem:$0x3FFC];
	_ =	sdelay $0x3  }
0x94: {  	_ =	strace s2  }
0x95: {  	s2 =	sld [smem:$0x3FFD];
	_ =	sdelay $0x3  }
0x96: {  	_ =	strace s2  }
0x97: {  	_ =	strace $0x8FFFFFFF  }
0x98: {  	s18 =	sld [smem:$0x3FDB];
	_ =	sdelay $0x1  }
0x99: {  	s19 =	simm.s32 $_scs_section_size  }
0x9a: {  	s4 =	simm.s32 $_size__tile_overlayer_lowered;
	s5 =	simm.s32 $_tile_overlayer_lowered  }
0x9b: {  	s22 =	simm.s32 $0x1BFF;
	s21 =	sshll.u32 s5, $0x1;
	s2 =	sadd.s32 s19, s18  }
0x9c: {  	s6 =	simm.s32 $0x0;
	s20 =	sshll.u32 s4, $0x1;
	s4 =	sadd.s32 s21, s2  }
0x9d: {  	[timem:s6], [sflag:s22] =	dma.local [hbm:s4], s20  }
0x9e: {  	_ =	swait.ge [sflag:s22], s20  }
0x9f: {  	s3 =	ssub.s32 $0x0, s20;
	[sflag:s22] =	ssyncset.done $0x0  }
0xa0: {  	[sflag:s22] =	ssyncadd.s32 s3;
	_ =	sdelay $0x1  }
0xa1: {  	s23 =	simm.s32 $0x1B8B  }
0xa2: {  	_ =	swait.ge [sflag:s23], $0x1  }
0xa3: {  	[sflag:s23] =	ssyncset.done $0x0  }
0xa4: {  	s25 =	simm.s32 $0x1B8E;
	s24 =	sld [smem:$0x3FFE];
	[sflag:s23] =	ssyncadd.s32 $0xFFFFFFFF  }
0xa5: {  	s26 =	simm.s32 $execute0_lowered;
	[smem:$0x3FD2] =	sst s25  }
0xa6: {  	s4 =	sshll.u32 s26, $0x1;
	_ =	strace $0x80000049;
	[dreg:$0x1] =	wrdreg $0xFFFFFFFF  }
0xa7: {  	s28 =	simm.s32 $_size_execute0_lowered;
	s2 =	sadd.s32 s2, s4;
	[dreg:$0x0] =	wrdreg $0x0  }
0xa8: {  	s4 =	sshll.u32 s28, $0x1;
	[dreg:$0x2] =	wrdreg s2  }
0xa9: {  	[dreg:$0x3] =	wrdreg s4  }
0xaa: {  	[dreg:$0x4] =	wrdreg $0xC0  }
0xab: {  	_ =	task [dreg:s6], $0x5FFFF  }
0xac: {  	[dreg:$0x1] =	wrdreg $0xFFFFFFFF  }
0xad: {  	[dreg:$0x0] =	wrdreg $0x60  }
0xae: {  	[dreg:$0x2] =	wrdreg s24  }
0xaf: {  	[dreg:$0x3] =	wrdreg $0x85000  }
0xb0: {  	[dreg:$0x4] =	wrdreg $0x9  }
0xb1: {  	_ =	task.clear_ibuf [dreg:s6], $0x5FFFF;
	_ =	strace $0x90000049  }
0xb2: {  	s29 =	simm.s32 $0x9;
	_ =	strace $0x8000004B  }
0xb3: {  	_ =	swait.ge [sflag:s29], $0x1  }
0xb4: {  	[sflag:s29] =	ssyncadd.s32 $0xFFFFFFFF  }
0xb5: {  	_ =	strace $0x9000004B  }
0xb6: {  	_ =	sfence  }
0xb7: {  	s30 =	sld [smem:$0x0];
	_ =	sdelay $0x2  }
0xb8: {  	s31 =	sshll.u32 s1, $0xD;
	s1 =	sshrl.u32 s1, $0x2  }
0xb9: {  	s3 =	sand.u32 $0x4000, s31;
	s1 =	sadd.s32 s1, s30  }
0xba: {  	s0 =	sor.u32 s3, s0;
	s1 =	sshll.u32 s1, $0x11  }
0xbb: {  	s0 =	sor.u32 s1, s0  }
0xbc: {  	s0 =	sadd.s32 $0x8F2B, s0  }
0xbd: {  	[sflag:s0] =	ssyncadd.remote.s32 $0x1  }
0xbe: {  	_ =	sfence.sel $0xFFFF  }
0xbf: {  	[dreg:$0x0] =	wrdreg $0xFFFFFFFF;
	(pc) =	sbr.abs _section_cstart, $3  }
0xc0: {  	[dreg:$0x1] =	wrdreg $0xFFFFFFFF  }
0xc1: {  	_ =	task.clear_ibuf [dreg:s6], $0x2FFFF;
	_ =	strace $0x9FFFFFFF  }
0xc2: {  	(tm) =	ssettm $0x7FFFFFFF  }
0xc3: {  	_ =	shalt  }
tec
execute0_lowered:
.L_overlay_start_1:
0x0: {  	(tag) =	ssettag $0x1  }
0x1: {  	s0 =	srdreg.scid  }
0x2: {  	s4 =	rddreg [dreg:$0x0];
	s9 =	stileid.u32  }
0x3: {  	s1 =	rddreg [dreg:$0x1];
	s2 =	simm.s32 $0x0;
	s12 =	simm.s32 $0x500  }
0x4: {  	s13 =	simm.s32 $0x400;
	s14 =	simm.s32 $0x4500;
	s15 =	simm.s32 $0x480  }
0x5: {  	s16 =	simm.s32 $0x3;
	s17 =	simm.s32 $0x1;
	s18 =	simm.s32 $0x100  }
0x6: {  	s19 =	simm.s32 $0x4;
	s20 =	simm.s32 $0x2;
	s21 =	simm.s32 $0x180  }
0x7: {  	s22 =	simm.s32 $0x200;
	s23 =	simm.s32 $0x280;
	s6 =	smul.u32 $0xA0, s9  }
0x8: {  	s24 =	simm.s32 $0x300;
	s5 =	sand.u32 $0x1, s0;
	s8 =	smul.u32 $0x5000, s9  }
0x9: {  	s25 =	simm.s32 $0x380;
	s26 =	simm.s32 $0x0;
	s3 =	smul.u32 $0xA00, s5  }
0xa: {  	[smem:$0x7FF] =	sst s2;
	p0 =	sne.s32 s9, $0x0;
	s7 =	smul.u32 $0x50000, s5  }
0xb: {  	_ =	strace $0x8000004A;
	s28 =	smul.u32 $0x27900, s5;
	s5 =	ssub.s32 $0x2, s5  }
0xc: {  	s9 =	sshrl.u32 @!p0 s1, $0x3;
	s30 =	sshrl.u32 s5, $0x1;
	s6 =	sadd.s32 s6, s3  }
0xd: {  	s3 =	sadd.s32 $0xA6600, s4;
	s7 =	sadd.s32 s8, s7;
	s31 =	sadd.s32 s28, s4  }
0xe: {  	s6 =	sshll.u32 s6, $0x4;
	s29 =	sshrl.u32 s7, $0x3;
	s7 =	ssub.s32 s5, s30  }
0xf: {  	s5 =	sadd.s32 $0xF4800, s31;
	s10 =	sadd.s32 s6, s4;
	s11 =	sadd.s32 s29, s4  }
0x10: {  	s4 =	sadd.s32 $0x1B200, s4;
	s6 =	smax.u32 s7, $0x1;
	s7 =	sadd.s32 $0x7200, s11  }
0x11: {  	s8 =	sadd.s32 $0x92600, s10;
	s10 =	simm.s32 $0x5;
	s11 =	simm.s32 $0x80  }
.LBB2_1:
0x12: {  	s28 =	simm.s32 @!p0 $0x1C05  }
0x13: {  	[spmem:s9], [sflag:s28] =	dma.local @!p0 [hbm:s4], $0x27900  }
0x14: {  	s28 =	simm.s32 @!p0 $0x5  }
0x15: {  	_ =	swait.ge @!p0 [sflag:s28], $0x27900  }
0x16: {  	[sflag:s28] =	ssyncset.done @!p0 $0x0  }
0x17: {  	[sflag:s28] =	ssyncadd.s32 @!p0 $0xFFFD8700  }
0x18: {  	s28 =	sadd.s32 $0x0, s8;
	[bflag:$0x0] =	sbarrier.arrive $0xFFFF  }
0x19: {  	[tilespmem:s2], [sflag:$0x5] =	stream.linear.gather [hbm4b:s28+s2], $0x400, $0x38;
	[tilespmem:$0x1C180] =	vst v63  }
0x1a: {  	_ =	swait.ge [sflag:s10], $0x400  }
0x1b: {  	[sflag:s10] =	ssyncset.done $0x0  }
0x1c: {  	[sflag:s10] =	ssyncadd.s32 $0xFFFFFC00  }
0x1d: {  	[tilespmem:s12], [sflag:$0x1] =	stream.indirect.gather [hbm4b:s3+s11], $0x80, s2, s11, $0xb8;
	[tilespmem:$0x1C180] =	vst v63  }
0x1e: {  	s28 =	sadd.s32 $0x0, s7  }
0x1f: {  	[tilespmem:s13], [sflag:$0x3] =	stream.linear.gather [hbm4b:s28+s2], $0x80, $0x38;
	[tilespmem:$0x1C180] =	vst v63  }
0x20: {  	_ = 	snop  }
0x21: {  	[tilespmem:s14], [sflag:$0x2] =	stream.indirect.gather [hbm4b:s3+s11], $0x80, s11, s11, $0xb8;
	[tilespmem:$0x1C180] =	vst v63  }
0x22: {  	s29 =	sadd.s32 $0x10, s28  }
0x23: {  	[tilespmem:s15], [sflag:$0x4] =	stream.linear.gather [hbm4b:s29+s2], $0x80, $0x38;
	[tilespmem:$0x1C180] =	vst v63  }
0x24: {  	_ =	swait.ge [sflag:s16], $0x80  }
0x25: {  	[sflag:s16] =	ssyncset.done $0x0  }
0x26: {  	[sflag:s16] =	ssyncadd.s32 $0xFFFFFF80  }
0x27: {  	_ =	swait.ge [sflag:s17], $0x4000  }
0x28: {  	[sflag:s17] =	ssyncset.done $0x0  }
0x29: {  	[sflag:s17] =	ssyncadd.s32 $0xFFFFC000  }
0x2a: {  	[spmem:s1] =	stream.indirect.scatter.add.f32 [tilespmem:s12], [sflag:$0x5], $0x80, s13, s11, $0xb8;
	[tilespmem:$0x1C180] =	vst v63  }
0x2b: {  	_ =	swait.ge [sflag:s10], $0x4000  }
0x2c: {  	[sflag:s10] =	ssyncset.done $0x0  }
0x2d: {  	[sflag:s10] =	ssyncadd.s32 $0xFFFFC000  }
0x2e: {  	[tilespmem:s12], [sflag:$0x1] =	stream.indirect.gather [hbm4b:s3+s11], $0x80, s18, s11, $0xb8;
	[tilespmem:$0x1C180] =	vst v63  }
0x2f: {  	s31 =	sadd.s32 $0x20, s28  }
0x30: {  	[tilespmem:s13], [sflag:$0x3] =	stream.linear.gather [hbm4b:s31+s2], $0x80, $0x38;
	[tilespmem:$0x1C180] =	vst v63  }
0x31: {  	_ =	swait.ge [sflag:s19], $0x80  }
0x32: {  	[sflag:s19] =	ssyncset.done $0x0  }
0x33: {  	[sflag:s19] =	ssyncadd.s32 $0xFFFFFF80  }
0x34: {  	_ =	swait.ge [sflag:s20], $0x4000  }
0x35: {  	[sflag:s20] =	ssyncset.done $0x0  }
0x36: {  	[sflag:s20] =	ssyncadd.s32 $0xFFFFC000  }
0x37: {  	[spmem:s1] =	stream.indirect.scatter.add.f32 [tilespmem:s14], [sflag:$0x5], $0x80, s15, s11, $0xb8;
	[tilespmem:$0x1C180] =	vst v63  }
0x38: {  	_ =	swait.ge [sflag:s10], $0x4000  }
0x39: {  	[sflag:s10] =	ssyncset.done $0x0  }
0x3a: {  	[sflag:s10] =	ssyncadd.s32 $0xFFFFC000  }
0x3b: {  	[tilespmem:s14], [sflag:$0x2] =	stream.indirect.gather [hbm4b:s3+s11], $0x80, s21, s11, $0xb8;
	[tilespmem:$0x1C180] =	vst v63  }
0x3c: {  	s0 =	sadd.s32 $0x30, s28  }
0x3d: {  	[tilespmem:s15], [sflag:$0x4] =	stream.linear.gather [hbm4b:s0+s2], $0x80, $0x38;
	[tilespmem:$0x1C180] =	vst v63  }
0x3e: {  	_ =	swait.ge [sflag:s16], $0x80  }
0x3f: {  	[sflag:s16] =	ssyncset.done $0x0  }
0x40: {  	[sflag:s16] =	ssyncadd.s32 $0xFFFFFF80  }
0x41: {  	_ =	swait.ge [sflag:s17], $0x4000  }
0x42: {  	[sflag:s17] =	ssyncset.done $0x0  }
0x43: {  	[sflag:s17] =	ssyncadd.s32 $0xFFFFC000  }
0x44: {  	[spmem:s1] =	stream.indirect.scatter.add.f32 [tilespmem:s12], [sflag:$0x5], $0x80, s13, s11, $0xb8;
	[tilespmem:$0x1C180] =	vst v63  }
0x45: {  	_ =	swait.ge [sflag:s10], $0x4000  }
0x46: {  	[sflag:s10] =	ssyncset.done $0x0  }
0x47: {  	[sflag:s10] =	ssyncadd.s32 $0xFFFFC000  }
0x48: {  	[tilespmem:s12], [sflag:$0x1] =	stream.indirect.gather [hbm4b:s3+s11], $0x80, s22, s11, $0xb8;
	[tilespmem:$0x1C180] =	vst v63  }
0x49: {  	s31 =	sadd.s32 $0x40, s28  }
0x4a: {  	[tilespmem:s13], [sflag:$0x3] =	stream.linear.gather [hbm4b:s31+s2], $0x80, $0x38;
	[tilespmem:$0x1C180] =	vst v63  }
0x4b: {  	_ =	swait.ge [sflag:s19], $0x80  }
0x4c: {  	[sflag:s19] =	ssyncset.done $0x0  }
0x4d: {  	[sflag:s19] =	ssyncadd.s32 $0xFFFFFF80  }
0x4e: {  	_ =	swait.ge [sflag:s20], $0x4000  }
0x4f: {  	[sflag:s20] =	ssyncset.done $0x0  }
0x50: {  	[sflag:s20] =	ssyncadd.s32 $0xFFFFC000  }
0x51: {  	[spmem:s1] =	stream.indirect.scatter.add.f32 [tilespmem:s14], [sflag:$0x5], $0x80, s15, s11, $0xb8;
	[tilespmem:$0x1C180] =	vst v63  }
0x52: {  	_ =	swait.ge [sflag:s10], $0x4000  }
0x53: {  	[sflag:s10] =	ssyncset.done $0x0  }
0x54: {  	[sflag:s10] =	ssyncadd.s32 $0xFFFFC000  }
0x55: {  	[tilespmem:s14], [sflag:$0x2] =	stream.indirect.gather [hbm4b:s3+s11], $0x80, s23, s11, $0xb8;
	[tilespmem:$0x1C180] =	vst v63  }
0x56: {  	s0 =	sadd.s32 $0x50, s28  }
0x57: {  	[tilespmem:s15], [sflag:$0x4] =	stream.linear.gather [hbm4b:s0+s2], $0x80, $0x38;
	[tilespmem:$0x1C180] =	vst v63  }
0x58: {  	_ =	swait.ge [sflag:s16], $0x80  }
0x59: {  	[sflag:s16] =	ssyncset.done $0x0  }
0x5a: {  	[sflag:s16] =	ssyncadd.s32 $0xFFFFFF80  }
0x5b: {  	_ =	swait.ge [sflag:s17], $0x4000  }
0x5c: {  	[sflag:s17] =	ssyncset.done $0x0  }
0x5d: {  	[sflag:s17] =	ssyncadd.s32 $0xFFFFC000  }
0x5e: {  	[spmem:s1] =	stream.indirect.scatter.add.f32 [tilespmem:s12], [sflag:$0x5], $0x80, s13, s11, $0xb8;
	[tilespmem:$0x1C180] =	vst v63  }
0x5f: {  	_ =	swait.ge [sflag:s10], $0x4000  }
0x60: {  	[sflag:s10] =	ssyncset.done $0x0  }
0x61: {  	[sflag:s10] =	ssyncadd.s32 $0xFFFFC000  }
0x62: {  	[tilespmem:s12], [sflag:$0x1] =	stream.indirect.gather [hbm4b:s3+s11], $0x80, s24, s11, $0xb8;
	[tilespmem:$0x1C180] =	vst v63  }
0x63: {  	s31 =	sadd.s32 $0x60, s28  }
0x64: {  	[tilespmem:s13], [sflag:$0x3] =	stream.linear.gather [hbm4b:s31+s2], $0x80, $0x38;
	[tilespmem:$0x1C180] =	vst v63  }
0x65: {  	_ =	swait.ge [sflag:s19], $0x80  }
0x66: {  	[sflag:s19] =	ssyncset.done $0x0  }
0x67: {  	[sflag:s19] =	ssyncadd.s32 $0xFFFFFF80  }
0x68: {  	_ =	swait.ge [sflag:s20], $0x4000  }
0x69: {  	[sflag:s20] =	ssyncset.done $0x0  }
0x6a: {  	[sflag:s20] =	ssyncadd.s32 $0xFFFFC000  }
0x6b: {  	[spmem:s1] =	stream.indirect.scatter.add.f32 [tilespmem:s14], [sflag:$0x5], $0x80, s15, s11, $0xb8;
	[tilespmem:$0x1C180] =	vst v63  }
0x6c: {  	_ =	swait.ge [sflag:s10], $0x4000  }
0x6d: {  	[sflag:s10] =	ssyncset.done $0x0  }
0x6e: {  	[sflag:s10] =	ssyncadd.s32 $0xFFFFC000  }
0x6f: {  	[tilespmem:s14], [sflag:$0x2] =	stream.indirect.gather [hbm4b:s3+s11], $0x80, s25, s11, $0xb8;
	[tilespmem:$0x1C180] =	vst v63  }
0x70: {  	s28 =	sadd.s32 $0x70, s28  }
0x71: {  	[tilespmem:s15], [sflag:$0x4] =	stream.linear.gather [hbm4b:s28+s2], $0x80, $0x38;
	[tilespmem:$0x1C180] =	vst v63  }
0x72: {  	_ =	swait.ge [sflag:s16], $0x80  }
0x73: {  	[sflag:s16] =	ssyncset.done $0x0  }
0x74: {  	[sflag:s16] =	ssyncadd.s32 $0xFFFFFF80  }
0x75: {  	_ =	swait.ge [sflag:s17], $0x4000  }
0x76: {  	[sflag:s17] =	ssyncset.done $0x0  }
0x77: {  	[sflag:s17] =	ssyncadd.s32 $0xFFFFC000  }
0x78: {  	[spmem:s1] =	stream.indirect.scatter.add.f32 [tilespmem:s12], [sflag:$0x5], $0x80, s13, s11, $0xb8;
	[tilespmem:$0x1C180] =	vst v63  }
0x79: {  	_ =	swait.ge [sflag:s10], $0x4000  }
0x7a: {  	[sflag:s10] =	ssyncset.done $0x0  }
0x7b: {  	[sflag:s10] =	ssyncadd.s32 $0xFFFFC000  }
0x7c: {  	_ =	swait.ge [sflag:s19], $0x80  }
0x7d: {  	[sflag:s19] =	ssyncset.done $0x0  }
0x7e: {  	[sflag:s19] =	ssyncadd.s32 $0xFFFFFF80  }
0x7f: {  	_ =	swait.ge [sflag:s20], $0x4000  }
0x80: {  	[sflag:s20] =	ssyncset.done $0x0  }
0x81: {  	[sflag:s20] =	ssyncadd.s32 $0xFFFFC000  }
0x82: {  	[spmem:s1] =	stream.indirect.scatter.add.f32 [tilespmem:s14], [sflag:$0x5], $0x80, s15, s11, $0xb8;
	[tilespmem:$0x1C180] =	vst v63  }
0x83: {  	_ =	swait.ge [sflag:s10], $0x4000  }
0x84: {  	s30 =	simm.s32 $0x100;
	s28 =	simm.s32 $0x80;
	[sflag:s10] =	ssyncset.done $0x0  }
.LBB2_2:
0x85: {  	s31 =	sadd.s32 s28, s8  }
0x86: {  	[sflag:s10] =	ssyncadd.s32 $0xFFFFC000;
	s0 =	smov.u32 s30;
	s29 =	sadd.s32 $0x80, s30  }
0x87: {  	[tilespmem:s2], [sflag:$0x5] =	stream.linear.gather [hbm4b:s31+s2], $0x400, $0x38;
	[tilespmem:$0x1C180] =	vst v63  }
0x88: {  	p1 =	sne.s32 s30, $0x980;
	_ =	swait.ge [sflag:s10], $0x400  }
0x89: {  	[sflag:s10] =	ssyncset.done $0x0  }
0x8a: {  	[sflag:s10] =	ssyncadd.s32 $0xFFFFFC00  }
0x8b: {  	[tilespmem:s12], [sflag:$0x1] =	stream.indirect.gather [hbm4b:s3+s11], $0x80, s2, s11, $0xb8;
	[tilespmem:$0x1C180] =	vst v63  }
0x8c: {  	s30 =	sadd.s32 s28, s7;
	s28 =	smov.u32 s0  }
0x8d: {  	[tilespmem:s13], [sflag:$0x3] =	stream.linear.gather [hbm4b:s30+s2], $0x80, $0x38;
	[tilespmem:$0x1C180] =	vst v63  }
0x8e: {  	_ = 	snop  }
0x8f: {  	[tilespmem:s14], [sflag:$0x2] =	stream.indirect.gather [hbm4b:s3+s11], $0x80, s11, s11, $0xb8;
	[tilespmem:$0x1C180] =	vst v63  }
0x90: {  	s0 =	sadd.s32 $0x10, s30  }
0x91: {  	[tilespmem:s15], [sflag:$0x4] =	stream.linear.gather [hbm4b:s0+s2], $0x80, $0x38;
	[tilespmem:$0x1C180] =	vst v63  }
0x92: {  	_ =	swait.ge [sflag:s16], $0x80  }
0x93: {  	[sflag:s16] =	ssyncset.done $0x0  }
0x94: {  	[sflag:s16] =	ssyncadd.s32 $0xFFFFFF80  }
0x95: {  	_ =	swait.ge [sflag:s17], $0x4000  }
0x96: {  	[sflag:s17] =	ssyncset.done $0x0  }
0x97: {  	[sflag:s17] =	ssyncadd.s32 $0xFFFFC000  }
0x98: {  	[spmem:s1] =	stream.indirect.scatter.add.f32 [tilespmem:s12], [sflag:$0x5], $0x80, s13, s11, $0xb8;
	[tilespmem:$0x1C180] =	vst v63  }
0x99: {  	_ =	swait.ge [sflag:s10], $0x4000  }
0x9a: {  	[sflag:s10] =	ssyncset.done $0x0  }
0x9b: {  	[sflag:s10] =	ssyncadd.s32 $0xFFFFC000  }
0x9c: {  	[tilespmem:s12], [sflag:$0x1] =	stream.indirect.gather [hbm4b:s3+s11], $0x80, s18, s11, $0xb8;
	[tilespmem:$0x1C180] =	vst v63  }
0x9d: {  	s0 =	sadd.s32 $0x20, s30  }
0x9e: {  	[tilespmem:s13], [sflag:$0x3] =	stream.linear.gather [hbm4b:s0+s2], $0x80, $0x38;
	[tilespmem:$0x1C180] =	vst v63  }
0x9f: {  	_ =	swait.ge [sflag:s19], $0x80  }
0xa0: {  	[sflag:s19] =	ssyncset.done $0x0  }
0xa1: {  	[sflag:s19] =	ssyncadd.s32 $0xFFFFFF80  }
0xa2: {  	_ =	swait.ge [sflag:s20], $0x4000  }
0xa3: {  	[sflag:s20] =	ssyncset.done $0x0  }
0xa4: {  	[sflag:s20] =	ssyncadd.s32 $0xFFFFC000  }
0xa5: {  	[spmem:s1] =	stream.indirect.scatter.add.f32 [tilespmem:s14], [sflag:$0x5], $0x80, s15, s11, $0xb8;
	[tilespmem:$0x1C180] =	vst v63  }
0xa6: {  	_ =	swait.ge [sflag:s10], $0x4000  }
0xa7: {  	[sflag:s10] =	ssyncset.done $0x0  }
0xa8: {  	[sflag:s10] =	ssyncadd.s32 $0xFFFFC000  }
0xa9: {  	[tilespmem:s14], [sflag:$0x2] =	stream.indirect.gather [hbm4b:s3+s11], $0x80, s21, s11, $0xb8;
	[tilespmem:$0x1C180] =	vst v63  }
0xaa: {  	s0 =	sadd.s32 $0x30, s30  }
0xab: {  	[tilespmem:s15], [sflag:$0x4] =	stream.linear.gather [hbm4b:s0+s2], $0x80, $0x38;
	[tilespmem:$0x1C180] =	vst v63  }
0xac: {  	_ =	swait.ge [sflag:s16], $0x80  }
0xad: {  	[sflag:s16] =	ssyncset.done $0x0  }
0xae: {  	[sflag:s16] =	ssyncadd.s32 $0xFFFFFF80  }
0xaf: {  	_ =	swait.ge [sflag:s17], $0x4000  }
0xb0: {  	[sflag:s17] =	ssyncset.done $0x0  }
0xb1: {  	[sflag:s17] =	ssyncadd.s32 $0xFFFFC000  }
0xb2: {  	[spmem:s1] =	stream.indirect.scatter.add.f32 [tilespmem:s12], [sflag:$0x5], $0x80, s13, s11, $0xb8;
	[tilespmem:$0x1C180] =	vst v63  }
0xb3: {  	_ =	swait.ge [sflag:s10], $0x4000  }
0xb4: {  	[sflag:s10] =	ssyncset.done $0x0  }
0xb5: {  	[sflag:s10] =	ssyncadd.s32 $0xFFFFC000  }
0xb6: {  	[tilespmem:s12], [sflag:$0x1] =	stream.indirect.gather [hbm4b:s3+s11], $0x80, s22, s11, $0xb8;
	[tilespmem:$0x1C180] =	vst v63  }
0xb7: {  	s0 =	sadd.s32 $0x40, s30  }
0xb8: {  	[tilespmem:s13], [sflag:$0x3] =	stream.linear.gather [hbm4b:s0+s2], $0x80, $0x38;
	[tilespmem:$0x1C180] =	vst v63  }
0xb9: {  	_ =	swait.ge [sflag:s19], $0x80  }
0xba: {  	[sflag:s19] =	ssyncset.done $0x0  }
0xbb: {  	[sflag:s19] =	ssyncadd.s32 $0xFFFFFF80  }
0xbc: {  	_ =	swait.ge [sflag:s20], $0x4000  }
0xbd: {  	[sflag:s20] =	ssyncset.done $0x0  }
0xbe: {  	[sflag:s20] =	ssyncadd.s32 $0xFFFFC000  }
0xbf: {  	[spmem:s1] =	stream.indirect.scatter.add.f32 [tilespmem:s14], [sflag:$0x5], $0x80, s15, s11, $0xb8;
	[tilespmem:$0x1C180] =	vst v63  }
0xc0: {  	_ =	swait.ge [sflag:s10], $0x4000  }
0xc1: {  	[sflag:s10] =	ssyncset.done $0x0  }
0xc2: {  	[sflag:s10] =	ssyncadd.s32 $0xFFFFC000  }
0xc3: {  	[tilespmem:s14], [sflag:$0x2] =	stream.indirect.gather [hbm4b:s3+s11], $0x80, s23, s11, $0xb8;
	[tilespmem:$0x1C180] =	vst v63  }
0xc4: {  	s0 =	sadd.s32 $0x50, s30  }
0xc5: {  	[tilespmem:s15], [sflag:$0x4] =	stream.linear.gather [hbm4b:s0+s2], $0x80, $0x38;
	[tilespmem:$0x1C180] =	vst v63  }
0xc6: {  	_ =	swait.ge [sflag:s16], $0x80  }
0xc7: {  	[sflag:s16] =	ssyncset.done $0x0  }
0xc8: {  	[sflag:s16] =	ssyncadd.s32 $0xFFFFFF80  }
0xc9: {  	_ =	swait.ge [sflag:s17], $0x4000  }
0xca: {  	[sflag:s17] =	ssyncset.done $0x0  }
0xcb: {  	[sflag:s17] =	ssyncadd.s32 $0xFFFFC000  }
0xcc: {  	[spmem:s1] =	stream.indirect.scatter.add.f32 [tilespmem:s12], [sflag:$0x5], $0x80, s13, s11, $0xb8;
	[tilespmem:$0x1C180] =	vst v63  }
0xcd: {  	_ =	swait.ge [sflag:s10], $0x4000  }
0xce: {  	[sflag:s10] =	ssyncset.done $0x0  }
0xcf: {  	[sflag:s10] =	ssyncadd.s32 $0xFFFFC000  }
0xd0: {  	[tilespmem:s12], [sflag:$0x1] =	stream.indirect.gather [hbm4b:s3+s11], $0x80, s24, s11, $0xb8;
	[tilespmem:$0x1C180] =	vst v63  }
0xd1: {  	s0 =	sadd.s32 $0x60, s30  }
0xd2: {  	[tilespmem:s13], [sflag:$0x3] =	stream.linear.gather [hbm4b:s0+s2], $0x80, $0x38;
	[tilespmem:$0x1C180] =	vst v63  }
0xd3: {  	_ =	swait.ge [sflag:s19], $0x80  }
0xd4: {  	[sflag:s19] =	ssyncset.done $0x0  }
0xd5: {  	[sflag:s19] =	ssyncadd.s32 $0xFFFFFF80  }
0xd6: {  	_ =	swait.ge [sflag:s20], $0x4000  }
0xd7: {  	[sflag:s20] =	ssyncset.done $0x0  }
0xd8: {  	[sflag:s20] =	ssyncadd.s32 $0xFFFFC000  }
0xd9: {  	[spmem:s1] =	stream.indirect.scatter.add.f32 [tilespmem:s14], [sflag:$0x5], $0x80, s15, s11, $0xb8;
	[tilespmem:$0x1C180] =	vst v63  }
0xda: {  	_ =	swait.ge [sflag:s10], $0x4000  }
0xdb: {  	[sflag:s10] =	ssyncset.done $0x0  }
0xdc: {  	[sflag:s10] =	ssyncadd.s32 $0xFFFFC000  }
0xdd: {  	[tilespmem:s14], [sflag:$0x2] =	stream.indirect.gather [hbm4b:s3+s11], $0x80, s25, s11, $0xb8;
	[tilespmem:$0x1C180] =	vst v63  }
0xde: {  	s0 =	sadd.s32 $0x70, s30  }
0xdf: {  	[tilespmem:s15], [sflag:$0x4] =	stream.linear.gather [hbm4b:s0+s2], $0x80, $0x38;
	[tilespmem:$0x1C180] =	vst v63  }
0xe0: {  	_ =	swait.ge [sflag:s16], $0x80  }
0xe1: {  	[sflag:s16] =	ssyncset.done $0x0  }
0xe2: {  	[sflag:s16] =	ssyncadd.s32 $0xFFFFFF80  }
0xe3: {  	_ =	swait.ge [sflag:s17], $0x4000  }
0xe4: {  	[sflag:s17] =	ssyncset.done $0x0  }
0xe5: {  	[sflag:s17] =	ssyncadd.s32 $0xFFFFC000  }
0xe6: {  	[spmem:s1] =	stream.indirect.scatter.add.f32 [tilespmem:s12], [sflag:$0x5], $0x80, s13, s11, $0xb8;
	[tilespmem:$0x1C180] =	vst v63  }
0xe7: {  	_ =	swait.ge [sflag:s10], $0x4000  }
0xe8: {  	[sflag:s10] =	ssyncset.done $0x0  }
0xe9: {  	[sflag:s10] =	ssyncadd.s32 $0xFFFFC000  }
0xea: {  	_ =	swait.ge [sflag:s19], $0x80  }
0xeb: {  	[sflag:s19] =	ssyncset.done $0x0  }
0xec: {  	[sflag:s19] =	ssyncadd.s32 $0xFFFFFF80  }
0xed: {  	_ =	swait.ge [sflag:s20], $0x4000  }
.Ltmp0:
0xee: {  	[sflag:s20] =	ssyncset.done $0x0;
	(pc) =	sbr.rel @p1 .LBB2_2-.Ltmp0, $4  }
0xef: {  	[sflag:s20] =	ssyncadd.s32 $0xFFFFC000  }
0xf0: {  	[spmem:s1] =	stream.indirect.scatter.add.f32 [tilespmem:s14], [sflag:$0x5], $0x80, s15, s11, $0xb8;
	[tilespmem:$0x1C180] =	vst v63  }
0xf1: {  	_ =	swait.ge [sflag:s10], $0x4000  }
0xf2: {  	s30 =	smov.u32 s29;
	[sflag:s10] =	ssyncset.done $0x0  }
0xf3: {  	s0 =	sadd.s32 s28, s8;
	[sflag:s10] =	ssyncadd.s32 $0xFFFFC000  }
0xf4: {  	[tilespmem:s2], [sflag:$0x5] =	stream.linear.gather [hbm4b:s0+s2], $0x400, $0x38;
	[tilespmem:$0x1C180] =	vst v63  }
0xf5: {  	_ =	swait.ge [sflag:s10], $0x400  }
0xf6: {  	[sflag:s10] =	ssyncset.done $0x0  }
0xf7: {  	[sflag:s10] =	ssyncadd.s32 $0xFFFFFC00  }
0xf8: {  	[tilespmem:s12], [sflag:$0x1] =	stream.indirect.gather [hbm4b:s3+s11], $0x80, s2, s11, $0xb8;
	[tilespmem:$0x1C180] =	vst v63  }
0xf9: {  	s28 =	sadd.s32 s28, s7  }
0xfa: {  	[tilespmem:s13], [sflag:$0x3] =	stream.linear.gather [hbm4b:s28+s2], $0x80, $0x38;
	[tilespmem:$0x1C180] =	vst v63  }
0xfb: {  	_ = 	snop  }
0xfc: {  	[tilespmem:s14], [sflag:$0x2] =	stream.indirect.gather [hbm4b:s3+s11], $0x80, s11, s11, $0xb8;
	[tilespmem:$0x1C180] =	vst v63  }
0xfd: {  	s31 =	sadd.s32 $0x10, s28  }
0xfe: {  	[tilespmem:s15], [sflag:$0x4] =	stream.linear.gather [hbm4b:s31+s2], $0x80, $0x38;
	[tilespmem:$0x1C180] =	vst v63  }
0xff: {  	_ =	swait.ge [sflag:s16], $0x80  }
0x100: {  	[sflag:s16] =	ssyncset.done $0x0  }
0x101: {  	[sflag:s16] =	ssyncadd.s32 $0xFFFFFF80  }
0x102: {  	_ =	swait.ge [sflag:s17], $0x4000  }
0x103: {  	[sflag:s17] =	ssyncset.done $0x0  }
0x104: {  	[sflag:s17] =	ssyncadd.s32 $0xFFFFC000  }
0x105: {  	[spmem:s1] =	stream.indirect.scatter.add.f32 [tilespmem:s12], [sflag:$0x5], $0x80, s13, s11, $0xb8;
	[tilespmem:$0x1C180] =	vst v63  }
0x106: {  	_ =	swait.ge [sflag:s10], $0x4000  }
0x107: {  	[sflag:s10] =	ssyncset.done $0x0  }
0x108: {  	[sflag:s10] =	ssyncadd.s32 $0xFFFFC000  }
0x109: {  	[tilespmem:s12], [sflag:$0x1] =	stream.indirect.gather [hbm4b:s3+s11], $0x80, s18, s11, $0xb8;
	[tilespmem:$0x1C180] =	vst v63  }
0x10a: {  	s29 =	sadd.s32 $0x20, s28  }
0x10b: {  	[tilespmem:s13], [sflag:$0x3] =	stream.linear.gather [hbm4b:s29+s2], $0x80, $0x38;
	[tilespmem:$0x1C180] =	vst v63  }
0x10c: {  	_ =	swait.ge [sflag:s19], $0x80  }
0x10d: {  	[sflag:s19] =	ssyncset.done $0x0  }
0x10e: {  	[sflag:s19] =	ssyncadd.s32 $0xFFFFFF80  }
0x10f: {  	_ =	swait.ge [sflag:s20], $0x4000  }
0x110: {  	[sflag:s20] =	ssyncset.done $0x0  }
0x111: {  	[sflag:s20] =	ssyncadd.s32 $0xFFFFC000  }
0x112: {  	[spmem:s1] =	stream.indirect.scatter.add.f32 [tilespmem:s14], [sflag:$0x5], $0x80, s15, s11, $0xb8;
	[tilespmem:$0x1C180] =	vst v63  }
0x113: {  	_ =	swait.ge [sflag:s10], $0x4000  }
0x114: {  	[sflag:s10] =	ssyncset.done $0x0  }
0x115: {  	[sflag:s10] =	ssyncadd.s32 $0xFFFFC000  }
0x116: {  	[tilespmem:s14], [sflag:$0x2] =	stream.indirect.gather [hbm4b:s3+s11], $0x80, s21, s11, $0xb8;
	[tilespmem:$0x1C180] =	vst v63  }
0x117: {  	s30 =	sadd.s32 $0x30, s28  }
0x118: {  	[tilespmem:s15], [sflag:$0x4] =	stream.linear.gather [hbm4b:s30+s2], $0x80, $0x38;
	[tilespmem:$0x1C180] =	vst v63  }
0x119: {  	_ =	swait.ge [sflag:s16], $0x80  }
0x11a: {  	[sflag:s16] =	ssyncset.done $0x0  }
0x11b: {  	[sflag:s16] =	ssyncadd.s32 $0xFFFFFF80  }
0x11c: {  	_ =	swait.ge [sflag:s17], $0x4000  }
0x11d: {  	[sflag:s17] =	ssyncset.done $0x0  }
0x11e: {  	[sflag:s17] =	ssyncadd.s32 $0xFFFFC000  }
0x11f: {  	[spmem:s1] =	stream.indirect.scatter.add.f32 [tilespmem:s12], [sflag:$0x5], $0x80, s13, s11, $0xb8;
	[tilespmem:$0x1C180] =	vst v63  }
0x120: {  	_ =	swait.ge [sflag:s10], $0x4000  }
0x121: {  	[sflag:s10] =	ssyncset.done $0x0  }
0x122: {  	[sflag:s10] =	ssyncadd.s32 $0xFFFFC000  }
0x123: {  	[tilespmem:s12], [sflag:$0x1] =	stream.indirect.gather [hbm4b:s3+s11], $0x80, s22, s11, $0xb8;
	[tilespmem:$0x1C180] =	vst v63  }
0x124: {  	s31 =	sadd.s32 $0x40, s28  }
0x125: {  	[tilespmem:s13], [sflag:$0x3] =	stream.linear.gather [hbm4b:s31+s2], $0x80, $0x38;
	[tilespmem:$0x1C180] =	vst v63  }
0x126: {  	_ =	swait.ge [sflag:s19], $0x80  }
0x127: {  	[sflag:s19] =	ssyncset.done $0x0  }
0x128: {  	[sflag:s19] =	ssyncadd.s32 $0xFFFFFF80  }
0x129: {  	_ =	swait.ge [sflag:s20], $0x4000  }
0x12a: {  	[sflag:s20] =	ssyncset.done $0x0  }
0x12b: {  	[sflag:s20] =	ssyncadd.s32 $0xFFFFC000  }
0x12c: {  	[spmem:s1] =	stream.indirect.scatter.add.f32 [tilespmem:s14], [sflag:$0x5], $0x80, s15, s11, $0xb8;
	[tilespmem:$0x1C180] =	vst v63  }
0x12d: {  	_ =	swait.ge [sflag:s10], $0x4000  }
0x12e: {  	[sflag:s10] =	ssyncset.done $0x0  }
0x12f: {  	[sflag:s10] =	ssyncadd.s32 $0xFFFFC000  }
0x130: {  	[tilespmem:s14], [sflag:$0x2] =	stream.indirect.gather [hbm4b:s3+s11], $0x80, s23, s11, $0xb8;
	[tilespmem:$0x1C180] =	vst v63  }
0x131: {  	s29 =	sadd.s32 $0x50, s28  }
0x132: {  	[tilespmem:s15], [sflag:$0x4] =	stream.linear.gather [hbm4b:s29+s2], $0x80, $0x38;
	[tilespmem:$0x1C180] =	vst v63  }
0x133: {  	_ =	swait.ge [sflag:s16], $0x80  }
0x134: {  	[sflag:s16] =	ssyncset.done $0x0  }
0x135: {  	[sflag:s16] =	ssyncadd.s32 $0xFFFFFF80  }
0x136: {  	_ =	swait.ge [sflag:s17], $0x4000  }
0x137: {  	[sflag:s17] =	ssyncset.done $0x0  }
0x138: {  	[sflag:s17] =	ssyncadd.s32 $0xFFFFC000  }
0x139: {  	[spmem:s1] =	stream.indirect.scatter.add.f32 [tilespmem:s12], [sflag:$0x5], $0x80, s13, s11, $0xb8;
	[tilespmem:$0x1C180] =	vst v63  }
0x13a: {  	_ =	swait.ge [sflag:s10], $0x4000  }
0x13b: {  	[sflag:s10] =	ssyncset.done $0x0  }
0x13c: {  	[sflag:s10] =	ssyncadd.s32 $0xFFFFC000  }
0x13d: {  	[tilespmem:s12], [sflag:$0x1] =	stream.indirect.gather [hbm4b:s3+s11], $0x80, s24, s11, $0xb8;
	[tilespmem:$0x1C180] =	vst v63  }
0x13e: {  	s30 =	sadd.s32 $0x60, s28  }
0x13f: {  	[tilespmem:s13], [sflag:$0x3] =	stream.linear.gather [hbm4b:s30+s2], $0x80, $0x38;
	[tilespmem:$0x1C180] =	vst v63  }
0x140: {  	_ =	swait.ge [sflag:s19], $0x80  }
0x141: {  	[sflag:s19] =	ssyncset.done $0x0  }
0x142: {  	[sflag:s19] =	ssyncadd.s32 $0xFFFFFF80  }
0x143: {  	_ =	swait.ge [sflag:s20], $0x4000  }
0x144: {  	[sflag:s20] =	ssyncset.done $0x0  }
0x145: {  	[sflag:s20] =	ssyncadd.s32 $0xFFFFC000  }
0x146: {  	[spmem:s1] =	stream.indirect.scatter.add.f32 [tilespmem:s14], [sflag:$0x5], $0x80, s15, s11, $0xb8;
	[tilespmem:$0x1C180] =	vst v63  }
0x147: {  	_ =	swait.ge [sflag:s10], $0x4000  }
0x148: {  	[sflag:s10] =	ssyncset.done $0x0  }
0x149: {  	[sflag:s10] =	ssyncadd.s32 $0xFFFFC000  }
0x14a: {  	[tilespmem:s14], [sflag:$0x2] =	stream.indirect.gather [hbm4b:s3+s11], $0x80, s25, s11, $0xb8;
	[tilespmem:$0x1C180] =	vst v63  }
0x14b: {  	s31 =	sadd.s32 $0x70, s28  }
0x14c: {  	[tilespmem:s15], [sflag:$0x4] =	stream.linear.gather [hbm4b:s31+s2], $0x80, $0x38;
	[tilespmem:$0x1C180] =	vst v63  }
0x14d: {  	_ =	swait.ge [sflag:s16], $0x80  }
0x14e: {  	[sflag:s16] =	ssyncset.done $0x0  }
0x14f: {  	[sflag:s16] =	ssyncadd.s32 $0xFFFFFF80  }
0x150: {  	_ =	swait.ge [sflag:s17], $0x4000  }
0x151: {  	[sflag:s17] =	ssyncset.done $0x0  }
0x152: {  	[sflag:s17] =	ssyncadd.s32 $0xFFFFC000  }
0x153: {  	[spmem:s1] =	stream.indirect.scatter.add.f32 [tilespmem:s12], [sflag:$0x5], $0x80, s13, s11, $0xb8;
	[tilespmem:$0x1C180] =	vst v63  }
0x154: {  	_ =	swait.ge [sflag:s10], $0x4000  }
0x155: {  	[sflag:s10] =	ssyncset.done $0x0  }
0x156: {  	[sflag:s10] =	ssyncadd.s32 $0xFFFFC000  }
0x157: {  	_ =	swait.ge [sflag:s19], $0x80  }
0x158: {  	[sflag:s19] =	ssyncset.done $0x0  }
0x159: {  	[sflag:s19] =	ssyncadd.s32 $0xFFFFFF80  }
0x15a: {  	_ =	swait.ge [sflag:s20], $0x4000  }
0x15b: {  	[sflag:s20] =	ssyncset.done $0x0  }
0x15c: {  	[sflag:s20] =	ssyncadd.s32 $0xFFFFC000  }
0x15d: {  	[spmem:s1] =	stream.indirect.scatter.add.f32 [tilespmem:s14], [sflag:$0x5], $0x80, s15, s11, $0xb8;
	[tilespmem:$0x1C180] =	vst v63  }
0x15e: {  	_ =	swait.ge [sflag:s10], $0x4000  }
0x15f: {  	[sflag:s10] =	ssyncset.done $0x0  }
0x160: {  	s26 =	sadd.s32 $0x1, s26;
	[sflag:s10] =	ssyncadd.s32 $0xFFFFC000  }
0x161: {  	s0 =	simm.s32 @!p0 $0x1C05;
	p1 =	sne.s32 s26, s6;
	[bflag:$0x0] =	sbarrier.arrive $0xFFFF  }
0x162: {  	[hbm:s5], [sflag:s0] =	dma.local @!p0 [spmem:s9], $0x27900  }
.Ltmp1:
0x163: {  	_ = 	snop;
	(pc) =	sbr.rel @p1 .LBB2_1-.Ltmp1, $4  }
0x164: {  	s0 =	simm.s32 @!p0 $0x5  }
0x165: {  	_ =	swait.ge @!p0 [sflag:s0], $0x27900  }
0x166: {  	[sflag:s0] =	ssyncset.done @!p0 $0x0  }
0x167: {  	[sflag:s0] =	ssyncadd.s32 @!p0 $0xFFFD8700  }
0x168: {  	_ =	sfence.sel $0x180000  }
0x169: {  	[bflag:$0x0] =	sbarrier.arrive $0xFFFF  }
0x16a: {  	_ =	strace $0x9000004A  }
0x16b: {  	[bflag:$0x2] =	sbarrier.arrive $0xFFFF  }
0x16c: {  	s0 =	rddreg [dreg:$0x2]  }
0x16d: {  	s0 =	sadd.s32 @!p0 $0x100000, s0  }
0x16e: {  	[sflag:s0] =	ssyncadd.tile.s32 @!p0 $0x1;
	_ =	shalt  }
.Lfunc_end2:
_tile_overlayer_lowered:
.L_overlay_start_2:
0x16f: {  	(tag) =	ssettag $0x2  }
0x170: {  	s0 =	rddreg [dreg:$0x0];
	s2 =	stileid.u32  }
0x171: {  	s1 =	rddreg [dreg:$0x1];
	p0 =	sne.s32 s2, $0x0  }
0x172: {  	s3 =	rddreg [dreg:$0x2];
	[bflag:$0x3] =	sbarrier.arrive $0xFFFF;
	s2 =	simm.s32 @!p0 $0x1C05  }
0x173: {  	[timem:s3], [sflag:s2] =	dma.local @!p0 [hbm:s0], s1  }
0x174: {  	s0 =	simm.s32 @!p0 $0x5  }
0x175: {  	_ =	swait.ge @!p0 [sflag:s0], s1  }
0x176: {  	s1 =	ssub.s32 @!p0 $0x0, s1;
	[sflag:s0] =	ssyncset.done @!p0 $0x0  }
0x177: {  	[sflag:s0] =	ssyncadd.s32 @!p0 s1  }
0x178: {  	[bflag:$0x3] =	sbarrier.arrive $0xFFFF  }
0x179: {  	_ =	shalt  }

// kernel: kernel.17.cloned.1.call-start
scs
__scs_entry_jumppad:
0x0: {  	(pc) =	sbr.rel $0x88, $3  }
0x1: {  	(tag) =	ssettag $0x0;
	lr =	simm.s32 $0x1  }
0x2: {  	[smem:$0x3F7B] =	sst lr;
	_ =	strace $0xD0000000  }
0x3: {  	_ = 	snop  }
0x4: {  	_ = 	snop  }
0x5: {  	_ = 	snop  }
0x6: {  	_ = 	snop  }
0x7: {  	_ = 	snop  }
__scs_overlays_trampoline_lowered:
0x8: {  	[smem:$0x3F8A] =	sst s0  }
0x9: {  	[smem:$0x3F8B] =	sst s1  }
0xa: {  	[smem:$0x3F8C] =	sst s2  }
0xb: {  	[smem:$0x3F8D] =	sst s3  }
0xc: {  	[smem:$0x3F8E] =	sst s4  }
0xd: {  	[smem:$0x3F8F] =	sst s5  }
0xe: {  	[smem:$0x3F90] =	sst s6  }
0xf: {  	[smem:$0x3F91] =	sst s7  }
0x10: {  	[smem:$0x3F92] =	sst s8  }
0x11: {  	[smem:$0x3F93] =	sst s9;
	s0 =	simm.s32 @!p0 $0x0  }
0x12: {  	s1 =	sld [smem:$0x3F79];
	s0 =	simm.s32 @p0 $0x1  }
0x13: {  	[smem:$0x3F94] =	sst s0;
	s0 =	simm.s32 @!p1 $0x0  }
0x14: {  	s2 =	sld [smem:$0x3F78];
	s0 =	simm.s32 @p1 $0x1  }
0x15: {  	[smem:$0x3F95] =	sst s0;
	s0 =	simm.s32 @!p2 $0x0  }
0x16: {  	s3 =	sld [smem:$0x3FDB];
	s0 =	simm.s32 @p2 $0x1  }
0x17: {  	s4 =	simm.s32 $0x1BF5;
	[smem:$0x3F97] =	sst s0  }
0x18: {  	s0 =	sld [smem:$0x3F7A];
	_ =	swait.ge [sflag:s4], $0x0  }
0x19: {  	s7 =	sld [smem:$0x3F7B]  }
0x1a: {  	s8 =	sadd.s32 $0xFFFFE003, lr  }
0x1b: {  	s9 =	sadd.s32 $0xFFFFFEF7, lr;
	s5 =	simm.s32 $0xFFFFFFFF;
	p2 =	slt.u32 s8, $0xFFFFF086  }
0x1c: {  	p1 =	slt.u32 s9, $0xF7A;
	s5 =	simm.s32 @!p2 $0x0  }
0x1d: {  	s5 =	simm.s32 @p1 $0x1;
	p0 =	seq.s32 s7, s2  }
0x1e: {  	s7 =	smul.u32 @!p0 $0xF7A, s2;
	p2 =	seq.s32 @!p0 s5, $0x0  }
0x1f: {  	s9 =	smul.u32 $0xF7A, s1;
	s8 =	simm.s32 @!p0 $0x1BF5;
	p2 =	por !p2, p0  }
0x20: {  	[sflag:s8] =	ssyncset.s32 @!p0 $0xFFFFF086;
	s6 =	sadd.s32 @!p0 s3, s7;
	s7 =	simm.s32 @!p0 $0x108  }
0x21: {  	s3 =	sadd.s32 s3, s9;
	s6 =	sadd.s32 @!p0 $0x88, s6;
	s7 =	simm.s32 @p2 $0x1082  }
0x22: {  	[simem:s7], [sflag:s8] =	dma.local @!p0 [hbm:s6], $0xF7A  }
0x23: {  	s9 =	sor.u32 $0xD0000000, s2;
	s6 =	simm.s32 $0x108;
	_ =	swait.ge @!p0 [sflag:s8], $0x0  }
0x24: {  	s3 =	sadd.s32 $0x88, s3;
	s6 =	simm.s32 @!p1 $0x1082;
	[sflag:s4] =	ssyncset.s32 $0xFFFFF086  }
0x25: {  	[simem:s6], [sflag:s4] =	dma.local [hbm:s3], $0xF7A  }
0x26: {  	[smem:$0x3F7B] =	sst s1;
	(tag) =	ssettag s2;
	_ =	strace s9  }
0x27: {  	s1 =	sld [smem:$0x3F8B]  }
0x28: {  	s2 =	sld [smem:$0x3F8C]  }
0x29: {  	s4 =	sld [smem:$0x3F8E]  }
0x2a: {  	p0 =	seq.s32 s5, $0x0;
	s5 =	sld [smem:$0x3F8F]  }
0x2b: {  	s6 =	sld [smem:$0x3F90]  }
0x2c: {  	s7 =	sld [smem:$0x3F91]  }
0x2d: {  	s3 =	simm.s32 $0x108;
	s8 =	sld [smem:$0x3F92]  }
0x2e: {  	s3 =	simm.s32 @!p0 $0x1082;
	s9 =	sld [smem:$0x3F93]  }
0x2f: {  	lr =	sadd.s32 s0, s3;
	s0 =	sld [smem:$0x3F8A]  }
0x30: {  	s3 =	sld [smem:$0x3F8D]  }
0x31: {  	[smem:$0x3F96] =	sst s10  }
0x32: {  	s10 =	sld [smem:$0x3F94];
	_ =	sdelay $0x3  }
0x33: {  	p0 =	seq.s32 s10, $0x1;
	s10 =	sld [smem:$0x3F96];
	_ =	sdelay $0x3  }
0x34: {  	[smem:$0x3F96] =	sst s10  }
0x35: {  	s10 =	sld [smem:$0x3F95];
	_ =	sdelay $0x3  }
0x36: {  	p1 =	seq.s32 s10, $0x1;
	s10 =	sld [smem:$0x3F96];
	_ =	sdelay $0x3  }
0x37: {  	[smem:$0x3F96] =	sst s10  }
0x38: {  	s10 =	sld [smem:$0x3F97]  }
0x39: {  	_ = 	snop;
	(pc) =	sbr.ind lr, $3  }
0x3a: {  	_ = 	snop  }
0x3b: {  	_ = 	snop  }
0x3c: {  	p2 =	seq.s32 s10, $0x1;
	s10 =	sld [smem:$0x3F96]  }
0x3d: {  	_ =	shalt  }
0x3e: {  	_ =	shalt  }
0x3f: {  	_ =	shalt  }
0x40: {  	_ =	shalt  }
0x41: {  	_ =	shalt  }
0x42: {  	_ =	shalt  }
0x43: {  	_ =	shalt  }
0x44: {  	_ =	shalt  }
0x45: {  	_ =	shalt  }
0x46: {  	_ =	shalt  }
0x47: {  	_ =	shalt  }
0x48: {  	_ =	shalt  }
0x49: {  	_ =	shalt  }
0x4a: {  	_ =	shalt  }
0x4b: {  	_ =	shalt  }
0x4c: {  	_ =	shalt  }
0x4d: {  	_ =	shalt  }
0x4e: {  	_ =	shalt  }
0x4f: {  	_ =	shalt  }
0x50: {  	_ =	shalt  }
0x51: {  	_ =	shalt  }
0x52: {  	_ =	shalt  }
0x53: {  	_ =	shalt  }
0x54: {  	_ =	shalt  }
0x55: {  	_ =	shalt  }
0x56: {  	_ =	shalt  }
0x57: {  	_ =	shalt  }
0x58: {  	_ =	shalt  }
0x59: {  	_ =	shalt  }
0x5a: {  	_ =	shalt  }
0x5b: {  	_ =	shalt  }
0x5c: {  	_ =	shalt  }
0x5d: {  	_ =	shalt  }
0x5e: {  	_ =	shalt  }
0x5f: {  	_ =	shalt  }
0x60: {  	_ =	shalt  }
0x61: {  	_ =	shalt  }
0x62: {  	_ =	shalt  }
0x63: {  	_ =	shalt  }
0x64: {  	_ =	shalt  }
0x65: {  	_ =	shalt  }
0x66: {  	_ =	shalt  }
0x67: {  	_ =	shalt  }
0x68: {  	_ =	shalt  }
0x69: {  	_ =	shalt  }
0x6a: {  	_ =	shalt  }
0x6b: {  	_ =	shalt  }
0x6c: {  	_ =	shalt  }
0x6d: {  	_ =	shalt  }
0x6e: {  	_ =	shalt  }
0x6f: {  	_ =	shalt  }
0x70: {  	_ =	shalt  }
0x71: {  	_ =	shalt  }
0x72: {  	_ =	shalt  }
0x73: {  	_ =	shalt  }
0x74: {  	_ =	shalt  }
0x75: {  	_ =	shalt  }
0x76: {  	_ =	shalt  }
0x77: {  	_ =	shalt  }
0x78: {  	_ =	shalt  }
0x79: {  	_ =	shalt  }
0x7a: {  	_ =	shalt  }
0x7b: {  	_ =	shalt  }
0x7c: {  	_ =	shalt  }
0x7d: {  	_ =	shalt  }
0x7e: {  	_ =	shalt  }
0x7f: {  	_ =	shalt  }
0x80: {  	_ =	shalt  }
0x81: {  	_ =	shalt  }
0x82: {  	_ =	shalt  }
0x83: {  	_ =	shalt  }
0x84: {  	_ =	shalt  }
0x85: {  	_ =	shalt  }
0x86: {  	_ =	shalt  }
0x87: {  	_ =	shalt  }
.Lfunc_end0:
.L_simem_size_0:
called_computation.2_lowered:
.L_overlay_start_0:
0x88: {  	s2 =	sld [smem:$0x3FD9]  }
0x89: {  	s3 =	sld [smem:$0x3FFE];
	_ =	sdelay $0x1  }
0x8a: {  	s1 =	srdreg.scid  }
0x8b: {  	s0 =	sand.u32 $0x1, s1  }
0x8c: {  	s16 =	sshll.u32 s0, $0xA;
	s2 =	sadd.s32 s3, s2  }
0x8d: {  	s2 =	sadd.s32 s2, s16  }
0x8e: {  	[smem:$0x3FA2] =	sst s2  }
0x8f: {  	_ = 	snop  }
0x90: {  	(tm) =	ssettm $0x1  }
0x91: {  	s17 =	sld [smem:$0x3FFB];
	_ =	sdelay $0x3  }
0x92: {  	_ =	strace s17  }
0x93: {  	s2 =	sld [smem:$0x3FFC];
	_ =	sdelay $0x3  }
0x94: {  	_ =	strace s2  }
0x95: {  	s2 =	sld [smem:$0x3FFD];
	_ =	sdelay $0x3  }
0x96: {  	_ =	strace s2  }
0x97: {  	_ =	strace $0x8FFFFFFF  }
0x98: {  	s18 =	sld [smem:$0x3FDB];
	_ =	sdelay $0x1  }
0x99: {  	s19 =	simm.s32 $_scs_section_size  }
0x9a: {  	s4 =	simm.s32 $_size__tile_overlayer_lowered;
	s5 =	simm.s32 $_tile_overlayer_lowered  }
0x9b: {  	s22 =	simm.s32 $0x1BFF;
	s21 =	sshll.u32 s5, $0x1;
	s2 =	sadd.s32 s19, s18  }
0x9c: {  	s6 =	simm.s32 $0x0;
	s20 =	sshll.u32 s4, $0x1;
	s4 =	sadd.s32 s21, s2  }
0x9d: {  	[timem:s6], [sflag:s22] =	dma.local [hbm:s4], s20  }
0x9e: {  	_ =	swait.ge [sflag:s22], s20  }
0x9f: {  	s3 =	ssub.s32 $0x0, s20;
	[sflag:s22] =	ssyncset.done $0x0  }
0xa0: {  	[sflag:s22] =	ssyncadd.s32 s3;
	_ =	sdelay $0x1  }
0xa1: {  	s23 =	simm.s32 $0x1B8B  }
0xa2: {  	_ =	swait.ge [sflag:s23], $0x1  }
0xa3: {  	[sflag:s23] =	ssyncset.done $0x0  }
0xa4: {  	s25 =	simm.s32 $0x1B8E;
	s24 =	sld [smem:$0x3FFE];
	[sflag:s23] =	ssyncadd.s32 $0xFFFFFFFF  }
0xa5: {  	s26 =	simm.s32 $execute0_lowered;
	[smem:$0x3FD2] =	sst s25  }
0xa6: {  	s4 =	sshll.u32 s26, $0x1;
	_ =	strace $0x8000004C;
	[dreg:$0x1] =	wrdreg $0xFFFFFFFF  }
0xa7: {  	s28 =	simm.s32 $_size_execute0_lowered;
	s2 =	sadd.s32 s2, s4;
	[dreg:$0x0] =	wrdreg $0x0  }
0xa8: {  	s4 =	sshll.u32 s28, $0x1;
	[dreg:$0x2] =	wrdreg s2  }
0xa9: {  	[dreg:$0x3] =	wrdreg s4  }
0xaa: {  	[dreg:$0x4] =	wrdreg $0xC0  }
0xab: {  	_ =	task [dreg:s6], $0x5FFFF  }
0xac: {  	[dreg:$0x1] =	wrdreg $0xFFFFFFFF  }
0xad: {  	[dreg:$0x0] =	wrdreg $0x60  }
0xae: {  	[dreg:$0x2] =	wrdreg s24  }
0xaf: {  	[dreg:$0x3] =	wrdreg $0x85000  }
0xb0: {  	[dreg:$0x4] =	wrdreg $0x9  }
0xb1: {  	_ =	task.clear_ibuf [dreg:s6], $0x5FFFF;
	_ =	strace $0x9000004C  }
0xb2: {  	s29 =	simm.s32 $0x9;
	_ =	strace $0x8000004E  }
0xb3: {  	_ =	swait.ge [sflag:s29], $0x1  }
0xb4: {  	[sflag:s29] =	ssyncadd.s32 $0xFFFFFFFF  }
0xb5: {  	_ =	strace $0x9000004E  }
0xb6: {  	_ =	sfence  }
0xb7: {  	s30 =	sld [smem:$0x0];
	_ =	sdelay $0x2  }
0xb8: {  	s31 =	sshll.u32 s1, $0xD;
	s1 =	sshrl.u32 s1, $0x2  }
0xb9: {  	s3 =	sand.u32 $0x4000, s31;
	s1 =	sadd.s32 s1, s30  }
0xba: {  	s0 =	sor.u32 s3, s0;
	s1 =	sshll.u32 s1, $0x11  }
0xbb: {  	s0 =	sor.u32 s1, s0  }
0xbc: {  	s0 =	sadd.s32 $0x8F2B, s0  }
0xbd: {  	[sflag:s0] =	ssyncadd.remote.s32 $0x1  }
0xbe: {  	_ =	sfence.sel $0xFFFF  }
0xbf: {  	[dreg:$0x0] =	wrdreg $0xFFFFFFFF;
	(pc) =	sbr.abs _section_cstart, $3  }
0xc0: {  	[dreg:$0x1] =	wrdreg $0xFFFFFFFF  }
0xc1: {  	_ =	task.clear_ibuf [dreg:s6], $0x2FFFF;
	_ =	strace $0x9FFFFFFF  }
0xc2: {  	(tm) =	ssettm $0x7FFFFFFF  }
0xc3: {  	_ =	shalt  }
tec
execute0_lowered:
.L_overlay_start_1:
0x0: {  	(tag) =	ssettag $0x1  }
0x1: {  	s0 =	srdreg.scid  }
0x2: {  	s4 =	rddreg [dreg:$0x0];
	s9 =	stileid.u32  }
0x3: {  	s1 =	rddreg [dreg:$0x1];
	s2 =	simm.s32 $0x0;
	s12 =	simm.s32 $0x500  }
0x4: {  	s13 =	simm.s32 $0x400;
	s14 =	simm.s32 $0x4500;
	s15 =	simm.s32 $0x480  }
0x5: {  	s16 =	simm.s32 $0x3;
	s17 =	simm.s32 $0x1;
	s18 =	simm.s32 $0x100  }
0x6: {  	s19 =	simm.s32 $0x4;
	s20 =	simm.s32 $0x2;
	s21 =	simm.s32 $0x180  }
0x7: {  	s22 =	simm.s32 $0x200;
	s23 =	simm.s32 $0x280;
	s6 =	smul.u32 $0xA0, s9  }
0x8: {  	s24 =	simm.s32 $0x300;
	s5 =	sand.u32 $0x1, s0;
	s8 =	smul.u32 $0x5000, s9  }
0x9: {  	s25 =	simm.s32 $0x380;
	s26 =	simm.s32 $0x0;
	s3 =	smul.u32 $0xA00, s5  }
0xa: {  	[smem:$0x7FF] =	sst s2;
	p0 =	sne.s32 s9, $0x0;
	s7 =	smul.u32 $0x50000, s5  }
0xb: {  	_ =	strace $0x8000004D;
	s28 =	smul.u32 $0x27900, s5;
	s5 =	ssub.s32 $0x2, s5  }
0xc: {  	s9 =	sshrl.u32 @!p0 s1, $0x3;
	s30 =	sshrl.u32 s5, $0x1;
	s6 =	sadd.s32 s6, s3  }
0xd: {  	s3 =	sadd.s32 $0xA6600, s4;
	s7 =	sadd.s32 s8, s7;
	s31 =	sadd.s32 s28, s4  }
0xe: {  	s6 =	sshll.u32 s6, $0x4;
	s29 =	sshrl.u32 s7, $0x3;
	s7 =	ssub.s32 s5, s30  }
0xf: {  	s5 =	sadd.s32 $0x142A00, s31;
	s10 =	sadd.s32 s6, s4;
	s11 =	sadd.s32 s29, s4  }
0x10: {  	s4 =	sadd.s32 $0x1B200, s4;
	s6 =	smax.u32 s7, $0x1;
	s7 =	sadd.s32 $0x7200, s11  }
0x11: {  	s8 =	sadd.s32 $0x92600, s10;
	s10 =	simm.s32 $0x5;
	s11 =	simm.s32 $0x80  }
.LBB2_1:
0x12: {  	s28 =	simm.s32 @!p0 $0x1C05  }
0x13: {  	[spmem:s9], [sflag:s28] =	dma.local @!p0 [hbm:s4], $0x27900  }
0x14: {  	s28 =	simm.s32 @!p0 $0x5  }
0x15: {  	_ =	swait.ge @!p0 [sflag:s28], $0x27900  }
0x16: {  	[sflag:s28] =	ssyncset.done @!p0 $0x0  }
0x17: {  	[sflag:s28] =	ssyncadd.s32 @!p0 $0xFFFD8700  }
0x18: {  	s28 =	sadd.s32 $0x0, s8;
	[bflag:$0x0] =	sbarrier.arrive $0xFFFF  }
0x19: {  	[tilespmem:s2], [sflag:$0x5] =	stream.linear.gather [hbm4b:s28+s2], $0x400, $0x38;
	[tilespmem:$0x1C180] =	vst v63  }
0x1a: {  	_ =	swait.ge [sflag:s10], $0x400  }
0x1b: {  	[sflag:s10] =	ssyncset.done $0x0  }
0x1c: {  	[sflag:s10] =	ssyncadd.s32 $0xFFFFFC00  }
0x1d: {  	[tilespmem:s12], [sflag:$0x1] =	stream.indirect.gather [hbm4b:s3+s11], $0x80, s2, s11, $0xb8;
	[tilespmem:$0x1C180] =	vst v63  }
0x1e: {  	s28 =	sadd.s32 $0x0, s7  }
0x1f: {  	[tilespmem:s13], [sflag:$0x3] =	stream.linear.gather [hbm4b:s28+s2], $0x80, $0x38;
	[tilespmem:$0x1C180] =	vst v63  }
0x20: {  	_ = 	snop  }
0x21: {  	[tilespmem:s14], [sflag:$0x2] =	stream.indirect.gather [hbm4b:s3+s11], $0x80, s11, s11, $0xb8;
	[tilespmem:$0x1C180] =	vst v63  }
0x22: {  	s29 =	sadd.s32 $0x10, s28  }
0x23: {  	[tilespmem:s15], [sflag:$0x4] =	stream.linear.gather [hbm4b:s29+s2], $0x80, $0x38;
	[tilespmem:$0x1C180] =	vst v63  }
0x24: {  	_ =	swait.ge [sflag:s16], $0x80  }
0x25: {  	[sflag:s16] =	ssyncset.done $0x0  }
0x26: {  	[sflag:s16] =	ssyncadd.s32 $0xFFFFFF80  }
0x27: {  	_ =	swait.ge [sflag:s17], $0x4000  }
0x28: {  	[sflag:s17] =	ssyncset.done $0x0  }
0x29: {  	[sflag:s17] =	ssyncadd.s32 $0xFFFFC000  }
0x2a: {  	[spmem:s1] =	stream.indirect.scatter.add.f32 [tilespmem:s12], [sflag:$0x5], $0x80, s13, s11, $0xb8;
	[tilespmem:$0x1C180] =	vst v63  }
0x2b: {  	_ =	swait.ge [sflag:s10], $0x4000  }
0x2c: {  	[sflag:s10] =	ssyncset.done $0x0  }
0x2d: {  	[sflag:s10] =	ssyncadd.s32 $0xFFFFC000  }
0x2e: {  	[tilespmem:s12], [sflag:$0x1] =	stream.indirect.gather [hbm4b:s3+s11], $0x80, s18, s11, $0xb8;
	[tilespmem:$0x1C180] =	vst v63  }
0x2f: {  	s31 =	sadd.s32 $0x20, s28  }
0x30: {  	[tilespmem:s13], [sflag:$0x3] =	stream.linear.gather [hbm4b:s31+s2], $0x80, $0x38;
	[tilespmem:$0x1C180] =	vst v63  }
0x31: {  	_ =	swait.ge [sflag:s19], $0x80  }
0x32: {  	[sflag:s19] =	ssyncset.done $0x0  }
0x33: {  	[sflag:s19] =	ssyncadd.s32 $0xFFFFFF80  }
0x34: {  	_ =	swait.ge [sflag:s20], $0x4000  }
0x35: {  	[sflag:s20] =	ssyncset.done $0x0  }
0x36: {  	[sflag:s20] =	ssyncadd.s32 $0xFFFFC000  }
0x37: {  	[spmem:s1] =	stream.indirect.scatter.add.f32 [tilespmem:s14], [sflag:$0x5], $0x80, s15, s11, $0xb8;
	[tilespmem:$0x1C180] =	vst v63  }
0x38: {  	_ =	swait.ge [sflag:s10], $0x4000  }
0x39: {  	[sflag:s10] =	ssyncset.done $0x0  }
0x3a: {  	[sflag:s10] =	ssyncadd.s32 $0xFFFFC000  }
0x3b: {  	[tilespmem:s14], [sflag:$0x2] =	stream.indirect.gather [hbm4b:s3+s11], $0x80, s21, s11, $0xb8;
	[tilespmem:$0x1C180] =	vst v63  }
0x3c: {  	s0 =	sadd.s32 $0x30, s28  }
0x3d: {  	[tilespmem:s15], [sflag:$0x4] =	stream.linear.gather [hbm4b:s0+s2], $0x80, $0x38;
	[tilespmem:$0x1C180] =	vst v63  }
0x3e: {  	_ =	swait.ge [sflag:s16], $0x80  }
0x3f: {  	[sflag:s16] =	ssyncset.done $0x0  }
0x40: {  	[sflag:s16] =	ssyncadd.s32 $0xFFFFFF80  }
0x41: {  	_ =	swait.ge [sflag:s17], $0x4000  }
0x42: {  	[sflag:s17] =	ssyncset.done $0x0  }
0x43: {  	[sflag:s17] =	ssyncadd.s32 $0xFFFFC000  }
0x44: {  	[spmem:s1] =	stream.indirect.scatter.add.f32 [tilespmem:s12], [sflag:$0x5], $0x80, s13, s11, $0xb8;
	[tilespmem:$0x1C180] =	vst v63  }
0x45: {  	_ =	swait.ge [sflag:s10], $0x4000  }
0x46: {  	[sflag:s10] =	ssyncset.done $0x0  }
0x47: {  	[sflag:s10] =	ssyncadd.s32 $0xFFFFC000  }
0x48: {  	[tilespmem:s12], [sflag:$0x1] =	stream.indirect.gather [hbm4b:s3+s11], $0x80, s22, s11, $0xb8;
	[tilespmem:$0x1C180] =	vst v63  }
0x49: {  	s31 =	sadd.s32 $0x40, s28  }
0x4a: {  	[tilespmem:s13], [sflag:$0x3] =	stream.linear.gather [hbm4b:s31+s2], $0x80, $0x38;
	[tilespmem:$0x1C180] =	vst v63  }
0x4b: {  	_ =	swait.ge [sflag:s19], $0x80  }
0x4c: {  	[sflag:s19] =	ssyncset.done $0x0  }
0x4d: {  	[sflag:s19] =	ssyncadd.s32 $0xFFFFFF80  }
0x4e: {  	_ =	swait.ge [sflag:s20], $0x4000  }
0x4f: {  	[sflag:s20] =	ssyncset.done $0x0  }
0x50: {  	[sflag:s20] =	ssyncadd.s32 $0xFFFFC000  }
0x51: {  	[spmem:s1] =	stream.indirect.scatter.add.f32 [tilespmem:s14], [sflag:$0x5], $0x80, s15, s11, $0xb8;
	[tilespmem:$0x1C180] =	vst v63  }
0x52: {  	_ =	swait.ge [sflag:s10], $0x4000  }
0x53: {  	[sflag:s10] =	ssyncset.done $0x0  }
0x54: {  	[sflag:s10] =	ssyncadd.s32 $0xFFFFC000  }
0x55: {  	[tilespmem:s14], [sflag:$0x2] =	stream.indirect.gather [hbm4b:s3+s11], $0x80, s23, s11, $0xb8;
	[tilespmem:$0x1C180] =	vst v63  }
0x56: {  	s0 =	sadd.s32 $0x50, s28  }
0x57: {  	[tilespmem:s15], [sflag:$0x4] =	stream.linear.gather [hbm4b:s0+s2], $0x80, $0x38;
	[tilespmem:$0x1C180] =	vst v63  }
0x58: {  	_ =	swait.ge [sflag:s16], $0x80  }
0x59: {  	[sflag:s16] =	ssyncset.done $0x0  }
0x5a: {  	[sflag:s16] =	ssyncadd.s32 $0xFFFFFF80  }
0x5b: {  	_ =	swait.ge [sflag:s17], $0x4000  }
0x5c: {  	[sflag:s17] =	ssyncset.done $0x0  }
0x5d: {  	[sflag:s17] =	ssyncadd.s32 $0xFFFFC000  }
0x5e: {  	[spmem:s1] =	stream.indirect.scatter.add.f32 [tilespmem:s12], [sflag:$0x5], $0x80, s13, s11, $0xb8;
	[tilespmem:$0x1C180] =	vst v63  }
0x5f: {  	_ =	swait.ge [sflag:s10], $0x4000  }
0x60: {  	[sflag:s10] =	ssyncset.done $0x0  }
0x61: {  	[sflag:s10] =	ssyncadd.s32 $0xFFFFC000  }
0x62: {  	[tilespmem:s12], [sflag:$0x1] =	stream.indirect.gather [hbm4b:s3+s11], $0x80, s24, s11, $0xb8;
	[tilespmem:$0x1C180] =	vst v63  }
0x63: {  	s31 =	sadd.s32 $0x60, s28  }
0x64: {  	[tilespmem:s13], [sflag:$0x3] =	stream.linear.gather [hbm4b:s31+s2], $0x80, $0x38;
	[tilespmem:$0x1C180] =	vst v63  }
0x65: {  	_ =	swait.ge [sflag:s19], $0x80  }
0x66: {  	[sflag:s19] =	ssyncset.done $0x0  }
0x67: {  	[sflag:s19] =	ssyncadd.s32 $0xFFFFFF80  }
0x68: {  	_ =	swait.ge [sflag:s20], $0x4000  }
0x69: {  	[sflag:s20] =	ssyncset.done $0x0  }
0x6a: {  	[sflag:s20] =	ssyncadd.s32 $0xFFFFC000  }
0x6b: {  	[spmem:s1] =	stream.indirect.scatter.add.f32 [tilespmem:s14], [sflag:$0x5], $0x80, s15, s11, $0xb8;
	[tilespmem:$0x1C180] =	vst v63  }
0x6c: {  	_ =	swait.ge [sflag:s10], $0x4000  }
0x6d: {  	[sflag:s10] =	ssyncset.done $0x0  }
0x6e: {  	[sflag:s10] =	ssyncadd.s32 $0xFFFFC000  }
0x6f: {  	[tilespmem:s14], [sflag:$0x2] =	stream.indirect.gather [hbm4b:s3+s11], $0x80, s25, s11, $0xb8;
	[tilespmem:$0x1C180] =	vst v63  }
0x70: {  	s28 =	sadd.s32 $0x70, s28  }
0x71: {  	[tilespmem:s15], [sflag:$0x4] =	stream.linear.gather [hbm4b:s28+s2], $0x80, $0x38;
	[tilespmem:$0x1C180] =	vst v63  }
0x72: {  	_ =	swait.ge [sflag:s16], $0x80  }
0x73: {  	[sflag:s16] =	ssyncset.done $0x0  }
0x74: {  	[sflag:s16] =	ssyncadd.s32 $0xFFFFFF80  }
0x75: {  	_ =	swait.ge [sflag:s17], $0x4000  }
0x76: {  	[sflag:s17] =	ssyncset.done $0x0  }
0x77: {  	[sflag:s17] =	ssyncadd.s32 $0xFFFFC000  }
0x78: {  	[spmem:s1] =	stream.indirect.scatter.add.f32 [tilespmem:s12], [sflag:$0x5], $0x80, s13, s11, $0xb8;
	[tilespmem:$0x1C180] =	vst v63  }
0x79: {  	_ =	swait.ge [sflag:s10], $0x4000  }
0x7a: {  	[sflag:s10] =	ssyncset.done $0x0  }
0x7b: {  	[sflag:s10] =	ssyncadd.s32 $0xFFFFC000  }
0x7c: {  	_ =	swait.ge [sflag:s19], $0x80  }
0x7d: {  	[sflag:s19] =	ssyncset.done $0x0  }
0x7e: {  	[sflag:s19] =	ssyncadd.s32 $0xFFFFFF80  }
0x7f: {  	_ =	swait.ge [sflag:s20], $0x4000  }
0x80: {  	[sflag:s20] =	ssyncset.done $0x0  }
0x81: {  	[sflag:s20] =	ssyncadd.s32 $0xFFFFC000  }
0x82: {  	[spmem:s1] =	stream.indirect.scatter.add.f32 [tilespmem:s14], [sflag:$0x5], $0x80, s15, s11, $0xb8;
	[tilespmem:$0x1C180] =	vst v63  }
0x83: {  	_ =	swait.ge [sflag:s10], $0x4000  }
0x84: {  	s30 =	simm.s32 $0x100;
	s28 =	simm.s32 $0x80;
	[sflag:s10] =	ssyncset.done $0x0  }
.LBB2_2:
0x85: {  	s31 =	sadd.s32 s28, s8  }
0x86: {  	[sflag:s10] =	ssyncadd.s32 $0xFFFFC000;
	s0 =	smov.u32 s30;
	s29 =	sadd.s32 $0x80, s30  }
0x87: {  	[tilespmem:s2], [sflag:$0x5] =	stream.linear.gather [hbm4b:s31+s2], $0x400, $0x38;
	[tilespmem:$0x1C180] =	vst v63  }
0x88: {  	p1 =	sne.s32 s30, $0x980;
	_ =	swait.ge [sflag:s10], $0x400  }
0x89: {  	[sflag:s10] =	ssyncset.done $0x0  }
0x8a: {  	[sflag:s10] =	ssyncadd.s32 $0xFFFFFC00  }
0x8b: {  	[tilespmem:s12], [sflag:$0x1] =	stream.indirect.gather [hbm4b:s3+s11], $0x80, s2, s11, $0xb8;
	[tilespmem:$0x1C180] =	vst v63  }
0x8c: {  	s30 =	sadd.s32 s28, s7;
	s28 =	smov.u32 s0  }
0x8d: {  	[tilespmem:s13], [sflag:$0x3] =	stream.linear.gather [hbm4b:s30+s2], $0x80, $0x38;
	[tilespmem:$0x1C180] =	vst v63  }
0x8e: {  	_ = 	snop  }
0x8f: {  	[tilespmem:s14], [sflag:$0x2] =	stream.indirect.gather [hbm4b:s3+s11], $0x80, s11, s11, $0xb8;
	[tilespmem:$0x1C180] =	vst v63  }
0x90: {  	s0 =	sadd.s32 $0x10, s30  }
0x91: {  	[tilespmem:s15], [sflag:$0x4] =	stream.linear.gather [hbm4b:s0+s2], $0x80, $0x38;
	[tilespmem:$0x1C180] =	vst v63  }
0x92: {  	_ =	swait.ge [sflag:s16], $0x80  }
0x93: {  	[sflag:s16] =	ssyncset.done $0x0  }
0x94: {  	[sflag:s16] =	ssyncadd.s32 $0xFFFFFF80  }
0x95: {  	_ =	swait.ge [sflag:s17], $0x4000  }
0x96: {  	[sflag:s17] =	ssyncset.done $0x0  }
0x97: {  	[sflag:s17] =	ssyncadd.s32 $0xFFFFC000  }
0x98: {  	[spmem:s1] =	stream.indirect.scatter.add.f32 [tilespmem:s12], [sflag:$0x5], $0x80, s13, s11, $0xb8;
	[tilespmem:$0x1C180] =	vst v63  }
0x99: {  	_ =	swait.ge [sflag:s10], $0x4000  }
0x9a: {  	[sflag:s10] =	ssyncset.done $0x0  }
0x9b: {  	[sflag:s10] =	ssyncadd.s32 $0xFFFFC000  }
0x9c: {  	[tilespmem:s12], [sflag:$0x1] =	stream.indirect.gather [hbm4b:s3+s11], $0x80, s18, s11, $0xb8;
	[tilespmem:$0x1C180] =	vst v63  }
0x9d: {  	s0 =	sadd.s32 $0x20, s30  }
0x9e: {  	[tilespmem:s13], [sflag:$0x3] =	stream.linear.gather [hbm4b:s0+s2], $0x80, $0x38;
	[tilespmem:$0x1C180] =	vst v63  }
0x9f: {  	_ =	swait.ge [sflag:s19], $0x80  }
0xa0: {  	[sflag:s19] =	ssyncset.done $0x0  }
0xa1: {  	[sflag:s19] =	ssyncadd.s32 $0xFFFFFF80  }
0xa2: {  	_ =	swait.ge [sflag:s20], $0x4000  }
0xa3: {  	[sflag:s20] =	ssyncset.done $0x0  }
0xa4: {  	[sflag:s20] =	ssyncadd.s32 $0xFFFFC000  }
0xa5: {  	[spmem:s1] =	stream.indirect.scatter.add.f32 [tilespmem:s14], [sflag:$0x5], $0x80, s15, s11, $0xb8;
	[tilespmem:$0x1C180] =	vst v63  }
0xa6: {  	_ =	swait.ge [sflag:s10], $0x4000  }
0xa7: {  	[sflag:s10] =	ssyncset.done $0x0  }
0xa8: {  	[sflag:s10] =	ssyncadd.s32 $0xFFFFC000  }
0xa9: {  	[tilespmem:s14], [sflag:$0x2] =	stream.indirect.gather [hbm4b:s3+s11], $0x80, s21, s11, $0xb8;
	[tilespmem:$0x1C180] =	vst v63  }
0xaa: {  	s0 =	sadd.s32 $0x30, s30  }
0xab: {  	[tilespmem:s15], [sflag:$0x4] =	stream.linear.gather [hbm4b:s0+s2], $0x80, $0x38;
	[tilespmem:$0x1C180] =	vst v63  }
0xac: {  	_ =	swait.ge [sflag:s16], $0x80  }
0xad: {  	[sflag:s16] =	ssyncset.done $0x0  }
0xae: {  	[sflag:s16] =	ssyncadd.s32 $0xFFFFFF80  }
0xaf: {  	_ =	swait.ge [sflag:s17], $0x4000  }
0xb0: {  	[sflag:s17] =	ssyncset.done $0x0  }
0xb1: {  	[sflag:s17] =	ssyncadd.s32 $0xFFFFC000  }
0xb2: {  	[spmem:s1] =	stream.indirect.scatter.add.f32 [tilespmem:s12], [sflag:$0x5], $0x80, s13, s11, $0xb8;
	[tilespmem:$0x1C180] =	vst v63  }
0xb3: {  	_ =	swait.ge [sflag:s10], $0x4000  }
0xb4: {  	[sflag:s10] =	ssyncset.done $0x0  }
0xb5: {  	[sflag:s10] =	ssyncadd.s32 $0xFFFFC000  }
0xb6: {  	[tilespmem:s12], [sflag:$0x1] =	stream.indirect.gather [hbm4b:s3+s11], $0x80, s22, s11, $0xb8;
	[tilespmem:$0x1C180] =	vst v63  }
0xb7: {  	s0 =	sadd.s32 $0x40, s30  }
0xb8: {  	[tilespmem:s13], [sflag:$0x3] =	stream.linear.gather [hbm4b:s0+s2], $0x80, $0x38;
	[tilespmem:$0x1C180] =	vst v63  }
0xb9: {  	_ =	swait.ge [sflag:s19], $0x80  }
0xba: {  	[sflag:s19] =	ssyncset.done $0x0  }
0xbb: {  	[sflag:s19] =	ssyncadd.s32 $0xFFFFFF80  }
0xbc: {  	_ =	swait.ge [sflag:s20], $0x4000  }
0xbd: {  	[sflag:s20] =	ssyncset.done $0x0  }
0xbe: {  	[sflag:s20] =	ssyncadd.s32 $0xFFFFC000  }
0xbf: {  	[spmem:s1] =	stream.indirect.scatter.add.f32 [tilespmem:s14], [sflag:$0x5], $0x80, s15, s11, $0xb8;
	[tilespmem:$0x1C180] =	vst v63  }
0xc0: {  	_ =	swait.ge [sflag:s10], $0x4000  }
0xc1: {  	[sflag:s10] =	ssyncset.done $0x0  }
0xc2: {  	[sflag:s10] =	ssyncadd.s32 $0xFFFFC000  }
0xc3: {  	[tilespmem:s14], [sflag:$0x2] =	stream.indirect.gather [hbm4b:s3+s11], $0x80, s23, s11, $0xb8;
	[tilespmem:$0x1C180] =	vst v63  }
0xc4: {  	s0 =	sadd.s32 $0x50, s30  }
0xc5: {  	[tilespmem:s15], [sflag:$0x4] =	stream.linear.gather [hbm4b:s0+s2], $0x80, $0x38;
	[tilespmem:$0x1C180] =	vst v63  }
0xc6: {  	_ =	swait.ge [sflag:s16], $0x80  }
0xc7: {  	[sflag:s16] =	ssyncset.done $0x0  }
0xc8: {  	[sflag:s16] =	ssyncadd.s32 $0xFFFFFF80  }
0xc9: {  	_ =	swait.ge [sflag:s17], $0x4000  }
0xca: {  	[sflag:s17] =	ssyncset.done $0x0  }
0xcb: {  	[sflag:s17] =	ssyncadd.s32 $0xFFFFC000  }
0xcc: {  	[spmem:s1] =	stream.indirect.scatter.add.f32 [tilespmem:s12], [sflag:$0x5], $0x80, s13, s11, $0xb8;
	[tilespmem:$0x1C180] =	vst v63  }
0xcd: {  	_ =	swait.ge [sflag:s10], $0x4000  }
0xce: {  	[sflag:s10] =	ssyncset.done $0x0  }
0xcf: {  	[sflag:s10] =	ssyncadd.s32 $0xFFFFC000  }
0xd0: {  	[tilespmem:s12], [sflag:$0x1] =	stream.indirect.gather [hbm4b:s3+s11], $0x80, s24, s11, $0xb8;
	[tilespmem:$0x1C180] =	vst v63  }
0xd1: {  	s0 =	sadd.s32 $0x60, s30  }
0xd2: {  	[tilespmem:s13], [sflag:$0x3] =	stream.linear.gather [hbm4b:s0+s2], $0x80, $0x38;
	[tilespmem:$0x1C180] =	vst v63  }
0xd3: {  	_ =	swait.ge [sflag:s19], $0x80  }
0xd4: {  	[sflag:s19] =	ssyncset.done $0x0  }
0xd5: {  	[sflag:s19] =	ssyncadd.s32 $0xFFFFFF80  }
0xd6: {  	_ =	swait.ge [sflag:s20], $0x4000  }
0xd7: {  	[sflag:s20] =	ssyncset.done $0x0  }
0xd8: {  	[sflag:s20] =	ssyncadd.s32 $0xFFFFC000  }
0xd9: {  	[spmem:s1] =	stream.indirect.scatter.add.f32 [tilespmem:s14], [sflag:$0x5], $0x80, s15, s11, $0xb8;
	[tilespmem:$0x1C180] =	vst v63  }
0xda: {  	_ =	swait.ge [sflag:s10], $0x4000  }
0xdb: {  	[sflag:s10] =	ssyncset.done $0x0  }
0xdc: {  	[sflag:s10] =	ssyncadd.s32 $0xFFFFC000  }
0xdd: {  	[tilespmem:s14], [sflag:$0x2] =	stream.indirect.gather [hbm4b:s3+s11], $0x80, s25, s11, $0xb8;
	[tilespmem:$0x1C180] =	vst v63  }
0xde: {  	s0 =	sadd.s32 $0x70, s30  }
0xdf: {  	[tilespmem:s15], [sflag:$0x4] =	stream.linear.gather [hbm4b:s0+s2], $0x80, $0x38;
	[tilespmem:$0x1C180] =	vst v63  }
0xe0: {  	_ =	swait.ge [sflag:s16], $0x80  }
0xe1: {  	[sflag:s16] =	ssyncset.done $0x0  }
0xe2: {  	[sflag:s16] =	ssyncadd.s32 $0xFFFFFF80  }
0xe3: {  	_ =	swait.ge [sflag:s17], $0x4000  }
0xe4: {  	[sflag:s17] =	ssyncset.done $0x0  }
0xe5: {  	[sflag:s17] =	ssyncadd.s32 $0xFFFFC000  }
0xe6: {  	[spmem:s1] =	stream.indirect.scatter.add.f32 [tilespmem:s12], [sflag:$0x5], $0x80, s13, s11, $0xb8;
	[tilespmem:$0x1C180] =	vst v63  }
0xe7: {  	_ =	swait.ge [sflag:s10], $0x4000  }
0xe8: {  	[sflag:s10] =	ssyncset.done $0x0  }
0xe9: {  	[sflag:s10] =	ssyncadd.s32 $0xFFFFC000  }
0xea: {  	_ =	swait.ge [sflag:s19], $0x80  }
0xeb: {  	[sflag:s19] =	ssyncset.done $0x0  }
0xec: {  	[sflag:s19] =	ssyncadd.s32 $0xFFFFFF80  }
0xed: {  	_ =	swait.ge [sflag:s20], $0x4000  }
.Ltmp0:
0xee: {  	[sflag:s20] =	ssyncset.done $0x0;
	(pc) =	sbr.rel @p1 .LBB2_2-.Ltmp0, $4  }
0xef: {  	[sflag:s20] =	ssyncadd.s32 $0xFFFFC000  }
0xf0: {  	[spmem:s1] =	stream.indirect.scatter.add.f32 [tilespmem:s14], [sflag:$0x5], $0x80, s15, s11, $0xb8;
	[tilespmem:$0x1C180] =	vst v63  }
0xf1: {  	_ =	swait.ge [sflag:s10], $0x4000  }
0xf2: {  	s30 =	smov.u32 s29;
	[sflag:s10] =	ssyncset.done $0x0  }
0xf3: {  	s0 =	sadd.s32 s28, s8;
	[sflag:s10] =	ssyncadd.s32 $0xFFFFC000  }
0xf4: {  	[tilespmem:s2], [sflag:$0x5] =	stream.linear.gather [hbm4b:s0+s2], $0x400, $0x38;
	[tilespmem:$0x1C180] =	vst v63  }
0xf5: {  	_ =	swait.ge [sflag:s10], $0x400  }
0xf6: {  	[sflag:s10] =	ssyncset.done $0x0  }
0xf7: {  	[sflag:s10] =	ssyncadd.s32 $0xFFFFFC00  }
0xf8: {  	[tilespmem:s12], [sflag:$0x1] =	stream.indirect.gather [hbm4b:s3+s11], $0x80, s2, s11, $0xb8;
	[tilespmem:$0x1C180] =	vst v63  }
0xf9: {  	s28 =	sadd.s32 s28, s7  }
0xfa: {  	[tilespmem:s13], [sflag:$0x3] =	stream.linear.gather [hbm4b:s28+s2], $0x80, $0x38;
	[tilespmem:$0x1C180] =	vst v63  }
0xfb: {  	_ = 	snop  }
0xfc: {  	[tilespmem:s14], [sflag:$0x2] =	stream.indirect.gather [hbm4b:s3+s11], $0x80, s11, s11, $0xb8;
	[tilespmem:$0x1C180] =	vst v63  }
0xfd: {  	s31 =	sadd.s32 $0x10, s28  }
0xfe: {  	[tilespmem:s15], [sflag:$0x4] =	stream.linear.gather [hbm4b:s31+s2], $0x80, $0x38;
	[tilespmem:$0x1C180] =	vst v63  }
0xff: {  	_ =	swait.ge [sflag:s16], $0x80  }
0x100: {  	[sflag:s16] =	ssyncset.done $0x0  }
0x101: {  	[sflag:s16] =	ssyncadd.s32 $0xFFFFFF80  }
0x102: {  	_ =	swait.ge [sflag:s17], $0x4000  }
0x103: {  	[sflag:s17] =	ssyncset.done $0x0  }
0x104: {  	[sflag:s17] =	ssyncadd.s32 $0xFFFFC000  }
0x105: {  	[spmem:s1] =	stream.indirect.scatter.add.f32 [tilespmem:s12], [sflag:$0x5], $0x80, s13, s11, $0xb8;
	[tilespmem:$0x1C180] =	vst v63  }
0x106: {  	_ =	swait.ge [sflag:s10], $0x4000  }
0x107: {  	[sflag:s10] =	ssyncset.done $0x0  }
0x108: {  	[sflag:s10] =	ssyncadd.s32 $0xFFFFC000  }
0x109: {  	[tilespmem:s12], [sflag:$0x1] =	stream.indirect.gather [hbm4b:s3+s11], $0x80, s18, s11, $0xb8;
	[tilespmem:$0x1C180] =	vst v63  }
0x10a: {  	s29 =	sadd.s32 $0x20, s28  }
0x10b: {  	[tilespmem:s13], [sflag:$0x3] =	stream.linear.gather [hbm4b:s29+s2], $0x80, $0x38;
	[tilespmem:$0x1C180] =	vst v63  }
0x10c: {  	_ =	swait.ge [sflag:s19], $0x80  }
0x10d: {  	[sflag:s19] =	ssyncset.done $0x0  }
0x10e: {  	[sflag:s19] =	ssyncadd.s32 $0xFFFFFF80  }
0x10f: {  	_ =	swait.ge [sflag:s20], $0x4000  }
0x110: {  	[sflag:s20] =	ssyncset.done $0x0  }
0x111: {  	[sflag:s20] =	ssyncadd.s32 $0xFFFFC000  }
0x112: {  	[spmem:s1] =	stream.indirect.scatter.add.f32 [tilespmem:s14], [sflag:$0x5], $0x80, s15, s11, $0xb8;
	[tilespmem:$0x1C180] =	vst v63  }
0x113: {  	_ =	swait.ge [sflag:s10], $0x4000  }
0x114: {  	[sflag:s10] =	ssyncset.done $0x0  }
0x115: {  	[sflag:s10] =	ssyncadd.s32 $0xFFFFC000  }
0x116: {  	[tilespmem:s14], [sflag:$0x2] =	stream.indirect.gather [hbm4b:s3+s11], $0x80, s21, s11, $0xb8;
	[tilespmem:$0x1C180] =	vst v63  }
0x117: {  	s30 =	sadd.s32 $0x30, s28  }
0x118: {  	[tilespmem:s15], [sflag:$0x4] =	stream.linear.gather [hbm4b:s30+s2], $0x80, $0x38;
	[tilespmem:$0x1C180] =	vst v63  }
0x119: {  	_ =	swait.ge [sflag:s16], $0x80  }
0x11a: {  	[sflag:s16] =	ssyncset.done $0x0  }
0x11b: {  	[sflag:s16] =	ssyncadd.s32 $0xFFFFFF80  }
0x11c: {  	_ =	swait.ge [sflag:s17], $0x4000  }
0x11d: {  	[sflag:s17] =	ssyncset.done $0x0  }
0x11e: {  	[sflag:s17] =	ssyncadd.s32 $0xFFFFC000  }
0x11f: {  	[spmem:s1] =	stream.indirect.scatter.add.f32 [tilespmem:s12], [sflag:$0x5], $0x80, s13, s11, $0xb8;
	[tilespmem:$0x1C180] =	vst v63  }
0x120: {  	_ =	swait.ge [sflag:s10], $0x4000  }
0x121: {  	[sflag:s10] =	ssyncset.done $0x0  }
0x122: {  	[sflag:s10] =	ssyncadd.s32 $0xFFFFC000  }
0x123: {  	[tilespmem:s12], [sflag:$0x1] =	stream.indirect.gather [hbm4b:s3+s11], $0x80, s22, s11, $0xb8;
	[tilespmem:$0x1C180] =	vst v63  }
0x124: {  	s31 =	sadd.s32 $0x40, s28  }
0x125: {  	[tilespmem:s13], [sflag:$0x3] =	stream.linear.gather [hbm4b:s31+s2], $0x80, $0x38;
	[tilespmem:$0x1C180] =	vst v63  }
0x126: {  	_ =	swait.ge [sflag:s19], $0x80  }
0x127: {  	[sflag:s19] =	ssyncset.done $0x0  }
0x128: {  	[sflag:s19] =	ssyncadd.s32 $0xFFFFFF80  }
0x129: {  	_ =	swait.ge [sflag:s20], $0x4000  }
0x12a: {  	[sflag:s20] =	ssyncset.done $0x0  }
0x12b: {  	[sflag:s20] =	ssyncadd.s32 $0xFFFFC000  }
0x12c: {  	[spmem:s1] =	stream.indirect.scatter.add.f32 [tilespmem:s14], [sflag:$0x5], $0x80, s15, s11, $0xb8;
	[tilespmem:$0x1C180] =	vst v63  }
0x12d: {  	_ =	swait.ge [sflag:s10], $0x4000  }
0x12e: {  	[sflag:s10] =	ssyncset.done $0x0  }
0x12f: {  	[sflag:s10] =	ssyncadd.s32 $0xFFFFC000  }
0x130: {  	[tilespmem:s14], [sflag:$0x2] =	stream.indirect.gather [hbm4b:s3+s11], $0x80, s23, s11, $0xb8;
	[tilespmem:$0x1C180] =	vst v63  }
0x131: {  	s29 =	sadd.s32 $0x50, s28  }
0x132: {  	[tilespmem:s15], [sflag:$0x4] =	stream.linear.gather [hbm4b:s29+s2], $0x80, $0x38;
	[tilespmem:$0x1C180] =	vst v63  }
0x133: {  	_ =	swait.ge [sflag:s16], $0x80  }
0x134: {  	[sflag:s16] =	ssyncset.done $0x0  }
0x135: {  	[sflag:s16] =	ssyncadd.s32 $0xFFFFFF80  }
0x136: {  	_ =	swait.ge [sflag:s17], $0x4000  }
0x137: {  	[sflag:s17] =	ssyncset.done $0x0  }
0x138: {  	[sflag:s17] =	ssyncadd.s32 $0xFFFFC000  }
0x139: {  	[spmem:s1] =	stream.indirect.scatter.add.f32 [tilespmem:s12], [sflag:$0x5], $0x80, s13, s11, $0xb8;
	[tilespmem:$0x1C180] =	vst v63  }
0x13a: {  	_ =	swait.ge [sflag:s10], $0x4000  }
0x13b: {  	[sflag:s10] =	ssyncset.done $0x0  }
0x13c: {  	[sflag:s10] =	ssyncadd.s32 $0xFFFFC000  }
0x13d: {  	[tilespmem:s12], [sflag:$0x1] =	stream.indirect.gather [hbm4b:s3+s11], $0x80, s24, s11, $0xb8;
	[tilespmem:$0x1C180] =	vst v63  }
0x13e: {  	s30 =	sadd.s32 $0x60, s28  }
0x13f: {  	[tilespmem:s13], [sflag:$0x3] =	stream.linear.gather [hbm4b:s30+s2], $0x80, $0x38;
	[tilespmem:$0x1C180] =	vst v63  }
0x140: {  	_ =	swait.ge [sflag:s19], $0x80  }
0x141: {  	[sflag:s19] =	ssyncset.done $0x0  }
0x142: {  	[sflag:s19] =	ssyncadd.s32 $0xFFFFFF80  }
0x143: {  	_ =	swait.ge [sflag:s20], $0x4000  }
0x144: {  	[sflag:s20] =	ssyncset.done $0x0  }
0x145: {  	[sflag:s20] =	ssyncadd.s32 $0xFFFFC000  }
0x146: {  	[spmem:s1] =	stream.indirect.scatter.add.f32 [tilespmem:s14], [sflag:$0x5], $0x80, s15, s11, $0xb8;
	[tilespmem:$0x1C180] =	vst v63  }
0x147: {  	_ =	swait.ge [sflag:s10], $0x4000  }
0x148: {  	[sflag:s10] =	ssyncset.done $0x0  }
0x149: {  	[sflag:s10] =	ssyncadd.s32 $0xFFFFC000  }
0x14a: {  	[tilespmem:s14], [sflag:$0x2] =	stream.indirect.gather [hbm4b:s3+s11], $0x80, s25, s11, $0xb8;
	[tilespmem:$0x1C180] =	vst v63  }
0x14b: {  	s31 =	sadd.s32 $0x70, s28  }
0x14c: {  	[tilespmem:s15], [sflag:$0x4] =	stream.linear.gather [hbm4b:s31+s2], $0x80, $0x38;
	[tilespmem:$0x1C180] =	vst v63  }
0x14d: {  	_ =	swait.ge [sflag:s16], $0x80  }
0x14e: {  	[sflag:s16] =	ssyncset.done $0x0  }
0x14f: {  	[sflag:s16] =	ssyncadd.s32 $0xFFFFFF80  }
0x150: {  	_ =	swait.ge [sflag:s17], $0x4000  }
0x151: {  	[sflag:s17] =	ssyncset.done $0x0  }
0x152: {  	[sflag:s17] =	ssyncadd.s32 $0xFFFFC000  }
0x153: {  	[spmem:s1] =	stream.indirect.scatter.add.f32 [tilespmem:s12], [sflag:$0x5], $0x80, s13, s11, $0xb8;
	[tilespmem:$0x1C180] =	vst v63  }
0x154: {  	_ =	swait.ge [sflag:s10], $0x4000  }
0x155: {  	[sflag:s10] =	ssyncset.done $0x0  }
0x156: {  	[sflag:s10] =	ssyncadd.s32 $0xFFFFC000  }
0x157: {  	_ =	swait.ge [sflag:s19], $0x80  }
0x158: {  	[sflag:s19] =	ssyncset.done $0x0  }
0x159: {  	[sflag:s19] =	ssyncadd.s32 $0xFFFFFF80  }
0x15a: {  	_ =	swait.ge [sflag:s20], $0x4000  }
0x15b: {  	[sflag:s20] =	ssyncset.done $0x0  }
0x15c: {  	[sflag:s20] =	ssyncadd.s32 $0xFFFFC000  }
0x15d: {  	[spmem:s1] =	stream.indirect.scatter.add.f32 [tilespmem:s14], [sflag:$0x5], $0x80, s15, s11, $0xb8;
	[tilespmem:$0x1C180] =	vst v63  }
0x15e: {  	_ =	swait.ge [sflag:s10], $0x4000  }
0x15f: {  	[sflag:s10] =	ssyncset.done $0x0  }
0x160: {  	s26 =	sadd.s32 $0x1, s26;
	[sflag:s10] =	ssyncadd.s32 $0xFFFFC000  }
0x161: {  	s0 =	simm.s32 @!p0 $0x1C05;
	p1 =	sne.s32 s26, s6;
	[bflag:$0x0] =	sbarrier.arrive $0xFFFF  }
0x162: {  	[hbm:s5], [sflag:s0] =	dma.local @!p0 [spmem:s9], $0x27900  }
.Ltmp1:
0x163: {  	_ = 	snop;
	(pc) =	sbr.rel @p1 .LBB2_1-.Ltmp1, $4  }
0x164: {  	s0 =	simm.s32 @!p0 $0x5  }
0x165: {  	_ =	swait.ge @!p0 [sflag:s0], $0x27900  }
0x166: {  	[sflag:s0] =	ssyncset.done @!p0 $0x0  }
0x167: {  	[sflag:s0] =	ssyncadd.s32 @!p0 $0xFFFD8700  }
0x168: {  	_ =	sfence.sel $0x180000  }
0x169: {  	[bflag:$0x0] =	sbarrier.arrive $0xFFFF  }
0x16a: {  	_ =	strace $0x9000004D  }
0x16b: {  	[bflag:$0x2] =	sbarrier.arrive $0xFFFF  }
0x16c: {  	s0 =	rddreg [dreg:$0x2]  }
0x16d: {  	s0 =	sadd.s32 @!p0 $0x100000, s0  }
0x16e: {  	[sflag:s0] =	ssyncadd.tile.s32 @!p0 $0x1;
	_ =	shalt  }
.Lfunc_end2:
_tile_overlayer_lowered:
.L_overlay_start_2:
0x16f: {  	(tag) =	ssettag $0x2  }
0x170: {  	s0 =	rddreg [dreg:$0x0];
	s2 =	stileid.u32  }
0x171: {  	s1 =	rddreg [dreg:$0x1];
	p0 =	sne.s32 s2, $0x0  }
0x172: {  	s3 =	rddreg [dreg:$0x2];
	[bflag:$0x3] =	sbarrier.arrive $0xFFFF;
	s2 =	simm.s32 @!p0 $0x1C05  }
0x173: {  	[timem:s3], [sflag:s2] =	dma.local @!p0 [hbm:s0], s1  }
0x174: {  	s0 =	simm.s32 @!p0 $0x5  }
0x175: {  	_ =	swait.ge @!p0 [sflag:s0], s1  }
0x176: {  	s1 =	ssub.s32 @!p0 $0x0, s1;
	[sflag:s0] =	ssyncset.done @!p0 $0x0  }
0x177: {  	[sflag:s0] =	ssyncadd.s32 @!p0 s1  }
0x178: {  	[bflag:$0x3] =	sbarrier.arrive $0xFFFF  }
0x179: {  	_ =	shalt  }

</sc_bundles>
